<compile_context>
chip_gen: v7x
topology: tpu7x:2x2x1
jax: 0.10.2.dev20260603
libtpu: 0.0.44.dev20260713+nightly
codegen_flags: <defaults>
</compile_context>

<pallas_src>
import functools

import jax
import jax.numpy as jnp
from jax import lax
from jax.experimental import pallas as pl
from jax.experimental.pallas import tpu as pltpu
from jax.experimental.pallas import tpu_sc as plsc

B = 1024
N = 200
D = 64
V = 100000
L = 16
NC = 2
NS = 16
NW = NC * NS
D_PER_W = D // NW
RB = 8
CB = 256
NBLK_C = B // CB
NBLK = (N // RB) * NBLK_C

_mesh = plsc.VectorSubcoreMesh(core_axis_name="c", subcore_axis_name="s")

_cp = pltpu.CompilerParams(
    needs_layout_passes=False,
    use_tc_tiling_on_sc=True,
)


@functools.partial(
    pl.kernel,
    mesh=_mesh,
    compiler_params=_cp,
    out_type=jax.ShapeDtypeStruct((D, 2, N, B), jnp.float32),
    scratch_types=[
        pltpu.VMEM((V,), jnp.float32),
        pltpu.VMEM((RB, CB), jnp.int32),
        pltpu.VMEM((RB, CB), jnp.int32),
        pltpu.VMEM((RB, CB), jnp.float32),
        pltpu.VMEM((RB, CB), jnp.float32),
        pltpu.VMEM((RB, B), jnp.float32),
        pltpu.SemaphoreType.DMA,
        pltpu.SemaphoreType.DMA,
        pltpu.SemaphoreType.DMA,
        pltpu.SemaphoreType.DMA,
        pltpu.SemaphoreType.DMA,
        pltpu.SemaphoreType.DMA,
        pltpu.VMEM_SHARED((N, B), jnp.int32),
        pltpu.SemaphoreType.DMA,
    ],
)
def _sc_embed(idx_hbm, table_hbm, out_hbm, trow, iblk0, iblk1,
              oblk0, oblk1, zblk, isem0, isem1, osem0, osem1, zsem, tsem,
              idx_sh, lsem):
    sid = lax.axis_index("s")
    wid = sid * NC + lax.axis_index("c")

    zeros16 = jnp.zeros((L,), jnp.float32)

    @pl.loop(0, RB)
    def _(r):
        @pl.loop(0, B, step=L)
        def _(c):
            zblk[r, pl.ds(c, L)] = zeros16

    def blk_pos(ii):
        r0 = (ii // NBLK_C) * RB
        c0 = (ii % NBLK_C) * CB
        return r0, c0

    def idx_src(ii):
        r0, c0 = blk_pos(ii)
        return idx_sh.at[pl.ds(r0, RB), pl.ds(c0, CB)]

    slots = ((iblk0, oblk0, isem0, osem0), (iblk1, oblk1, isem1, osem1))

    pltpu.async_copy(table_hbm.at[wid], trow, tsem)

    @pl.when(sid == 0)
    def _():
        pltpu.async_copy(idx_hbm, idx_sh, lsem).wait()

    plsc.subcore_barrier()

    for dd in range(D_PER_W):
        d = wid + NW * dd

        pltpu.make_async_copy(table_hbm.at[0], trow, tsem).wait()

        pltpu.async_copy(idx_src(0), iblk0, isem0)
        pltpu.async_copy(idx_src(1), iblk1, isem1)

        @pl.loop(0, NBLK, step=2)
        def _(i):
            for s, (iblk, oblk, isem, osem) in enumerate(slots):
                ii = i + s
                r0, c0 = blk_pos(ii)
                dst = out_hbm.at[d, 0, pl.ds(r0, RB), pl.ds(c0, CB)]

                pltpu.make_async_copy(idx_src(0), iblk, isem).wait()

                @pl.when(ii >= 2)
                def _():
                    pltpu.make_async_copy(oblk, dst, osem).wait()

                @plsc.parallel_loop(0, CB, step=L, unroll=4)
                def _(c):
                    for r in range(RB):
                        iv = iblk[r, pl.ds(c, L)]
                        oblk[r, pl.ds(c, L)] = plsc.load_gather(trow, [iv])

                pltpu.async_copy(oblk, dst, osem)

                if s == 0:
                    zdst = out_hbm.at[d, 1, pl.ds(r0, RB), :]
                    first_col = (ii % NBLK_C) == 0

                    @pl.when(first_col & (ii >= NBLK_C))
                    def _():
                        pltpu.make_async_copy(zblk, zdst, zsem).wait()

                    @pl.when(first_col)
                    def _():
                        pltpu.async_copy(zblk, zdst, zsem)

                @pl.when(ii + 2 < NBLK)
                def _():
                    pltpu.async_copy(idx_src(ii + 2), iblk, isem)

        if dd + 1 < D_PER_W:
            pltpu.async_copy(table_hbm.at[d + NW], trow, tsem)

        pltpu.make_async_copy(
            oblk0, out_hbm.at[d, 0, pl.ds(0, RB), pl.ds(0, CB)], osem0).wait()
        pltpu.make_async_copy(
            oblk1, out_hbm.at[d, 0, pl.ds(0, RB), pl.ds(0, CB)], osem1).wait()
        pltpu.make_async_copy(
            zblk, out_hbm.at[d, 1, pl.ds(0, RB), :], zsem).wait()


def kernel(atomic_numbers, table):
    idx_t = atomic_numbers.T.astype(jnp.int32)
    table_t = table.T
    out = _sc_embed(idx_t, table_t)
    return jnp.transpose(out, (3, 0, 1, 2)).reshape(B, D, 1, 2, 1, 1, N)

# --- scband reference (transcript-rebuilt; emitter-appended) ---
"""Pipeline reference for scband-atomic-number-embedding-4853313044649 (READ-ONLY COPY).

The authoritative reference and input builder live on the scoring server;
editing this copy changes nothing except your own understanding.
"""

import jax, jax.numpy as jnp
import numpy as np

NUM_SPECIES = 100000
EMBED_DIM = 64
B = 1024
N = 200

def setup_inputs(seed: int = 0) -> dict:
    key = jax.random.key(seed)
    k_idx, k_tab = jax.random.split(key)
    atomic_numbers = jax.random.randint(k_idx, (B, N), 0, NUM_SPECIES, dtype=jnp.int64) if jax.config.jax_enable_x64 else jax.random.randint(k_idx, (B, N), 0, NUM_SPECIES, dtype=jnp.int32)
    table = jax.random.normal(k_tab, (NUM_SPECIES, EMBED_DIM), dtype=jnp.float32)
    return {"atomic_numbers": atomic_numbers, "table": table}

def reference(atomic_numbers, table):
    # Faithful translation of AtomicNumberEmbedding.forward up to the point
    # where the (undefined) SO3vecArr wrapper would be constructed; we return
    # the underlying feature tensor.
    assert atomic_numbers.ndim >= 2
    # features = embedding(atomic_numbers): gather rows of the table
    features = jnp.take(table, atomic_numbers, axis=0)  # [B, N, D]
    # reshape(old_shape + (D,)) is a no-op here, then transpose(-2, -1)
    features = jnp.swapaxes(features, -2, -1)  # [B, D, N]
    # three unsqueeze(-2) calls
    features = jnp.expand_dims(features, -2)  # [B, D, 1, N]
    features = jnp.expand_dims(features, -2)  # [B, D, 1, 1, N]
    features = jnp.expand_dims(features, -2)  # [B, D, 1, 1, 1, N]
    # torch.stack(features, torch.zeros(features.size()), dim=-4) intent:
    # stack features with a zero tensor along the parity dimension.
    features = jnp.stack([features, jnp.zeros_like(features)], axis=-4)
    # -> [B, D, 1, 2, 1, 1, N]
    return features

if __name__ == "__main__":
    import jax
    _d = setup_inputs()
    print(jax.jit(kernel)(*tuple(_d.values())))

</pallas_src>

<mosaic_0001>
#map = affine_map<(d0, d1) -> (0, 0)>
#map1 = affine_map<(d0, d1) -> (0, 0, 0, 0)>
module attributes {stable_mosaic.version = 14 : i64} {
  func.func @_sc_embed(%arg0: i32, %arg1: i32, %arg2: memref<200x1024xi32, #tpu.memory_space<hbm>>, %arg3: memref<64x100000xf32, #tpu.memory_space<hbm>>, %arg4: memref<64x2x200x1024xf32, #tpu.memory_space<hbm>>, %arg5: memref<100000xf32, #tpu.memory_space<vmem>>, %arg6: memref<8x256xi32, #tpu.memory_space<vmem>>, %arg7: memref<8x256xi32, #tpu.memory_space<vmem>>, %arg8: memref<8x256xf32, #tpu.memory_space<vmem>>, %arg9: memref<8x256xf32, #tpu.memory_space<vmem>>, %arg10: memref<8x1024xf32, #tpu.memory_space<vmem>>, %arg11: memref<!tpu.dma_semaphore, #tpu.memory_space<semaphore_mem>>, %arg12: memref<!tpu.dma_semaphore, #tpu.memory_space<semaphore_mem>>, %arg13: memref<!tpu.dma_semaphore, #tpu.memory_space<semaphore_mem>>, %arg14: memref<!tpu.dma_semaphore, #tpu.memory_space<semaphore_mem>>, %arg15: memref<!tpu.dma_semaphore, #tpu.memory_space<semaphore_mem>>, %arg16: memref<!tpu.dma_semaphore, #tpu.memory_space<semaphore_mem>>, %arg17: memref<200x1024xi32, #tpu.memory_space<vmem_shared>>, %arg18: memref<!tpu.dma_semaphore, #tpu.memory_space<semaphore_mem>>) attributes {dimension_semantics = [#tpu.dimension_semantics<core_parallel>, #tpu.dimension_semantics<subcore_parallel>], iteration_bounds = array<i64: 2, 16>, scalar_prefetch = 0 : i64, scratch_operands = 14 : i64, tpu.core_type = #tpu.core_type<sc_vector_subcore>, window_params = [{transform_indices = #map}, {transform_indices = #map}, {transform_indices = #map1}]} {
    %mul3A = arith.constant 2 : i32
    %mul3A_0 = arith.muli %arg1, %mul3A : i32
    %add3A = arith.addi %mul3A_0, %arg0 : i32
    %broadcast_in_dim3A = arith.constant 0.000000e+00 : f32
    %broadcast_in_dim3A_1 = vector.broadcast %broadcast_in_dim3A : f32 to vector<16xf32>
    %scan3A = arith.constant 0 : i32
    %scan3A_2 = arith.constant 8 : i32
    %scan3A_3 = arith.addi %scan3A, %scan3A_2 : i32
    %scan3A_4 = arith.constant 1 : i32
    scf.for %scan3A_126 = %scan3A to %scan3A_3 step %scan3A_4  : i32 {
      %mul3A_127 = arith.constant 1 : i32
      %mul3A_128 = arith.muli %scan3A_126, %mul3A_127 : i32
      %add3A_129 = arith.constant 0 : i32
      %add3A_130 = arith.addi %add3A_129, %mul3A_128 : i32
      %scan3A_131 = arith.constant 0 : i32
      %scan3A_132 = arith.constant 64 : i32
      %scan3A_133 = arith.addi %scan3A_131, %scan3A_132 : i32
      %scan3A_134 = arith.constant 1 : i32
      scf.for %scan3A_136 = %scan3A_131 to %scan3A_133 step %scan3A_134  : i32 {
        %mul3A_137 = arith.constant 16 : i32
        %mul3A_138 = arith.muli %scan3A_136, %mul3A_137 : i32
        %add3A_139 = arith.constant 0 : i32
        %add3A_140 = arith.addi %add3A_139, %mul3A_138 : i32
        %swap3A = arith.index_cast %add3A_130 : i32 to index
        %swap3A_141 = arith.index_cast %add3A_140 : i32 to index
        %swap3A_142 = tpu.vector_load %arg10[%swap3A, %swap3A_141] {strides = array<i32>} : memref<8x1024xf32, #tpu.memory_space<vmem>>, vector<16xf32>,
        tpu.vector_store %arg10[%swap3A, %swap3A_141], %broadcast_in_dim3A_1 {strides = array<i32>} : memref<8x1024xf32, #tpu.memory_space<vmem>>, vector<16xf32>,
      }
      %scan3A_135 = arith.constant 64 : i32
    }
    %scan3A_5 = arith.constant 8 : i32
    %dma_start3A = arith.constant 0 : i32
    %dma_start3A_6 = tpu.memref_slice %arg3[%add3A, %dma_start3A] : memref<64x100000xf32, #tpu.memory_space<hbm>> -> memref<1x100000xf32, #tpu.memory_space<hbm>>
    %dma_start3A_7 = tpu.memref_squeeze %dma_start3A_6 : memref<1x100000xf32, #tpu.memory_space<hbm>> -> memref<100000xf32, #tpu.memory_space<hbm>>
    %dma_start3A_8 = arith.constant 0 : i32
    %dma_start3A_9 = tpu.memref_slice %arg3[%add3A, %dma_start3A_8] : memref<64x100000xf32, #tpu.memory_space<hbm>> -> memref<1x100000xf32, #tpu.memory_space<hbm>>
    %dma_start3A_10 = tpu.memref_squeeze %dma_start3A_9 : memref<1x100000xf32, #tpu.memory_space<hbm>> -> memref<100000xf32, #tpu.memory_space<hbm>>
    tpu.enqueue_dma source(%dma_start3A_10 : memref<100000xf32, #tpu.memory_space<hbm>>) target(%arg5 : memref<100000xf32, #tpu.memory_space<vmem>>) target_semaphore(%arg16 : memref<!tpu.dma_semaphore, #tpu.memory_space<semaphore_mem>>)
    %eq3A = arith.constant 0 : i32
    %eq3A_11 = arith.cmpi eq, %arg1, %eq3A : i32
    %convert_element_type3A = arith.extui %eq3A_11 : i1 to i32
    %cond3A = arith.constant 0 : i32
    %cond3A_12 = arith.cmpi ne, %convert_element_type3A, %cond3A : i32
    scf.if %cond3A_12 {
      tpu.enqueue_dma source(%arg2 : memref<200x1024xi32, #tpu.memory_space<hbm>>) target(%arg17 : memref<200x1024xi32, #tpu.memory_space<vmem_shared>>) target_semaphore(%arg18 : memref<!tpu.dma_semaphore, #tpu.memory_space<semaphore_mem>>)
      tpu.wait_dma2 semaphore(%arg18 : memref<!tpu.dma_semaphore, #tpu.memory_space<semaphore_mem>>) src(%arg2 : memref<200x1024xi32, #tpu.memory_space<hbm>>) dst(%arg17 : memref<200x1024xi32, #tpu.memory_space<vmem_shared>>)
    } else {
    }
    %barrier3A = arith.constant 0 : index
    tpu.barrier barrier_id(%barrier3A)
    %add3A_13 = arith.constant 0 : i32
    %add3A_14 = arith.addi %add3A, %add3A_13 : i32
    %dma_wait3A = arith.constant 0 : i32
    %dma_wait3A_15 = arith.constant 0 : i32
    %dma_wait3A_16 = tpu.memref_slice %arg3[%dma_wait3A, %dma_wait3A_15] : memref<64x100000xf32, #tpu.memory_space<hbm>> -> memref<1x100000xf32, #tpu.memory_space<hbm>>
    %dma_wait3A_17 = tpu.memref_squeeze %dma_wait3A_16 : memref<1x100000xf32, #tpu.memory_space<hbm>> -> memref<100000xf32, #tpu.memory_space<hbm>>
    %dma_wait3A_18 = arith.constant 0 : i32
    %dma_wait3A_19 = tpu.memref_slice %arg3[%dma_wait3A, %dma_wait3A_18] : memref<64x100000xf32, #tpu.memory_space<hbm>> -> memref<1x100000xf32, #tpu.memory_space<hbm>>
    %dma_wait3A_20 = tpu.memref_squeeze %dma_wait3A_19 : memref<1x100000xf32, #tpu.memory_space<hbm>> -> memref<100000xf32, #tpu.memory_space<hbm>>
    tpu.wait_dma2 semaphore(%arg16 : memref<!tpu.dma_semaphore, #tpu.memory_space<semaphore_mem>>) src(%dma_wait3A_20 : memref<100000xf32, #tpu.memory_space<hbm>>) dst(%arg5 : memref<100000xf32, #tpu.memory_space<vmem>>)
    %dma_start3A_21 = arith.constant 0 : i32
    %dma_start3A_22 = arith.constant 0 : i32
    %dma_start3A_23 = tpu.memref_slice %arg17[%dma_start3A_21, %dma_start3A_22] : memref<200x1024xi32, #tpu.memory_space<vmem_shared>> -> memref<8x256xi32, #tpu.memory_space<vmem_shared>>
    %dma_start3A_24 = arith.constant 0 : i32
    %dma_start3A_25 = arith.constant 0 : i32
    %dma_start3A_26 = tpu.memref_slice %arg17[%dma_start3A_24, %dma_start3A_25] : memref<200x1024xi32, #tpu.memory_space<vmem_shared>> -> memref<8x256xi32, #tpu.memory_space<vmem_shared>>
    tpu.enqueue_dma source(%dma_start3A_26 : memref<8x256xi32, #tpu.memory_space<vmem_shared>>) target(%arg6 : memref<8x256xi32, #tpu.memory_space<vmem>>) target_semaphore(%arg11 : memref<!tpu.dma_semaphore, #tpu.memory_space<semaphore_mem>>)
    %dma_start3A_27 = arith.constant 0 : i32
    %dma_start3A_28 = arith.constant 256 : i32
    %dma_start3A_29 = tpu.memref_slice %arg17[%dma_start3A_27, %dma_start3A_28] : memref<200x1024xi32, #tpu.memory_space<vmem_shared>> -> memref<8x256xi32, #tpu.memory_space<vmem_shared>>
    %dma_start3A_30 = arith.constant 0 : i32
    %dma_start3A_31 = arith.constant 256 : i32
    %dma_start3A_32 = tpu.memref_slice %arg17[%dma_start3A_30, %dma_start3A_31] : memref<200x1024xi32, #tpu.memory_space<vmem_shared>> -> memref<8x256xi32, #tpu.memory_space<vmem_shared>>
    tpu.enqueue_dma source(%dma_start3A_32 : memref<8x256xi32, #tpu.memory_space<vmem_shared>>) target(%arg7 : memref<8x256xi32, #tpu.memory_space<vmem>>) target_semaphore(%arg12 : memref<!tpu.dma_semaphore, #tpu.memory_space<semaphore_mem>>)
    %scan3A_33 = arith.constant 0 : i32
    %scan3A_34 = arith.constant 50 : i32
    %scan3A_35 = arith.addi %scan3A_33, %scan3A_34 : i32
    %scan3A_36 = arith.constant 1 : i32
    scf.for %scan3A_126 = %scan3A_33 to %scan3A_35 step %scan3A_36  : i32 {
      %mul3A_127 = arith.constant 2 : i32
      %mul3A_128 = arith.muli %scan3A_126, %mul3A_127 : i32
      %add3A_129 = arith.constant 0 : i32
      %add3A_130 = arith.addi %add3A_129, %mul3A_128 : i32
      %add3A_131 = arith.constant 0 : i32
      %add3A_132 = arith.addi %add3A_130, %add3A_131 : i32
      %jit3A = arith.constant 4 : i32
      %div3A = arith.divsi %add3A_132, %jit3A : i32
      %sign3A = arith.constant 0 : i32
      %sign3A_133 = arith.cmpi sgt, %add3A_132, %sign3A : i32
      %sign3A_134 = arith.extui %sign3A_133 : i1 to i32
      %sign3A_135 = arith.constant 0 : i32
      %sign3A_136 = arith.cmpi slt, %add3A_132, %sign3A_135 : i32
      %sign3A_137 = arith.extui %sign3A_136 : i1 to i32
      %sign3A_138 = arith.subi %sign3A_134, %sign3A_137 : i32
      %sign3A_139 = arith.constant 0 : i32
      %sign3A_140 = arith.cmpi sgt, %jit3A, %sign3A_139 : i32
      %sign3A_141 = arith.extui %sign3A_140 : i1 to i32
      %sign3A_142 = arith.constant 0 : i32
      %sign3A_143 = arith.cmpi slt, %jit3A, %sign3A_142 : i32
      %sign3A_144 = arith.extui %sign3A_143 : i1 to i32
      %sign3A_145 = arith.subi %sign3A_141, %sign3A_144 : i32
      %ne3A = arith.cmpi ne, %sign3A_138, %sign3A_145 : i32
      %rem3A = arith.remsi %add3A_132, %jit3A : i32
      %ne3A_146 = arith.constant 0 : i32
      %ne3A_147 = arith.cmpi ne, %rem3A, %ne3A_146 : i32
      %and3A = arith.andi %ne3A, %ne3A_147 : i1
      %sub3A = arith.constant 1 : i32
      %sub3A_148 = arith.subi %div3A, %sub3A : i32
      %select_n3A = arith.select %and3A, %sub3A_148, %div3A : i32
      %mul3A_149 = arith.constant 8 : i32
      %mul3A_150 = arith.muli %select_n3A, %mul3A_149 : i32
      %jit3A_151 = arith.constant 4 : i32
      %eq3A_152 = arith.constant 0 : i32
      %eq3A_153 = arith.cmpi eq, %jit3A_151, %eq3A_152 : i32
      %jit3A_154 = arith.constant 1 : i32
      %select_n3A_155 = arith.select %eq3A_153, %jit3A_154, %jit3A_151 : i32
      %rem3A_156 = arith.remsi %add3A_132, %select_n3A_155 : i32
      %ne3A_157 = arith.constant 0 : i32
      %ne3A_158 = arith.cmpi ne, %rem3A_156, %ne3A_157 : i32
      %lt3A = arith.constant 0 : i32
      %lt3A_159 = arith.cmpi slt, %rem3A_156, %lt3A : i32
      %lt3A_160 = arith.constant 0 : i32
      %lt3A_161 = arith.cmpi slt, %select_n3A_155, %lt3A_160 : i32
      %ne3A_162 = arith.xori %lt3A_159, %lt3A_161 : i1
      %and3A_163 = arith.andi %ne3A_162, %ne3A_158 : i1
      %add3A_164 = arith.addi %rem3A_156, %select_n3A_155 : i32
      %select_n3A_165 = arith.select %and3A_163, %add3A_164, %rem3A_156 : i32
      %mul3A_166 = arith.constant 256 : i32
      %mul3A_167 = arith.muli %select_n3A_165, %mul3A_166 : i32
      %dma_wait3A_168 = arith.constant 0 : i32
      %dma_wait3A_169 = arith.constant 0 : i32
      %dma_wait3A_170 = tpu.memref_slice %arg17[%dma_wait3A_168, %dma_wait3A_169] : memref<200x1024xi32, #tpu.memory_space<vmem_shared>> -> memref<8x256xi32, #tpu.memory_space<vmem_shared>>
      %dma_wait3A_171 = arith.constant 0 : i32
      %dma_wait3A_172 = arith.constant 0 : i32
      %dma_wait3A_173 = tpu.memref_slice %arg17[%dma_wait3A_171, %dma_wait3A_172] : memref<200x1024xi32, #tpu.memory_space<vmem_shared>> -> memref<8x256xi32, #tpu.memory_space<vmem_shared>>
      tpu.wait_dma2 semaphore(%arg11 : memref<!tpu.dma_semaphore, #tpu.memory_space<semaphore_mem>>) src(%dma_wait3A_173 : memref<8x256xi32, #tpu.memory_space<vmem_shared>>) dst(%arg6 : memref<8x256xi32, #tpu.memory_space<vmem>>)
      %ge3A = arith.constant 2 : i32
      %ge3A_174 = arith.cmpi sge, %add3A_132, %ge3A : i32
      %convert_element_type3A_175 = arith.extui %ge3A_174 : i1 to i32
      %cond3A_176 = arith.constant 0 : i32
      %cond3A_177 = arith.constant 0 : i32
      %cond3A_178 = arith.cmpi ne, %convert_element_type3A_175, %cond3A_177 : i32
      scf.if %cond3A_178 {
        %dma_wait3A_295 = tpu.memref_slice %arg4[%add3A_14, %cond3A_176, %mul3A_150, %mul3A_167] : memref<64x2x200x1024xf32, #tpu.memory_space<hbm>> -> memref<1x1x8x256xf32, #tpu.memory_space<hbm>>
        %dma_wait3A_296 = tpu.memref_squeeze %dma_wait3A_295 : memref<1x1x8x256xf32, #tpu.memory_space<hbm>> -> memref<8x256xf32, #tpu.memory_space<hbm>>
        %dma_wait3A_297 = tpu.memref_slice %arg4[%add3A_14, %cond3A_176, %mul3A_150, %mul3A_167] : memref<64x2x200x1024xf32, #tpu.memory_space<hbm>> -> memref<1x1x8x256xf32, #tpu.memory_space<hbm>>
        %dma_wait3A_298 = tpu.memref_squeeze %dma_wait3A_297 : memref<1x1x8x256xf32, #tpu.memory_space<hbm>> -> memref<8x256xf32, #tpu.memory_space<hbm>>
        tpu.wait_dma2 semaphore(%arg13 : memref<!tpu.dma_semaphore, #tpu.memory_space<semaphore_mem>>) src(%arg8 : memref<8x256xf32, #tpu.memory_space<vmem>>) dst(%dma_wait3A_298 : memref<8x256xf32, #tpu.memory_space<hbm>>)
      } else {
      }
      %parallel_loop3A = arith.constant 0 : i32
      %parallel_loop3A_179 = arith.constant 256 : i32
      %parallel_loop3A_180 = arith.constant 16 : i32
      scf.for %parallel_loop3A_295 = %parallel_loop3A to %parallel_loop3A_179 step %parallel_loop3A_180  : i32 {
        %parallel_loop3A_296 = arith.constant 0 : i32
        %parallel_loop3A_297 = arith.index_cast %parallel_loop3A_296 : i32 to index
        %parallel_loop3A_298 = arith.index_cast %parallel_loop3A_295 : i32 to index
        %parallel_loop3A_299 = tpu.vector_load %arg6[%parallel_loop3A_297, %parallel_loop3A_298] {strides = array<i32>} : memref<8x256xi32, #tpu.memory_space<vmem>>, vector<16xi32>,
        %parallel_loop3A_300 = tpu.vector_load_idx %arg5[%parallel_loop3A_299] : memref<100000xf32, #tpu.memory_space<vmem>>[vector<16xi32>], vector<16xf32>,
        %parallel_loop3A_301 = arith.constant 0 : i32
        %parallel_loop3A_302 = arith.index_cast %parallel_loop3A_301 : i32 to index
        %parallel_loop3A_303 = arith.index_cast %parallel_loop3A_295 : i32 to index
        %parallel_loop3A_304 = tpu.vector_load %arg8[%parallel_loop3A_302, %parallel_loop3A_303] {strides = array<i32>} : memref<8x256xf32, #tpu.memory_space<vmem>>, vector<16xf32>,
        tpu.vector_store %arg8[%parallel_loop3A_302, %parallel_loop3A_303], %parallel_loop3A_300 {strides = array<i32>} : memref<8x256xf32, #tpu.memory_space<vmem>>, vector<16xf32>,
        %parallel_loop3A_305 = arith.constant 1 : i32
        %parallel_loop3A_306 = arith.index_cast %parallel_loop3A_305 : i32 to index
        %parallel_loop3A_307 = arith.index_cast %parallel_loop3A_295 : i32 to index
        %parallel_loop3A_308 = tpu.vector_load %arg6[%parallel_loop3A_306, %parallel_loop3A_307] {strides = array<i32>} : memref<8x256xi32, #tpu.memory_space<vmem>>, vector<16xi32>,
        %parallel_loop3A_309 = tpu.vector_load_idx %arg5[%parallel_loop3A_308] : memref<100000xf32, #tpu.memory_space<vmem>>[vector<16xi32>], vector<16xf32>,
        %parallel_loop3A_310 = arith.constant 1 : i32
        %parallel_loop3A_311 = arith.index_cast %parallel_loop3A_310 : i32 to index
        %parallel_loop3A_312 = arith.index_cast %parallel_loop3A_295 : i32 to index
        %parallel_loop3A_313 = tpu.vector_load %arg8[%parallel_loop3A_311, %parallel_loop3A_312] {strides = array<i32>} : memref<8x256xf32, #tpu.memory_space<vmem>>, vector<16xf32>,
        tpu.vector_store %arg8[%parallel_loop3A_311, %parallel_loop3A_312], %parallel_loop3A_309 {strides = array<i32>} : memref<8x256xf32, #tpu.memory_space<vmem>>, vector<16xf32>,
        %parallel_loop3A_314 = arith.constant 2 : i32
        %parallel_loop3A_315 = arith.index_cast %parallel_loop3A_314 : i32 to index
        %parallel_loop3A_316 = arith.index_cast %parallel_loop3A_295 : i32 to index
        %parallel_loop3A_317 = tpu.vector_load %arg6[%parallel_loop3A_315, %parallel_loop3A_316] {strides = array<i32>} : memref<8x256xi32, #tpu.memory_space<vmem>>, vector<16xi32>,
        %parallel_loop3A_318 = tpu.vector_load_idx %arg5[%parallel_loop3A_317] : memref<100000xf32, #tpu.memory_space<vmem>>[vector<16xi32>], vector<16xf32>,
        %parallel_loop3A_319 = arith.constant 2 : i32
        %parallel_loop3A_320 = arith.index_cast %parallel_loop3A_319 : i32 to index
        %parallel_loop3A_321 = arith.index_cast %parallel_loop3A_295 : i32 to index
        %parallel_loop3A_322 = tpu.vector_load %arg8[%parallel_loop3A_320, %parallel_loop3A_321] {strides = array<i32>} : memref<8x256xf32, #tpu.memory_space<vmem>>, vector<16xf32>,
        tpu.vector_store %arg8[%parallel_loop3A_320, %parallel_loop3A_321], %parallel_loop3A_318 {strides = array<i32>} : memref<8x256xf32, #tpu.memory_space<vmem>>, vector<16xf32>,
        %parallel_loop3A_323 = arith.constant 3 : i32
        %parallel_loop3A_324 = arith.index_cast %parallel_loop3A_323 : i32 to index
        %parallel_loop3A_325 = arith.index_cast %parallel_loop3A_295 : i32 to index
        %parallel_loop3A_326 = tpu.vector_load %arg6[%parallel_loop3A_324, %parallel_loop3A_325] {strides = array<i32>} : memref<8x256xi32, #tpu.memory_space<vmem>>, vector<16xi32>,
        %parallel_loop3A_327 = tpu.vector_load_idx %arg5[%parallel_loop3A_326] : memref<100000xf32, #tpu.memory_space<vmem>>[vector<16xi32>], vector<16xf32>,
        %parallel_loop3A_328 = arith.constant 3 : i32
        %parallel_loop3A_329 = arith.index_cast %parallel_loop3A_328 : i32 to index
        %parallel_loop3A_330 = arith.index_cast %parallel_loop3A_295 : i32 to index
        %parallel_loop3A_331 = tpu.vector_load %arg8[%parallel_loop3A_329, %parallel_loop3A_330] {strides = array<i32>} : memref<8x256xf32, #tpu.memory_space<vmem>>, vector<16xf32>,
        tpu.vector_store %arg8[%parallel_loop3A_329, %parallel_loop3A_330], %parallel_loop3A_327 {strides = array<i32>} : memref<8x256xf32, #tpu.memory_space<vmem>>, vector<16xf32>,
        %parallel_loop3A_332 = arith.constant 4 : i32
        %parallel_loop3A_333 = arith.index_cast %parallel_loop3A_332 : i32 to index
        %parallel_loop3A_334 = arith.index_cast %parallel_loop3A_295 : i32 to index
        %parallel_loop3A_335 = tpu.vector_load %arg6[%parallel_loop3A_333, %parallel_loop3A_334] {strides = array<i32>} : memref<8x256xi32, #tpu.memory_space<vmem>>, vector<16xi32>,
        %parallel_loop3A_336 = tpu.vector_load_idx %arg5[%parallel_loop3A_335] : memref<100000xf32, #tpu.memory_space<vmem>>[vector<16xi32>], vector<16xf32>,
        %parallel_loop3A_337 = arith.constant 4 : i32
        %parallel_loop3A_338 = arith.index_cast %parallel_loop3A_337 : i32 to index
        %parallel_loop3A_339 = arith.index_cast %parallel_loop3A_295 : i32 to index
        %parallel_loop3A_340 = tpu.vector_load %arg8[%parallel_loop3A_338, %parallel_loop3A_339] {strides = array<i32>} : memref<8x256xf32, #tpu.memory_space<vmem>>, vector<16xf32>,
        tpu.vector_store %arg8[%parallel_loop3A_338, %parallel_loop3A_339], %parallel_loop3A_336 {strides = array<i32>} : memref<8x256xf32, #tpu.memory_space<vmem>>, vector<16xf32>,
        %parallel_loop3A_341 = arith.constant 5 : i32
        %parallel_loop3A_342 = arith.index_cast %parallel_loop3A_341 : i32 to index
        %parallel_loop3A_343 = arith.index_cast %parallel_loop3A_295 : i32 to index
        %parallel_loop3A_344 = tpu.vector_load %arg6[%parallel_loop3A_342, %parallel_loop3A_343] {strides = array<i32>} : memref<8x256xi32, #tpu.memory_space<vmem>>, vector<16xi32>,
        %parallel_loop3A_345 = tpu.vector_load_idx %arg5[%parallel_loop3A_344] : memref<100000xf32, #tpu.memory_space<vmem>>[vector<16xi32>], vector<16xf32>,
        %parallel_loop3A_346 = arith.constant 5 : i32
        %parallel_loop3A_347 = arith.index_cast %parallel_loop3A_346 : i32 to index
        %parallel_loop3A_348 = arith.index_cast %parallel_loop3A_295 : i32 to index
        %parallel_loop3A_349 = tpu.vector_load %arg8[%parallel_loop3A_347, %parallel_loop3A_348] {strides = array<i32>} : memref<8x256xf32, #tpu.memory_space<vmem>>, vector<16xf32>,
        tpu.vector_store %arg8[%parallel_loop3A_347, %parallel_loop3A_348], %parallel_loop3A_345 {strides = array<i32>} : memref<8x256xf32, #tpu.memory_space<vmem>>, vector<16xf32>,
        %parallel_loop3A_350 = arith.constant 6 : i32
        %parallel_loop3A_351 = arith.index_cast %parallel_loop3A_350 : i32 to index
        %parallel_loop3A_352 = arith.index_cast %parallel_loop3A_295 : i32 to index
        %parallel_loop3A_353 = tpu.vector_load %arg6[%parallel_loop3A_351, %parallel_loop3A_352] {strides = array<i32>} : memref<8x256xi32, #tpu.memory_space<vmem>>, vector<16xi32>,
        %parallel_loop3A_354 = tpu.vector_load_idx %arg5[%parallel_loop3A_353] : memref<100000xf32, #tpu.memory_space<vmem>>[vector<16xi32>], vector<16xf32>,
        %parallel_loop3A_355 = arith.constant 6 : i32
        %parallel_loop3A_356 = arith.index_cast %parallel_loop3A_355 : i32 to index
        %parallel_loop3A_357 = arith.index_cast %parallel_loop3A_295 : i32 to index
        %parallel_loop3A_358 = tpu.vector_load %arg8[%parallel_loop3A_356, %parallel_loop3A_357] {strides = array<i32>} : memref<8x256xf32, #tpu.memory_space<vmem>>, vector<16xf32>,
        tpu.vector_store %arg8[%parallel_loop3A_356, %parallel_loop3A_357], %parallel_loop3A_354 {strides = array<i32>} : memref<8x256xf32, #tpu.memory_space<vmem>>, vector<16xf32>,
        %parallel_loop3A_359 = arith.constant 7 : i32
        %parallel_loop3A_360 = arith.index_cast %parallel_loop3A_359 : i32 to index
        %parallel_loop3A_361 = arith.index_cast %parallel_loop3A_295 : i32 to index
        %parallel_loop3A_362 = tpu.vector_load %arg6[%parallel_loop3A_360, %parallel_loop3A_361] {strides = array<i32>} : memref<8x256xi32, #tpu.memory_space<vmem>>, vector<16xi32>,
        %parallel_loop3A_363 = tpu.vector_load_idx %arg5[%parallel_loop3A_362] : memref<100000xf32, #tpu.memory_space<vmem>>[vector<16xi32>], vector<16xf32>,
        %parallel_loop3A_364 = arith.constant 7 : i32
        %parallel_loop3A_365 = arith.index_cast %parallel_loop3A_364 : i32 to index
        %parallel_loop3A_366 = arith.index_cast %parallel_loop3A_295 : i32 to index
        %parallel_loop3A_367 = tpu.vector_load %arg8[%parallel_loop3A_365, %parallel_loop3A_366] {strides = array<i32>} : memref<8x256xf32, #tpu.memory_space<vmem>>, vector<16xf32>,
        tpu.vector_store %arg8[%parallel_loop3A_365, %parallel_loop3A_366], %parallel_loop3A_363 {strides = array<i32>} : memref<8x256xf32, #tpu.memory_space<vmem>>, vector<16xf32>,
      } {sc.loop_unroll_factor = 4 : i64, sc.parallel_access}
      %dma_start3A_181 = arith.constant 0 : i32
      %dma_start3A_182 = tpu.memref_slice %arg4[%add3A_14, %dma_start3A_181, %mul3A_150, %mul3A_167] : memref<64x2x200x1024xf32, #tpu.memory_space<hbm>> -> memref<1x1x8x256xf32, #tpu.memory_space<hbm>>
      %dma_start3A_183 = tpu.memref_squeeze %dma_start3A_182 : memref<1x1x8x256xf32, #tpu.memory_space<hbm>> -> memref<8x256xf32, #tpu.memory_space<hbm>>
      %dma_start3A_184 = tpu.memref_slice %arg4[%add3A_14, %dma_start3A_181, %mul3A_150, %mul3A_167] : memref<64x2x200x1024xf32, #tpu.memory_space<hbm>> -> memref<1x1x8x256xf32, #tpu.memory_space<hbm>>
      %dma_start3A_185 = tpu.memref_squeeze %dma_start3A_184 : memref<1x1x8x256xf32, #tpu.memory_space<hbm>> -> memref<8x256xf32, #tpu.memory_space<hbm>>
      tpu.enqueue_dma source(%arg8 : memref<8x256xf32, #tpu.memory_space<vmem>>) target(%dma_start3A_185 : memref<8x256xf32, #tpu.memory_space<hbm>>) target_semaphore(%arg13 : memref<!tpu.dma_semaphore, #tpu.memory_space<semaphore_mem>>)
      %jit3A_186 = arith.constant 4 : i32
      %eq3A_187 = arith.constant 0 : i32
      %eq3A_188 = arith.cmpi eq, %jit3A_186, %eq3A_187 : i32
      %jit3A_189 = arith.constant 1 : i32
      %select_n3A_190 = arith.select %eq3A_188, %jit3A_189, %jit3A_186 : i32
      %rem3A_191 = arith.remsi %add3A_132, %select_n3A_190 : i32
      %ne3A_192 = arith.constant 0 : i32
      %ne3A_193 = arith.cmpi ne, %rem3A_191, %ne3A_192 : i32
      %lt3A_194 = arith.constant 0 : i32
      %lt3A_195 = arith.cmpi slt, %rem3A_191, %lt3A_194 : i32
      %lt3A_196 = arith.constant 0 : i32
      %lt3A_197 = arith.cmpi slt, %select_n3A_190, %lt3A_196 : i32
      %ne3A_198 = arith.xori %lt3A_195, %lt3A_197 : i1
      %and3A_199 = arith.andi %ne3A_198, %ne3A_193 : i1
      %add3A_200 = arith.addi %rem3A_191, %select_n3A_190 : i32
      %select_n3A_201 = arith.select %and3A_199, %add3A_200, %rem3A_191 : i32
      %eq3A_202 = arith.constant 0 : i32
      %eq3A_203 = arith.cmpi eq, %select_n3A_201, %eq3A_202 : i32
      %ge3A_204 = arith.constant 4 : i32
      %ge3A_205 = arith.cmpi sge, %add3A_132, %ge3A_204 : i32
      %and3A_206 = arith.andi %eq3A_203, %ge3A_205 : i1
      %convert_element_type3A_207 = arith.extui %and3A_206 : i1 to i32
      %cond3A_208 = arith.constant 1 : i32
      %cond3A_209 = arith.constant 0 : i32
      %cond3A_210 = arith.cmpi ne, %convert_element_type3A_207, %cond3A_209 : i32
      scf.if %cond3A_210 {
        %dma_wait3A_295 = arith.constant 0 : i32
        %dma_wait3A_296 = tpu.memref_slice %arg4[%add3A_14, %cond3A_208, %mul3A_150, %dma_wait3A_295] : memref<64x2x200x1024xf32, #tpu.memory_space<hbm>> -> memref<1x1x8x1024xf32, #tpu.memory_space<hbm>>
        %dma_wait3A_297 = tpu.memref_squeeze %dma_wait3A_296 : memref<1x1x8x1024xf32, #tpu.memory_space<hbm>> -> memref<8x1024xf32, #tpu.memory_space<hbm>>
        %dma_wait3A_298 = arith.constant 0 : i32
        %dma_wait3A_299 = tpu.memref_slice %arg4[%add3A_14, %cond3A_208, %mul3A_150, %dma_wait3A_298] : memref<64x2x200x1024xf32, #tpu.memory_space<hbm>> -> memref<1x1x8x1024xf32, #tpu.memory_space<hbm>>
        %dma_wait3A_300 = tpu.memref_squeeze %dma_wait3A_299 : memref<1x1x8x1024xf32, #tpu.memory_space<hbm>> -> memref<8x1024xf32, #tpu.memory_space<hbm>>
        tpu.wait_dma2 semaphore(%arg15 : memref<!tpu.dma_semaphore, #tpu.memory_space<semaphore_mem>>) src(%arg10 : memref<8x1024xf32, #tpu.memory_space<vmem>>) dst(%dma_wait3A_300 : memref<8x1024xf32, #tpu.memory_space<hbm>>)
      } else {
      }
      %convert_element_type3A_211 = arith.extui %eq3A_203 : i1 to i32
      %cond3A_212 = arith.constant 1 : i32
      %cond3A_213 = arith.constant 0 : i32
      %cond3A_214 = arith.cmpi ne, %convert_element_type3A_211, %cond3A_213 : i32
      scf.if %cond3A_214 {
        %dma_start3A_295 = arith.constant 0 : i32
        %dma_start3A_296 = tpu.memref_slice %arg4[%add3A_14, %cond3A_212, %mul3A_150, %dma_start3A_295] : memref<64x2x200x1024xf32, #tpu.memory_space<hbm>> -> memref<1x1x8x1024xf32, #tpu.memory_space<hbm>>
        %dma_start3A_297 = tpu.memref_squeeze %dma_start3A_296 : memref<1x1x8x1024xf32, #tpu.memory_space<hbm>> -> memref<8x1024xf32, #tpu.memory_space<hbm>>
        %dma_start3A_298 = arith.constant 0 : i32
        %dma_start3A_299 = tpu.memref_slice %arg4[%add3A_14, %cond3A_212, %mul3A_150, %dma_start3A_298] : memref<64x2x200x1024xf32, #tpu.memory_space<hbm>> -> memref<1x1x8x1024xf32, #tpu.memory_space<hbm>>
        %dma_start3A_300 = tpu.memref_squeeze %dma_start3A_299 : memref<1x1x8x1024xf32, #tpu.memory_space<hbm>> -> memref<8x1024xf32, #tpu.memory_space<hbm>>
        tpu.enqueue_dma source(%arg10 : memref<8x1024xf32, #tpu.memory_space<vmem>>) target(%dma_start3A_300 : memref<8x1024xf32, #tpu.memory_space<hbm>>) target_semaphore(%arg15 : memref<!tpu.dma_semaphore, #tpu.memory_space<semaphore_mem>>)
      } else {
      }
      %add3A_215 = arith.constant 2 : i32
      %add3A_216 = arith.addi %add3A_132, %add3A_215 : i32
      %lt3A_217 = arith.constant 100 : i32
      %lt3A_218 = arith.cmpi slt, %add3A_216, %lt3A_217 : i32
      %convert_element_type3A_219 = arith.extui %lt3A_218 : i1 to i32
      %cond3A_220 = arith.constant 0 : i32
      %cond3A_221 = arith.cmpi ne, %convert_element_type3A_219, %cond3A_220 : i32
      scf.if %cond3A_221 {
        %add3A_295 = arith.constant 2 : i32
        %add3A_296 = arith.addi %add3A_132, %add3A_295 : i32
        %jit3A_297 = arith.constant 4 : i32
        %div3A_298 = arith.divsi %add3A_296, %jit3A_297 : i32
        %sign3A_299 = arith.constant 0 : i32
        %sign3A_300 = arith.cmpi sgt, %add3A_296, %sign3A_299 : i32
        %sign3A_301 = arith.extui %sign3A_300 : i1 to i32
        %sign3A_302 = arith.constant 0 : i32
        %sign3A_303 = arith.cmpi slt, %add3A_296, %sign3A_302 : i32
        %sign3A_304 = arith.extui %sign3A_303 : i1 to i32
        %sign3A_305 = arith.subi %sign3A_301, %sign3A_304 : i32
        %sign3A_306 = arith.constant 0 : i32
        %sign3A_307 = arith.cmpi sgt, %jit3A_297, %sign3A_306 : i32
        %sign3A_308 = arith.extui %sign3A_307 : i1 to i32
        %sign3A_309 = arith.constant 0 : i32
        %sign3A_310 = arith.cmpi slt, %jit3A_297, %sign3A_309 : i32
        %sign3A_311 = arith.extui %sign3A_310 : i1 to i32
        %sign3A_312 = arith.subi %sign3A_308, %sign3A_311 : i32
        %ne3A_313 = arith.cmpi ne, %sign3A_305, %sign3A_312 : i32
        %rem3A_314 = arith.remsi %add3A_296, %jit3A_297 : i32
        %ne3A_315 = arith.constant 0 : i32
        %ne3A_316 = arith.cmpi ne, %rem3A_314, %ne3A_315 : i32
        %and3A_317 = arith.andi %ne3A_313, %ne3A_316 : i1
        %sub3A_318 = arith.constant 1 : i32
        %sub3A_319 = arith.subi %div3A_298, %sub3A_318 : i32
        %select_n3A_320 = arith.select %and3A_317, %sub3A_319, %div3A_298 : i32
        %mul3A_321 = arith.constant 8 : i32
        %mul3A_322 = arith.muli %select_n3A_320, %mul3A_321 : i32
        %jit3A_323 = arith.constant 4 : i32
        %eq3A_324 = arith.constant 0 : i32
        %eq3A_325 = arith.cmpi eq, %jit3A_323, %eq3A_324 : i32
        %jit3A_326 = arith.constant 1 : i32
        %select_n3A_327 = arith.select %eq3A_325, %jit3A_326, %jit3A_323 : i32
        %rem3A_328 = arith.remsi %add3A_296, %select_n3A_327 : i32
        %ne3A_329 = arith.constant 0 : i32
        %ne3A_330 = arith.cmpi ne, %rem3A_328, %ne3A_329 : i32
        %lt3A_331 = arith.constant 0 : i32
        %lt3A_332 = arith.cmpi slt, %rem3A_328, %lt3A_331 : i32
        %lt3A_333 = arith.constant 0 : i32
        %lt3A_334 = arith.cmpi slt, %select_n3A_327, %lt3A_333 : i32
        %ne3A_335 = arith.xori %lt3A_332, %lt3A_334 : i1
        %and3A_336 = arith.andi %ne3A_335, %ne3A_330 : i1
        %add3A_337 = arith.addi %rem3A_328, %select_n3A_327 : i32
        %select_n3A_338 = arith.select %and3A_336, %add3A_337, %rem3A_328 : i32
        %mul3A_339 = arith.constant 256 : i32
        %mul3A_340 = arith.muli %select_n3A_338, %mul3A_339 : i32
        %dma_start3A_341 = tpu.memref_slice %arg17[%mul3A_322, %mul3A_340] : memref<200x1024xi32, #tpu.memory_space<vmem_shared>> -> memref<8x256xi32, #tpu.memory_space<vmem_shared>>
        %dma_start3A_342 = tpu.memref_slice %arg17[%mul3A_322, %mul3A_340] : memref<200x1024xi32, #tpu.memory_space<vmem_shared>> -> memref<8x256xi32, #tpu.memory_space<vmem_shared>>
        tpu.enqueue_dma source(%dma_start3A_342 : memref<8x256xi32, #tpu.memory_space<vmem_shared>>) target(%arg6 : memref<8x256xi32, #tpu.memory_space<vmem>>) target_semaphore(%arg11 : memref<!tpu.dma_semaphore, #tpu.memory_space<semaphore_mem>>)
      } else {
      }
      %add3A_222 = arith.constant 1 : i32
      %add3A_223 = arith.addi %add3A_130, %add3A_222 : i32
      %jit3A_224 = arith.constant 4 : i32
      %div3A_225 = arith.divsi %add3A_223, %jit3A_224 : i32
      %sign3A_226 = arith.constant 0 : i32
      %sign3A_227 = arith.cmpi sgt, %add3A_223, %sign3A_226 : i32
      %sign3A_228 = arith.extui %sign3A_227 : i1 to i32
      %sign3A_229 = arith.constant 0 : i32
      %sign3A_230 = arith.cmpi slt, %add3A_223, %sign3A_229 : i32
      %sign3A_231 = arith.extui %sign3A_230 : i1 to i32
      %sign3A_232 = arith.subi %sign3A_228, %sign3A_231 : i32
      %sign3A_233 = arith.constant 0 : i32
      %sign3A_234 = arith.cmpi sgt, %jit3A_224, %sign3A_233 : i32
      %sign3A_235 = arith.extui %sign3A_234 : i1 to i32
      %sign3A_236 = arith.constant 0 : i32
      %sign3A_237 = arith.cmpi slt, %jit3A_224, %sign3A_236 : i32
      %sign3A_238 = arith.extui %sign3A_237 : i1 to i32
      %sign3A_239 = arith.subi %sign3A_235, %sign3A_238 : i32
      %ne3A_240 = arith.cmpi ne, %sign3A_232, %sign3A_239 : i32
      %rem3A_241 = arith.remsi %add3A_223, %jit3A_224 : i32
      %ne3A_242 = arith.constant 0 : i32
      %ne3A_243 = arith.cmpi ne, %rem3A_241, %ne3A_242 : i32
      %and3A_244 = arith.andi %ne3A_240, %ne3A_243 : i1
      %sub3A_245 = arith.constant 1 : i32
      %sub3A_246 = arith.subi %div3A_225, %sub3A_245 : i32
      %select_n3A_247 = arith.select %and3A_244, %sub3A_246, %div3A_225 : i32
      %mul3A_248 = arith.constant 8 : i32
      %mul3A_249 = arith.muli %select_n3A_247, %mul3A_248 : i32
      %jit3A_250 = arith.constant 4 : i32
      %eq3A_251 = arith.constant 0 : i32
      %eq3A_252 = arith.cmpi eq, %jit3A_250, %eq3A_251 : i32
      %jit3A_253 = arith.constant 1 : i32
      %select_n3A_254 = arith.select %eq3A_252, %jit3A_253, %jit3A_250 : i32
      %rem3A_255 = arith.remsi %add3A_223, %select_n3A_254 : i32
      %ne3A_256 = arith.constant 0 : i32
      %ne3A_257 = arith.cmpi ne, %rem3A_255, %ne3A_256 : i32
      %lt3A_258 = arith.constant 0 : i32
      %lt3A_259 = arith.cmpi slt, %rem3A_255, %lt3A_258 : i32
      %lt3A_260 = arith.constant 0 : i32
      %lt3A_261 = arith.cmpi slt, %select_n3A_254, %lt3A_260 : i32
      %ne3A_262 = arith.xori %lt3A_259, %lt3A_261 : i1
      %and3A_263 = arith.andi %ne3A_262, %ne3A_257 : i1
      %add3A_264 = arith.addi %rem3A_255, %select_n3A_254 : i32
      %select_n3A_265 = arith.select %and3A_263, %add3A_264, %rem3A_255 : i32
      %mul3A_266 = arith.constant 256 : i32
      %mul3A_267 = arith.muli %select_n3A_265, %mul3A_266 : i32
      %dma_wait3A_268 = arith.constant 0 : i32
      %dma_wait3A_269 = arith.constant 0 : i32
      %dma_wait3A_270 = tpu.memref_slice %arg17[%dma_wait3A_268, %dma_wait3A_269] : memref<200x1024xi32, #tpu.memory_space<vmem_shared>> -> memref<8x256xi32, #tpu.memory_space<vmem_shared>>
      %dma_wait3A_271 = arith.constant 0 : i32
      %dma_wait3A_272 = arith.constant 0 : i32
      %dma_wait3A_273 = tpu.memref_slice %arg17[%dma_wait3A_271, %dma_wait3A_272] : memref<200x1024xi32, #tpu.memory_space<vmem_shared>> -> memref<8x256xi32, #tpu.memory_space<vmem_shared>>
      tpu.wait_dma2 semaphore(%arg12 : memref<!tpu.dma_semaphore, #tpu.memory_space<semaphore_mem>>) src(%dma_wait3A_273 : memref<8x256xi32, #tpu.memory_space<vmem_shared>>) dst(%arg7 : memref<8x256xi32, #tpu.memory_space<vmem>>)
      %ge3A_274 = arith.constant 2 : i32
      %ge3A_275 = arith.cmpi sge, %add3A_223, %ge3A_274 : i32
      %convert_element_type3A_276 = arith.extui %ge3A_275 : i1 to i32
      %cond3A_277 = arith.constant 0 : i32
      %cond3A_278 = arith.constant 0 : i32
      %cond3A_279 = arith.cmpi ne, %convert_element_type3A_276, %cond3A_278 : i32
      scf.if %cond3A_279 {
        %dma_wait3A_295 = tpu.memref_slice %arg4[%add3A_14, %cond3A_277, %mul3A_249, %mul3A_267] : memref<64x2x200x1024xf32, #tpu.memory_space<hbm>> -> memref<1x1x8x256xf32, #tpu.memory_space<hbm>>
        %dma_wait3A_296 = tpu.memref_squeeze %dma_wait3A_295 : memref<1x1x8x256xf32, #tpu.memory_space<hbm>> -> memref<8x256xf32, #tpu.memory_space<hbm>>
        %dma_wait3A_297 = tpu.memref_slice %arg4[%add3A_14, %cond3A_277, %mul3A_249, %mul3A_267] : memref<64x2x200x1024xf32, #tpu.memory_space<hbm>> -> memref<1x1x8x256xf32, #tpu.memory_space<hbm>>
        %dma_wait3A_298 = tpu.memref_squeeze %dma_wait3A_297 : memref<1x1x8x256xf32, #tpu.memory_space<hbm>> -> memref<8x256xf32, #tpu.memory_space<hbm>>
        tpu.wait_dma2 semaphore(%arg14 : memref<!tpu.dma_semaphore, #tpu.memory_space<semaphore_mem>>) src(%arg9 : memref<8x256xf32, #tpu.memory_space<vmem>>) dst(%dma_wait3A_298 : memref<8x256xf32, #tpu.memory_space<hbm>>)
      } else {
      }
      %parallel_loop3A_280 = arith.constant 0 : i32
      %parallel_loop3A_281 = arith.constant 256 : i32
      %parallel_loop3A_282 = arith.constant 16 : i32
      scf.for %parallel_loop3A_295 = %parallel_loop3A_280 to %parallel_loop3A_281 step %parallel_loop3A_282  : i32 {
        %parallel_loop3A_296 = arith.constant 0 : i32
        %parallel_loop3A_297 = arith.index_cast %parallel_loop3A_296 : i32 to index
        %parallel_loop3A_298 = arith.index_cast %parallel_loop3A_295 : i32 to index
        %parallel_loop3A_299 = tpu.vector_load %arg7[%parallel_loop3A_297, %parallel_loop3A_298] {strides = array<i32>} : memref<8x256xi32, #tpu.memory_space<vmem>>, vector<16xi32>,
        %parallel_loop3A_300 = tpu.vector_load_idx %arg5[%parallel_loop3A_299] : memref<100000xf32, #tpu.memory_space<vmem>>[vector<16xi32>], vector<16xf32>,
        %parallel_loop3A_301 = arith.constant 0 : i32
        %parallel_loop3A_302 = arith.index_cast %parallel_loop3A_301 : i32 to index
        %parallel_loop3A_303 = arith.index_cast %parallel_loop3A_295 : i32 to index
        %parallel_loop3A_304 = tpu.vector_load %arg9[%parallel_loop3A_302, %parallel_loop3A_303] {strides = array<i32>} : memref<8x256xf32, #tpu.memory_space<vmem>>, vector<16xf32>,
        tpu.vector_store %arg9[%parallel_loop3A_302, %parallel_loop3A_303], %parallel_loop3A_300 {strides = array<i32>} : memref<8x256xf32, #tpu.memory_space<vmem>>, vector<16xf32>,
        %parallel_loop3A_305 = arith.constant 1 : i32
        %parallel_loop3A_306 = arith.index_cast %parallel_loop3A_305 : i32 to index
        %parallel_loop3A_307 = arith.index_cast %parallel_loop3A_295 : i32 to index
        %parallel_loop3A_308 = tpu.vector_load %arg7[%parallel_loop3A_306, %parallel_loop3A_307] {strides = array<i32>} : memref<8x256xi32, #tpu.memory_space<vmem>>, vector<16xi32>,
        %parallel_loop3A_309 = tpu.vector_load_idx %arg5[%parallel_loop3A_308] : memref<100000xf32, #tpu.memory_space<vmem>>[vector<16xi32>], vector<16xf32>,
        %parallel_loop3A_310 = arith.constant 1 : i32
        %parallel_loop3A_311 = arith.index_cast %parallel_loop3A_310 : i32 to index
        %parallel_loop3A_312 = arith.index_cast %parallel_loop3A_295 : i32 to index
        %parallel_loop3A_313 = tpu.vector_load %arg9[%parallel_loop3A_311, %parallel_loop3A_312] {strides = array<i32>} : memref<8x256xf32, #tpu.memory_space<vmem>>, vector<16xf32>,
        tpu.vector_store %arg9[%parallel_loop3A_311, %parallel_loop3A_312], %parallel_loop3A_309 {strides = array<i32>} : memref<8x256xf32, #tpu.memory_space<vmem>>, vector<16xf32>,
        %parallel_loop3A_314 = arith.constant 2 : i32
        %parallel_loop3A_315 = arith.index_cast %parallel_loop3A_314 : i32 to index
        %parallel_loop3A_316 = arith.index_cast %parallel_loop3A_295 : i32 to index
        %parallel_loop3A_317 = tpu.vector_load %arg7[%parallel_loop3A_315, %parallel_loop3A_316] {strides = array<i32>} : memref<8x256xi32, #tpu.memory_space<vmem>>, vector<16xi32>,
        %parallel_loop3A_318 = tpu.vector_load_idx %arg5[%parallel_loop3A_317] : memref<100000xf32, #tpu.memory_space<vmem>>[vector<16xi32>], vector<16xf32>,
        %parallel_loop3A_319 = arith.constant 2 : i32
        %parallel_loop3A_320 = arith.index_cast %parallel_loop3A_319 : i32 to index
        %parallel_loop3A_321 = arith.index_cast %parallel_loop3A_295 : i32 to index
        %parallel_loop3A_322 = tpu.vector_load %arg9[%parallel_loop3A_320, %parallel_loop3A_321] {strides = array<i32>} : memref<8x256xf32, #tpu.memory_space<vmem>>, vector<16xf32>,
        tpu.vector_store %arg9[%parallel_loop3A_320, %parallel_loop3A_321], %parallel_loop3A_318 {strides = array<i32>} : memref<8x256xf32, #tpu.memory_space<vmem>>, vector<16xf32>,
        %parallel_loop3A_323 = arith.constant 3 : i32
        %parallel_loop3A_324 = arith.index_cast %parallel_loop3A_323 : i32 to index
        %parallel_loop3A_325 = arith.index_cast %parallel_loop3A_295 : i32 to index
        %parallel_loop3A_326 = tpu.vector_load %arg7[%parallel_loop3A_324, %parallel_loop3A_325] {strides = array<i32>} : memref<8x256xi32, #tpu.memory_space<vmem>>, vector<16xi32>,
        %parallel_loop3A_327 = tpu.vector_load_idx %arg5[%parallel_loop3A_326] : memref<100000xf32, #tpu.memory_space<vmem>>[vector<16xi32>], vector<16xf32>,
        %parallel_loop3A_328 = arith.constant 3 : i32
        %parallel_loop3A_329 = arith.index_cast %parallel_loop3A_328 : i32 to index
        %parallel_loop3A_330 = arith.index_cast %parallel_loop3A_295 : i32 to index
        %parallel_loop3A_331 = tpu.vector_load %arg9[%parallel_loop3A_329, %parallel_loop3A_330] {strides = array<i32>} : memref<8x256xf32, #tpu.memory_space<vmem>>, vector<16xf32>,
        tpu.vector_store %arg9[%parallel_loop3A_329, %parallel_loop3A_330], %parallel_loop3A_327 {strides = array<i32>} : memref<8x256xf32, #tpu.memory_space<vmem>>, vector<16xf32>,
        %parallel_loop3A_332 = arith.constant 4 : i32
        %parallel_loop3A_333 = arith.index_cast %parallel_loop3A_332 : i32 to index
        %parallel_loop3A_334 = arith.index_cast %parallel_loop3A_295 : i32 to index
        %parallel_loop3A_335 = tpu.vector_load %arg7[%parallel_loop3A_333, %parallel_loop3A_334] {strides = array<i32>} : memref<8x256xi32, #tpu.memory_space<vmem>>, vector<16xi32>,
        %parallel_loop3A_336 = tpu.vector_load_idx %arg5[%parallel_loop3A_335] : memref<100000xf32, #tpu.memory_space<vmem>>[vector<16xi32>], vector<16xf32>,
        %parallel_loop3A_337 = arith.constant 4 : i32
        %parallel_loop3A_338 = arith.index_cast %parallel_loop3A_337 : i32 to index
        %parallel_loop3A_339 = arith.index_cast %parallel_loop3A_295 : i32 to index
        %parallel_loop3A_340 = tpu.vector_load %arg9[%parallel_loop3A_338, %parallel_loop3A_339] {strides = array<i32>} : memref<8x256xf32, #tpu.memory_space<vmem>>, vector<16xf32>,
        tpu.vector_store %arg9[%parallel_loop3A_338, %parallel_loop3A_339], %parallel_loop3A_336 {strides = array<i32>} : memref<8x256xf32, #tpu.memory_space<vmem>>, vector<16xf32>,
        %parallel_loop3A_341 = arith.constant 5 : i32
        %parallel_loop3A_342 = arith.index_cast %parallel_loop3A_341 : i32 to index
        %parallel_loop3A_343 = arith.index_cast %parallel_loop3A_295 : i32 to index
        %parallel_loop3A_344 = tpu.vector_load %arg7[%parallel_loop3A_342, %parallel_loop3A_343] {strides = array<i32>} : memref<8x256xi32, #tpu.memory_space<vmem>>, vector<16xi32>,
        %parallel_loop3A_345 = tpu.vector_load_idx %arg5[%parallel_loop3A_344] : memref<100000xf32, #tpu.memory_space<vmem>>[vector<16xi32>], vector<16xf32>,
        %parallel_loop3A_346 = arith.constant 5 : i32
        %parallel_loop3A_347 = arith.index_cast %parallel_loop3A_346 : i32 to index
        %parallel_loop3A_348 = arith.index_cast %parallel_loop3A_295 : i32 to index
        %parallel_loop3A_349 = tpu.vector_load %arg9[%parallel_loop3A_347, %parallel_loop3A_348] {strides = array<i32>} : memref<8x256xf32, #tpu.memory_space<vmem>>, vector<16xf32>,
        tpu.vector_store %arg9[%parallel_loop3A_347, %parallel_loop3A_348], %parallel_loop3A_345 {strides = array<i32>} : memref<8x256xf32, #tpu.memory_space<vmem>>, vector<16xf32>,
        %parallel_loop3A_350 = arith.constant 6 : i32
        %parallel_loop3A_351 = arith.index_cast %parallel_loop3A_350 : i32 to index
        %parallel_loop3A_352 = arith.index_cast %parallel_loop3A_295 : i32 to index
        %parallel_loop3A_353 = tpu.vector_load %arg7[%parallel_loop3A_351, %parallel_loop3A_352] {strides = array<i32>} : memref<8x256xi32, #tpu.memory_space<vmem>>, vector<16xi32>,
        %parallel_loop3A_354 = tpu.vector_load_idx %arg5[%parallel_loop3A_353] : memref<100000xf32, #tpu.memory_space<vmem>>[vector<16xi32>], vector<16xf32>,
        %parallel_loop3A_355 = arith.constant 6 : i32
        %parallel_loop3A_356 = arith.index_cast %parallel_loop3A_355 : i32 to index
        %parallel_loop3A_357 = arith.index_cast %parallel_loop3A_295 : i32 to index
        %parallel_loop3A_358 = tpu.vector_load %arg9[%parallel_loop3A_356, %parallel_loop3A_357] {strides = array<i32>} : memref<8x256xf32, #tpu.memory_space<vmem>>, vector<16xf32>,
        tpu.vector_store %arg9[%parallel_loop3A_356, %parallel_loop3A_357], %parallel_loop3A_354 {strides = array<i32>} : memref<8x256xf32, #tpu.memory_space<vmem>>, vector<16xf32>,
        %parallel_loop3A_359 = arith.constant 7 : i32
        %parallel_loop3A_360 = arith.index_cast %parallel_loop3A_359 : i32 to index
        %parallel_loop3A_361 = arith.index_cast %parallel_loop3A_295 : i32 to index
        %parallel_loop3A_362 = tpu.vector_load %arg7[%parallel_loop3A_360, %parallel_loop3A_361] {strides = array<i32>} : memref<8x256xi32, #tpu.memory_space<vmem>>, vector<16xi32>,
        %parallel_loop3A_363 = tpu.vector_load_idx %arg5[%parallel_loop3A_362] : memref<100000xf32, #tpu.memory_space<vmem>>[vector<16xi32>], vector<16xf32>,
        %parallel_loop3A_364 = arith.constant 7 : i32
        %parallel_loop3A_365 = arith.index_cast %parallel_loop3A_364 : i32 to index
        %parallel_loop3A_366 = arith.index_cast %parallel_loop3A_295 : i32 to index
        %parallel_loop3A_367 = tpu.vector_load %arg9[%parallel_loop3A_365, %parallel_loop3A_366] {strides = array<i32>} : memref<8x256xf32, #tpu.memory_space<vmem>>, vector<16xf32>,
        tpu.vector_store %arg9[%parallel_loop3A_365, %parallel_loop3A_366], %parallel_loop3A_363 {strides = array<i32>} : memref<8x256xf32, #tpu.memory_space<vmem>>, vector<16xf32>,
      } {sc.loop_unroll_factor = 4 : i64, sc.parallel_access}
      %dma_start3A_283 = arith.constant 0 : i32
      %dma_start3A_284 = tpu.memref_slice %arg4[%add3A_14, %dma_start3A_283, %mul3A_249, %mul3A_267] : memref<64x2x200x1024xf32, #tpu.memory_space<hbm>> -> memref<1x1x8x256xf32, #tpu.memory_space<hbm>>
      %dma_start3A_285 = tpu.memref_squeeze %dma_start3A_284 : memref<1x1x8x256xf32, #tpu.memory_space<hbm>> -> memref<8x256xf32, #tpu.memory_space<hbm>>
      %dma_start3A_286 = tpu.memref_slice %arg4[%add3A_14, %dma_start3A_283, %mul3A_249, %mul3A_267] : memref<64x2x200x1024xf32, #tpu.memory_space<hbm>> -> memref<1x1x8x256xf32, #tpu.memory_space<hbm>>
      %dma_start3A_287 = tpu.memref_squeeze %dma_start3A_286 : memref<1x1x8x256xf32, #tpu.memory_space<hbm>> -> memref<8x256xf32, #tpu.memory_space<hbm>>
      tpu.enqueue_dma source(%arg9 : memref<8x256xf32, #tpu.memory_space<vmem>>) target(%dma_start3A_287 : memref<8x256xf32, #tpu.memory_space<hbm>>) target_semaphore(%arg14 : memref<!tpu.dma_semaphore, #tpu.memory_space<semaphore_mem>>)
      %add3A_288 = arith.constant 2 : i32
      %add3A_289 = arith.addi %add3A_223, %add3A_288 : i32
      %lt3A_290 = arith.constant 100 : i32
      %lt3A_291 = arith.cmpi slt, %add3A_289, %lt3A_290 : i32
      %convert_element_type3A_292 = arith.extui %lt3A_291 : i1 to i32
      %cond3A_293 = arith.constant 0 : i32
      %cond3A_294 = arith.cmpi ne, %convert_element_type3A_292, %cond3A_293 : i32
      scf.if %cond3A_294 {
        %add3A_295 = arith.constant 2 : i32
        %add3A_296 = arith.addi %add3A_223, %add3A_295 : i32
        %jit3A_297 = arith.constant 4 : i32
        %div3A_298 = arith.divsi %add3A_296, %jit3A_297 : i32
        %sign3A_299 = arith.constant 0 : i32
        %sign3A_300 = arith.cmpi sgt, %add3A_296, %sign3A_299 : i32
        %sign3A_301 = arith.extui %sign3A_300 : i1 to i32
        %sign3A_302 = arith.constant 0 : i32
        %sign3A_303 = arith.cmpi slt, %add3A_296, %sign3A_302 : i32
        %sign3A_304 = arith.extui %sign3A_303 : i1 to i32
        %sign3A_305 = arith.subi %sign3A_301, %sign3A_304 : i32
        %sign3A_306 = arith.constant 0 : i32
        %sign3A_307 = arith.cmpi sgt, %jit3A_297, %sign3A_306 : i32
        %sign3A_308 = arith.extui %sign3A_307 : i1 to i32
        %sign3A_309 = arith.constant 0 : i32
        %sign3A_310 = arith.cmpi slt, %jit3A_297, %sign3A_309 : i32
        %sign3A_311 = arith.extui %sign3A_310 : i1 to i32
        %sign3A_312 = arith.subi %sign3A_308, %sign3A_311 : i32
        %ne3A_313 = arith.cmpi ne, %sign3A_305, %sign3A_312 : i32
        %rem3A_314 = arith.remsi %add3A_296, %jit3A_297 : i32
        %ne3A_315 = arith.constant 0 : i32
        %ne3A_316 = arith.cmpi ne, %rem3A_314, %ne3A_315 : i32
        %and3A_317 = arith.andi %ne3A_313, %ne3A_316 : i1
        %sub3A_318 = arith.constant 1 : i32
        %sub3A_319 = arith.subi %div3A_298, %sub3A_318 : i32
        %select_n3A_320 = arith.select %and3A_317, %sub3A_319, %div3A_298 : i32
        %mul3A_321 = arith.constant 8 : i32
        %mul3A_322 = arith.muli %select_n3A_320, %mul3A_321 : i32
        %jit3A_323 = arith.constant 4 : i32
        %eq3A_324 = arith.constant 0 : i32
        %eq3A_325 = arith.cmpi eq, %jit3A_323, %eq3A_324 : i32
        %jit3A_326 = arith.constant 1 : i32
        %select_n3A_327 = arith.select %eq3A_325, %jit3A_326, %jit3A_323 : i32
        %rem3A_328 = arith.remsi %add3A_296, %select_n3A_327 : i32
        %ne3A_329 = arith.constant 0 : i32
        %ne3A_330 = arith.cmpi ne, %rem3A_328, %ne3A_329 : i32
        %lt3A_331 = arith.constant 0 : i32
        %lt3A_332 = arith.cmpi slt, %rem3A_328, %lt3A_331 : i32
        %lt3A_333 = arith.constant 0 : i32
        %lt3A_334 = arith.cmpi slt, %select_n3A_327, %lt3A_333 : i32
        %ne3A_335 = arith.xori %lt3A_332, %lt3A_334 : i1
        %and3A_336 = arith.andi %ne3A_335, %ne3A_330 : i1
        %add3A_337 = arith.addi %rem3A_328, %select_n3A_327 : i32
        %select_n3A_338 = arith.select %and3A_336, %add3A_337, %rem3A_328 : i32
        %mul3A_339 = arith.constant 256 : i32
        %mul3A_340 = arith.muli %select_n3A_338, %mul3A_339 : i32
        %dma_start3A_341 = tpu.memref_slice %arg17[%mul3A_322, %mul3A_340] : memref<200x1024xi32, #tpu.memory_space<vmem_shared>> -> memref<8x256xi32, #tpu.memory_space<vmem_shared>>
        %dma_start3A_342 = tpu.memref_slice %arg17[%mul3A_322, %mul3A_340] : memref<200x1024xi32, #tpu.memory_space<vmem_shared>> -> memref<8x256xi32, #tpu.memory_space<vmem_shared>>
        tpu.enqueue_dma source(%dma_start3A_342 : memref<8x256xi32, #tpu.memory_space<vmem_shared>>) target(%arg7 : memref<8x256xi32, #tpu.memory_space<vmem>>) target_semaphore(%arg12 : memref<!tpu.dma_semaphore, #tpu.memory_space<semaphore_mem>>)
      } else {
      }
    }
    %scan3A_37 = arith.constant 50 : i32
    %add3A_38 = arith.constant 32 : i32
    %add3A_39 = arith.addi %add3A_14, %add3A_38 : i32
    %dma_start3A_40 = arith.constant 0 : i32
    %dma_start3A_41 = tpu.memref_slice %arg3[%add3A_39, %dma_start3A_40] : memref<64x100000xf32, #tpu.memory_space<hbm>> -> memref<1x100000xf32, #tpu.memory_space<hbm>>
    %dma_start3A_42 = tpu.memref_squeeze %dma_start3A_41 : memref<1x100000xf32, #tpu.memory_space<hbm>> -> memref<100000xf32, #tpu.memory_space<hbm>>
    %dma_start3A_43 = arith.constant 0 : i32
    %dma_start3A_44 = tpu.memref_slice %arg3[%add3A_39, %dma_start3A_43] : memref<64x100000xf32, #tpu.memory_space<hbm>> -> memref<1x100000xf32, #tpu.memory_space<hbm>>
    %dma_start3A_45 = tpu.memref_squeeze %dma_start3A_44 : memref<1x100000xf32, #tpu.memory_space<hbm>> -> memref<100000xf32, #tpu.memory_space<hbm>>
    tpu.enqueue_dma source(%dma_start3A_45 : memref<100000xf32, #tpu.memory_space<hbm>>) target(%arg5 : memref<100000xf32, #tpu.memory_space<vmem>>) target_semaphore(%arg16 : memref<!tpu.dma_semaphore, #tpu.memory_space<semaphore_mem>>)
    %dma_wait3A_46 = arith.constant 0 : i32
    %dma_wait3A_47 = arith.constant 0 : i32
    %dma_wait3A_48 = arith.constant 0 : i32
    %dma_wait3A_49 = tpu.memref_slice %arg4[%add3A_14, %dma_wait3A_46, %dma_wait3A_47, %dma_wait3A_48] : memref<64x2x200x1024xf32, #tpu.memory_space<hbm>> -> memref<1x1x8x256xf32, #tpu.memory_space<hbm>>
    %dma_wait3A_50 = tpu.memref_squeeze %dma_wait3A_49 : memref<1x1x8x256xf32, #tpu.memory_space<hbm>> -> memref<8x256xf32, #tpu.memory_space<hbm>>
    %dma_wait3A_51 = arith.constant 0 : i32
    %dma_wait3A_52 = arith.constant 0 : i32
    %dma_wait3A_53 = tpu.memref_slice %arg4[%add3A_14, %dma_wait3A_46, %dma_wait3A_51, %dma_wait3A_52] : memref<64x2x200x1024xf32, #tpu.memory_space<hbm>> -> memref<1x1x8x256xf32, #tpu.memory_space<hbm>>
    %dma_wait3A_54 = tpu.memref_squeeze %dma_wait3A_53 : memref<1x1x8x256xf32, #tpu.memory_space<hbm>> -> memref<8x256xf32, #tpu.memory_space<hbm>>
    tpu.wait_dma2 semaphore(%arg13 : memref<!tpu.dma_semaphore, #tpu.memory_space<semaphore_mem>>) src(%arg8 : memref<8x256xf32, #tpu.memory_space<vmem>>) dst(%dma_wait3A_54 : memref<8x256xf32, #tpu.memory_space<hbm>>)
    %dma_wait3A_55 = arith.constant 0 : i32
    %dma_wait3A_56 = arith.constant 0 : i32
    %dma_wait3A_57 = arith.constant 0 : i32
    %dma_wait3A_58 = tpu.memref_slice %arg4[%add3A_14, %dma_wait3A_55, %dma_wait3A_56, %dma_wait3A_57] : memref<64x2x200x1024xf32, #tpu.memory_space<hbm>> -> memref<1x1x8x256xf32, #tpu.memory_space<hbm>>
    %dma_wait3A_59 = tpu.memref_squeeze %dma_wait3A_58 : memref<1x1x8x256xf32, #tpu.memory_space<hbm>> -> memref<8x256xf32, #tpu.memory_space<hbm>>
    %dma_wait3A_60 = arith.constant 0 : i32
    %dma_wait3A_61 = arith.constant 0 : i32
    %dma_wait3A_62 = tpu.memref_slice %arg4[%add3A_14, %dma_wait3A_55, %dma_wait3A_60, %dma_wait3A_61] : memref<64x2x200x1024xf32, #tpu.memory_space<hbm>> -> memref<1x1x8x256xf32, #tpu.memory_space<hbm>>
    %dma_wait3A_63 = tpu.memref_squeeze %dma_wait3A_62 : memref<1x1x8x256xf32, #tpu.memory_space<hbm>> -> memref<8x256xf32, #tpu.memory_space<hbm>>
    tpu.wait_dma2 semaphore(%arg14 : memref<!tpu.dma_semaphore, #tpu.memory_space<semaphore_mem>>) src(%arg9 : memref<8x256xf32, #tpu.memory_space<vmem>>) dst(%dma_wait3A_63 : memref<8x256xf32, #tpu.memory_space<hbm>>)
    %dma_wait3A_64 = arith.constant 1 : i32
    %dma_wait3A_65 = arith.constant 0 : i32
    %dma_wait3A_66 = arith.constant 0 : i32
    %dma_wait3A_67 = tpu.memref_slice %arg4[%add3A_14, %dma_wait3A_64, %dma_wait3A_65, %dma_wait3A_66] : memref<64x2x200x1024xf32, #tpu.memory_space<hbm>> -> memref<1x1x8x1024xf32, #tpu.memory_space<hbm>>
    %dma_wait3A_68 = tpu.memref_squeeze %dma_wait3A_67 : memref<1x1x8x1024xf32, #tpu.memory_space<hbm>> -> memref<8x1024xf32, #tpu.memory_space<hbm>>
    %dma_wait3A_69 = arith.constant 0 : i32
    %dma_wait3A_70 = arith.constant 0 : i32
    %dma_wait3A_71 = tpu.memref_slice %arg4[%add3A_14, %dma_wait3A_64, %dma_wait3A_69, %dma_wait3A_70] : memref<64x2x200x1024xf32, #tpu.memory_space<hbm>> -> memref<1x1x8x1024xf32, #tpu.memory_space<hbm>>
    %dma_wait3A_72 = tpu.memref_squeeze %dma_wait3A_71 : memref<1x1x8x1024xf32, #tpu.memory_space<hbm>> -> memref<8x1024xf32, #tpu.memory_space<hbm>>
    tpu.wait_dma2 semaphore(%arg15 : memref<!tpu.dma_semaphore, #tpu.memory_space<semaphore_mem>>) src(%arg10 : memref<8x1024xf32, #tpu.memory_space<vmem>>) dst(%dma_wait3A_72 : memref<8x1024xf32, #tpu.memory_space<hbm>>)
    %add3A_73 = arith.constant 32 : i32
    %add3A_74 = arith.addi %add3A, %add3A_73 : i32
    %dma_wait3A_75 = arith.constant 0 : i32
    %dma_wait3A_76 = arith.constant 0 : i32
    %dma_wait3A_77 = tpu.memref_slice %arg3[%dma_wait3A_75, %dma_wait3A_76] : memref<64x100000xf32, #tpu.memory_space<hbm>> -> memref<1x100000xf32, #tpu.memory_space<hbm>>
    %dma_wait3A_78 = tpu.memref_squeeze %dma_wait3A_77 : memref<1x100000xf32, #tpu.memory_space<hbm>> -> memref<100000xf32, #tpu.memory_space<hbm>>
    %dma_wait3A_79 = arith.constant 0 : i32
    %dma_wait3A_80 = tpu.memref_slice %arg3[%dma_wait3A_75, %dma_wait3A_79] : memref<64x100000xf32, #tpu.memory_space<hbm>> -> memref<1x100000xf32, #tpu.memory_space<hbm>>
    %dma_wait3A_81 = tpu.memref_squeeze %dma_wait3A_80 : memref<1x100000xf32, #tpu.memory_space<hbm>> -> memref<100000xf32, #tpu.memory_space<hbm>>
    tpu.wait_dma2 semaphore(%arg16 : memref<!tpu.dma_semaphore, #tpu.memory_space<semaphore_mem>>) src(%dma_wait3A_81 : memref<100000xf32, #tpu.memory_space<hbm>>) dst(%arg5 : memref<100000xf32, #tpu.memory_space<vmem>>)
    %dma_start3A_82 = arith.constant 0 : i32
    %dma_start3A_83 = arith.constant 0 : i32
    %dma_start3A_84 = tpu.memref_slice %arg17[%dma_start3A_82, %dma_start3A_83] : memref<200x1024xi32, #tpu.memory_space<vmem_shared>> -> memref<8x256xi32, #tpu.memory_space<vmem_shared>>
    %dma_start3A_85 = arith.constant 0 : i32
    %dma_start3A_86 = arith.constant 0 : i32
    %dma_start3A_87 = tpu.memref_slice %arg17[%dma_start3A_85, %dma_start3A_86] : memref<200x1024xi32, #tpu.memory_space<vmem_shared>> -> memref<8x256xi32, #tpu.memory_space<vmem_shared>>
    tpu.enqueue_dma source(%dma_start3A_87 : memref<8x256xi32, #tpu.memory_space<vmem_shared>>) target(%arg6 : memref<8x256xi32, #tpu.memory_space<vmem>>) target_semaphore(%arg11 : memref<!tpu.dma_semaphore, #tpu.memory_space<semaphore_mem>>)
    %dma_start3A_88 = arith.constant 0 : i32
    %dma_start3A_89 = arith.constant 256 : i32
    %dma_start3A_90 = tpu.memref_slice %arg17[%dma_start3A_88, %dma_start3A_89] : memref<200x1024xi32, #tpu.memory_space<vmem_shared>> -> memref<8x256xi32, #tpu.memory_space<vmem_shared>>
    %dma_start3A_91 = arith.constant 0 : i32
    %dma_start3A_92 = arith.constant 256 : i32
    %dma_start3A_93 = tpu.memref_slice %arg17[%dma_start3A_91, %dma_start3A_92] : memref<200x1024xi32, #tpu.memory_space<vmem_shared>> -> memref<8x256xi32, #tpu.memory_space<vmem_shared>>
    tpu.enqueue_dma source(%dma_start3A_93 : memref<8x256xi32, #tpu.memory_space<vmem_shared>>) target(%arg7 : memref<8x256xi32, #tpu.memory_space<vmem>>) target_semaphore(%arg12 : memref<!tpu.dma_semaphore, #tpu.memory_space<semaphore_mem>>)
    %scan3A_94 = arith.constant 0 : i32
    %scan3A_95 = arith.constant 50 : i32
    %scan3A_96 = arith.addi %scan3A_94, %scan3A_95 : i32
    %scan3A_97 = arith.constant 1 : i32
    scf.for %scan3A_126 = %scan3A_94 to %scan3A_96 step %scan3A_97  : i32 {
      %mul3A_127 = arith.constant 2 : i32
      %mul3A_128 = arith.muli %scan3A_126, %mul3A_127 : i32
      %add3A_129 = arith.constant 0 : i32
      %add3A_130 = arith.addi %add3A_129, %mul3A_128 : i32
      %add3A_131 = arith.constant 0 : i32
      %add3A_132 = arith.addi %add3A_130, %add3A_131 : i32
      %jit3A = arith.constant 4 : i32
      %div3A = arith.divsi %add3A_132, %jit3A : i32
      %sign3A = arith.constant 0 : i32
      %sign3A_133 = arith.cmpi sgt, %add3A_132, %sign3A : i32
      %sign3A_134 = arith.extui %sign3A_133 : i1 to i32
      %sign3A_135 = arith.constant 0 : i32
      %sign3A_136 = arith.cmpi slt, %add3A_132, %sign3A_135 : i32
      %sign3A_137 = arith.extui %sign3A_136 : i1 to i32
      %sign3A_138 = arith.subi %sign3A_134, %sign3A_137 : i32
      %sign3A_139 = arith.constant 0 : i32
      %sign3A_140 = arith.cmpi sgt, %jit3A, %sign3A_139 : i32
      %sign3A_141 = arith.extui %sign3A_140 : i1 to i32
      %sign3A_142 = arith.constant 0 : i32
      %sign3A_143 = arith.cmpi slt, %jit3A, %sign3A_142 : i32
      %sign3A_144 = arith.extui %sign3A_143 : i1 to i32
      %sign3A_145 = arith.subi %sign3A_141, %sign3A_144 : i32
      %ne3A = arith.cmpi ne, %sign3A_138, %sign3A_145 : i32
      %rem3A = arith.remsi %add3A_132, %jit3A : i32
      %ne3A_146 = arith.constant 0 : i32
      %ne3A_147 = arith.cmpi ne, %rem3A, %ne3A_146 : i32
      %and3A = arith.andi %ne3A, %ne3A_147 : i1
      %sub3A = arith.constant 1 : i32
      %sub3A_148 = arith.subi %div3A, %sub3A : i32
      %select_n3A = arith.select %and3A, %sub3A_148, %div3A : i32
      %mul3A_149 = arith.constant 8 : i32
      %mul3A_150 = arith.muli %select_n3A, %mul3A_149 : i32
      %jit3A_151 = arith.constant 4 : i32
      %eq3A_152 = arith.constant 0 : i32
      %eq3A_153 = arith.cmpi eq, %jit3A_151, %eq3A_152 : i32
      %jit3A_154 = arith.constant 1 : i32
      %select_n3A_155 = arith.select %eq3A_153, %jit3A_154, %jit3A_151 : i32
      %rem3A_156 = arith.remsi %add3A_132, %select_n3A_155 : i32
      %ne3A_157 = arith.constant 0 : i32
      %ne3A_158 = arith.cmpi ne, %rem3A_156, %ne3A_157 : i32
      %lt3A = arith.constant 0 : i32
      %lt3A_159 = arith.cmpi slt, %rem3A_156, %lt3A : i32
      %lt3A_160 = arith.constant 0 : i32
      %lt3A_161 = arith.cmpi slt, %select_n3A_155, %lt3A_160 : i32
      %ne3A_162 = arith.xori %lt3A_159, %lt3A_161 : i1
      %and3A_163 = arith.andi %ne3A_162, %ne3A_158 : i1
      %add3A_164 = arith.addi %rem3A_156, %select_n3A_155 : i32
      %select_n3A_165 = arith.select %and3A_163, %add3A_164, %rem3A_156 : i32
      %mul3A_166 = arith.constant 256 : i32
      %mul3A_167 = arith.muli %select_n3A_165, %mul3A_166 : i32
      %dma_wait3A_168 = arith.constant 0 : i32
      %dma_wait3A_169 = arith.constant 0 : i32
      %dma_wait3A_170 = tpu.memref_slice %arg17[%dma_wait3A_168, %dma_wait3A_169] : memref<200x1024xi32, #tpu.memory_space<vmem_shared>> -> memref<8x256xi32, #tpu.memory_space<vmem_shared>>
      %dma_wait3A_171 = arith.constant 0 : i32
      %dma_wait3A_172 = arith.constant 0 : i32
      %dma_wait3A_173 = tpu.memref_slice %arg17[%dma_wait3A_171, %dma_wait3A_172] : memref<200x1024xi32, #tpu.memory_space<vmem_shared>> -> memref<8x256xi32, #tpu.memory_space<vmem_shared>>
      tpu.wait_dma2 semaphore(%arg11 : memref<!tpu.dma_semaphore, #tpu.memory_space<semaphore_mem>>) src(%dma_wait3A_173 : memref<8x256xi32, #tpu.memory_space<vmem_shared>>) dst(%arg6 : memref<8x256xi32, #tpu.memory_space<vmem>>)
      %ge3A = arith.constant 2 : i32
      %ge3A_174 = arith.cmpi sge, %add3A_132, %ge3A : i32
      %convert_element_type3A_175 = arith.extui %ge3A_174 : i1 to i32
      %cond3A_176 = arith.constant 0 : i32
      %cond3A_177 = arith.constant 0 : i32
      %cond3A_178 = arith.cmpi ne, %convert_element_type3A_175, %cond3A_177 : i32
      scf.if %cond3A_178 {
        %dma_wait3A_295 = tpu.memref_slice %arg4[%add3A_74, %cond3A_176, %mul3A_150, %mul3A_167] : memref<64x2x200x1024xf32, #tpu.memory_space<hbm>> -> memref<1x1x8x256xf32, #tpu.memory_space<hbm>>
        %dma_wait3A_296 = tpu.memref_squeeze %dma_wait3A_295 : memref<1x1x8x256xf32, #tpu.memory_space<hbm>> -> memref<8x256xf32, #tpu.memory_space<hbm>>
        %dma_wait3A_297 = tpu.memref_slice %arg4[%add3A_74, %cond3A_176, %mul3A_150, %mul3A_167] : memref<64x2x200x1024xf32, #tpu.memory_space<hbm>> -> memref<1x1x8x256xf32, #tpu.memory_space<hbm>>
        %dma_wait3A_298 = tpu.memref_squeeze %dma_wait3A_297 : memref<1x1x8x256xf32, #tpu.memory_space<hbm>> -> memref<8x256xf32, #tpu.memory_space<hbm>>
        tpu.wait_dma2 semaphore(%arg13 : memref<!tpu.dma_semaphore, #tpu.memory_space<semaphore_mem>>) src(%arg8 : memref<8x256xf32, #tpu.memory_space<vmem>>) dst(%dma_wait3A_298 : memref<8x256xf32, #tpu.memory_space<hbm>>)
      } else {
      }
      %parallel_loop3A = arith.constant 0 : i32
      %parallel_loop3A_179 = arith.constant 256 : i32
      %parallel_loop3A_180 = arith.constant 16 : i32
      scf.for %parallel_loop3A_295 = %parallel_loop3A to %parallel_loop3A_179 step %parallel_loop3A_180  : i32 {
        %parallel_loop3A_296 = arith.constant 0 : i32
        %parallel_loop3A_297 = arith.index_cast %parallel_loop3A_296 : i32 to index
        %parallel_loop3A_298 = arith.index_cast %parallel_loop3A_295 : i32 to index
        %parallel_loop3A_299 = tpu.vector_load %arg6[%parallel_loop3A_297, %parallel_loop3A_298] {strides = array<i32>} : memref<8x256xi32, #tpu.memory_space<vmem>>, vector<16xi32>,
        %parallel_loop3A_300 = tpu.vector_load_idx %arg5[%parallel_loop3A_299] : memref<100000xf32, #tpu.memory_space<vmem>>[vector<16xi32>], vector<16xf32>,
        %parallel_loop3A_301 = arith.constant 0 : i32
        %parallel_loop3A_302 = arith.index_cast %parallel_loop3A_301 : i32 to index
        %parallel_loop3A_303 = arith.index_cast %parallel_loop3A_295 : i32 to index
        %parallel_loop3A_304 = tpu.vector_load %arg8[%parallel_loop3A_302, %parallel_loop3A_303] {strides = array<i32>} : memref<8x256xf32, #tpu.memory_space<vmem>>, vector<16xf32>,
        tpu.vector_store %arg8[%parallel_loop3A_302, %parallel_loop3A_303], %parallel_loop3A_300 {strides = array<i32>} : memref<8x256xf32, #tpu.memory_space<vmem>>, vector<16xf32>,
        %parallel_loop3A_305 = arith.constant 1 : i32
        %parallel_loop3A_306 = arith.index_cast %parallel_loop3A_305 : i32 to index
        %parallel_loop3A_307 = arith.index_cast %parallel_loop3A_295 : i32 to index
        %parallel_loop3A_308 = tpu.vector_load %arg6[%parallel_loop3A_306, %parallel_loop3A_307] {strides = array<i32>} : memref<8x256xi32, #tpu.memory_space<vmem>>, vector<16xi32>,
        %parallel_loop3A_309 = tpu.vector_load_idx %arg5[%parallel_loop3A_308] : memref<100000xf32, #tpu.memory_space<vmem>>[vector<16xi32>], vector<16xf32>,
        %parallel_loop3A_310 = arith.constant 1 : i32
        %parallel_loop3A_311 = arith.index_cast %parallel_loop3A_310 : i32 to index
        %parallel_loop3A_312 = arith.index_cast %parallel_loop3A_295 : i32 to index
        %parallel_loop3A_313 = tpu.vector_load %arg8[%parallel_loop3A_311, %parallel_loop3A_312] {strides = array<i32>} : memref<8x256xf32, #tpu.memory_space<vmem>>, vector<16xf32>,
        tpu.vector_store %arg8[%parallel_loop3A_311, %parallel_loop3A_312], %parallel_loop3A_309 {strides = array<i32>} : memref<8x256xf32, #tpu.memory_space<vmem>>, vector<16xf32>,
        %parallel_loop3A_314 = arith.constant 2 : i32
        %parallel_loop3A_315 = arith.index_cast %parallel_loop3A_314 : i32 to index
        %parallel_loop3A_316 = arith.index_cast %parallel_loop3A_295 : i32 to index
        %parallel_loop3A_317 = tpu.vector_load %arg6[%parallel_loop3A_315, %parallel_loop3A_316] {strides = array<i32>} : memref<8x256xi32, #tpu.memory_space<vmem>>, vector<16xi32>,
        %parallel_loop3A_318 = tpu.vector_load_idx %arg5[%parallel_loop3A_317] : memref<100000xf32, #tpu.memory_space<vmem>>[vector<16xi32>], vector<16xf32>,
        %parallel_loop3A_319 = arith.constant 2 : i32
        %parallel_loop3A_320 = arith.index_cast %parallel_loop3A_319 : i32 to index
        %parallel_loop3A_321 = arith.index_cast %parallel_loop3A_295 : i32 to index
        %parallel_loop3A_322 = tpu.vector_load %arg8[%parallel_loop3A_320, %parallel_loop3A_321] {strides = array<i32>} : memref<8x256xf32, #tpu.memory_space<vmem>>, vector<16xf32>,
        tpu.vector_store %arg8[%parallel_loop3A_320, %parallel_loop3A_321], %parallel_loop3A_318 {strides = array<i32>} : memref<8x256xf32, #tpu.memory_space<vmem>>, vector<16xf32>,
        %parallel_loop3A_323 = arith.constant 3 : i32
        %parallel_loop3A_324 = arith.index_cast %parallel_loop3A_323 : i32 to index
        %parallel_loop3A_325 = arith.index_cast %parallel_loop3A_295 : i32 to index
        %parallel_loop3A_326 = tpu.vector_load %arg6[%parallel_loop3A_324, %parallel_loop3A_325] {strides = array<i32>} : memref<8x256xi32, #tpu.memory_space<vmem>>, vector<16xi32>,
        %parallel_loop3A_327 = tpu.vector_load_idx %arg5[%parallel_loop3A_326] : memref<100000xf32, #tpu.memory_space<vmem>>[vector<16xi32>], vector<16xf32>,
        %parallel_loop3A_328 = arith.constant 3 : i32
        %parallel_loop3A_329 = arith.index_cast %parallel_loop3A_328 : i32 to index
        %parallel_loop3A_330 = arith.index_cast %parallel_loop3A_295 : i32 to index
        %parallel_loop3A_331 = tpu.vector_load %arg8[%parallel_loop3A_329, %parallel_loop3A_330] {strides = array<i32>} : memref<8x256xf32, #tpu.memory_space<vmem>>, vector<16xf32>,
        tpu.vector_store %arg8[%parallel_loop3A_329, %parallel_loop3A_330], %parallel_loop3A_327 {strides = array<i32>} : memref<8x256xf32, #tpu.memory_space<vmem>>, vector<16xf32>,
        %parallel_loop3A_332 = arith.constant 4 : i32
        %parallel_loop3A_333 = arith.index_cast %parallel_loop3A_332 : i32 to index
        %parallel_loop3A_334 = arith.index_cast %parallel_loop3A_295 : i32 to index
        %parallel_loop3A_335 = tpu.vector_load %arg6[%parallel_loop3A_333, %parallel_loop3A_334] {strides = array<i32>} : memref<8x256xi32, #tpu.memory_space<vmem>>, vector<16xi32>,
        %parallel_loop3A_336 = tpu.vector_load_idx %arg5[%parallel_loop3A_335] : memref<100000xf32, #tpu.memory_space<vmem>>[vector<16xi32>], vector<16xf32>,
        %parallel_loop3A_337 = arith.constant 4 : i32
        %parallel_loop3A_338 = arith.index_cast %parallel_loop3A_337 : i32 to index
        %parallel_loop3A_339 = arith.index_cast %parallel_loop3A_295 : i32 to index
        %parallel_loop3A_340 = tpu.vector_load %arg8[%parallel_loop3A_338, %parallel_loop3A_339] {strides = array<i32>} : memref<8x256xf32, #tpu.memory_space<vmem>>, vector<16xf32>,
        tpu.vector_store %arg8[%parallel_loop3A_338, %parallel_loop3A_339], %parallel_loop3A_336 {strides = array<i32>} : memref<8x256xf32, #tpu.memory_space<vmem>>, vector<16xf32>,
        %parallel_loop3A_341 = arith.constant 5 : i32
        %parallel_loop3A_342 = arith.index_cast %parallel_loop3A_341 : i32 to index
        %parallel_loop3A_343 = arith.index_cast %parallel_loop3A_295 : i32 to index
        %parallel_loop3A_344 = tpu.vector_load %arg6[%parallel_loop3A_342, %parallel_loop3A_343] {strides = array<i32>} : memref<8x256xi32, #tpu.memory_space<vmem>>, vector<16xi32>,
        %parallel_loop3A_345 = tpu.vector_load_idx %arg5[%parallel_loop3A_344] : memref<100000xf32, #tpu.memory_space<vmem>>[vector<16xi32>], vector<16xf32>,
        %parallel_loop3A_346 = arith.constant 5 : i32
        %parallel_loop3A_347 = arith.index_cast %parallel_loop3A_346 : i32 to index
        %parallel_loop3A_348 = arith.index_cast %parallel_loop3A_295 : i32 to index
        %parallel_loop3A_349 = tpu.vector_load %arg8[%parallel_loop3A_347, %parallel_loop3A_348] {strides = array<i32>} : memref<8x256xf32, #tpu.memory_space<vmem>>, vector<16xf32>,
        tpu.vector_store %arg8[%parallel_loop3A_347, %parallel_loop3A_348], %parallel_loop3A_345 {strides = array<i32>} : memref<8x256xf32, #tpu.memory_space<vmem>>, vector<16xf32>,
        %parallel_loop3A_350 = arith.constant 6 : i32
        %parallel_loop3A_351 = arith.index_cast %parallel_loop3A_350 : i32 to index
        %parallel_loop3A_352 = arith.index_cast %parallel_loop3A_295 : i32 to index
        %parallel_loop3A_353 = tpu.vector_load %arg6[%parallel_loop3A_351, %parallel_loop3A_352] {strides = array<i32>} : memref<8x256xi32, #tpu.memory_space<vmem>>, vector<16xi32>,
        %parallel_loop3A_354 = tpu.vector_load_idx %arg5[%parallel_loop3A_353] : memref<100000xf32, #tpu.memory_space<vmem>>[vector<16xi32>], vector<16xf32>,
        %parallel_loop3A_355 = arith.constant 6 : i32
        %parallel_loop3A_356 = arith.index_cast %parallel_loop3A_355 : i32 to index
        %parallel_loop3A_357 = arith.index_cast %parallel_loop3A_295 : i32 to index
        %parallel_loop3A_358 = tpu.vector_load %arg8[%parallel_loop3A_356, %parallel_loop3A_357] {strides = array<i32>} : memref<8x256xf32, #tpu.memory_space<vmem>>, vector<16xf32>,
        tpu.vector_store %arg8[%parallel_loop3A_356, %parallel_loop3A_357], %parallel_loop3A_354 {strides = array<i32>} : memref<8x256xf32, #tpu.memory_space<vmem>>, vector<16xf32>,
        %parallel_loop3A_359 = arith.constant 7 : i32
        %parallel_loop3A_360 = arith.index_cast %parallel_loop3A_359 : i32 to index
        %parallel_loop3A_361 = arith.index_cast %parallel_loop3A_295 : i32 to index
        %parallel_loop3A_362 = tpu.vector_load %arg6[%parallel_loop3A_360, %parallel_loop3A_361] {strides = array<i32>} : memref<8x256xi32, #tpu.memory_space<vmem>>, vector<16xi32>,
        %parallel_loop3A_363 = tpu.vector_load_idx %arg5[%parallel_loop3A_362] : memref<100000xf32, #tpu.memory_space<vmem>>[vector<16xi32>], vector<16xf32>,
        %parallel_loop3A_364 = arith.constant 7 : i32
        %parallel_loop3A_365 = arith.index_cast %parallel_loop3A_364 : i32 to index
        %parallel_loop3A_366 = arith.index_cast %parallel_loop3A_295 : i32 to index
        %parallel_loop3A_367 = tpu.vector_load %arg8[%parallel_loop3A_365, %parallel_loop3A_366] {strides = array<i32>} : memref<8x256xf32, #tpu.memory_space<vmem>>, vector<16xf32>,
        tpu.vector_store %arg8[%parallel_loop3A_365, %parallel_loop3A_366], %parallel_loop3A_363 {strides = array<i32>} : memref<8x256xf32, #tpu.memory_space<vmem>>, vector<16xf32>,
      } {sc.loop_unroll_factor = 4 : i64, sc.parallel_access}
      %dma_start3A_181 = arith.constant 0 : i32
      %dma_start3A_182 = tpu.memref_slice %arg4[%add3A_74, %dma_start3A_181, %mul3A_150, %mul3A_167] : memref<64x2x200x1024xf32, #tpu.memory_space<hbm>> -> memref<1x1x8x256xf32, #tpu.memory_space<hbm>>
      %dma_start3A_183 = tpu.memref_squeeze %dma_start3A_182 : memref<1x1x8x256xf32, #tpu.memory_space<hbm>> -> memref<8x256xf32, #tpu.memory_space<hbm>>
      %dma_start3A_184 = tpu.memref_slice %arg4[%add3A_74, %dma_start3A_181, %mul3A_150, %mul3A_167] : memref<64x2x200x1024xf32, #tpu.memory_space<hbm>> -> memref<1x1x8x256xf32, #tpu.memory_space<hbm>>
      %dma_start3A_185 = tpu.memref_squeeze %dma_start3A_184 : memref<1x1x8x256xf32, #tpu.memory_space<hbm>> -> memref<8x256xf32, #tpu.memory_space<hbm>>
      tpu.enqueue_dma source(%arg8 : memref<8x256xf32, #tpu.memory_space<vmem>>) target(%dma_start3A_185 : memref<8x256xf32, #tpu.memory_space<hbm>>) target_semaphore(%arg13 : memref<!tpu.dma_semaphore, #tpu.memory_space<semaphore_mem>>)
      %jit3A_186 = arith.constant 4 : i32
      %eq3A_187 = arith.constant 0 : i32
      %eq3A_188 = arith.cmpi eq, %jit3A_186, %eq3A_187 : i32
      %jit3A_189 = arith.constant 1 : i32
      %select_n3A_190 = arith.select %eq3A_188, %jit3A_189, %jit3A_186 : i32
      %rem3A_191 = arith.remsi %add3A_132, %select_n3A_190 : i32
      %ne3A_192 = arith.constant 0 : i32
      %ne3A_193 = arith.cmpi ne, %rem3A_191, %ne3A_192 : i32
      %lt3A_194 = arith.constant 0 : i32
      %lt3A_195 = arith.cmpi slt, %rem3A_191, %lt3A_194 : i32
      %lt3A_196 = arith.constant 0 : i32
      %lt3A_197 = arith.cmpi slt, %select_n3A_190, %lt3A_196 : i32
      %ne3A_198 = arith.xori %lt3A_195, %lt3A_197 : i1
      %and3A_199 = arith.andi %ne3A_198, %ne3A_193 : i1
      %add3A_200 = arith.addi %rem3A_191, %select_n3A_190 : i32
      %select_n3A_201 = arith.select %and3A_199, %add3A_200, %rem3A_191 : i32
      %eq3A_202 = arith.constant 0 : i32
      %eq3A_203 = arith.cmpi eq, %select_n3A_201, %eq3A_202 : i32
      %ge3A_204 = arith.constant 4 : i32
      %ge3A_205 = arith.cmpi sge, %add3A_132, %ge3A_204 : i32
      %and3A_206 = arith.andi %eq3A_203, %ge3A_205 : i1
      %convert_element_type3A_207 = arith.extui %and3A_206 : i1 to i32
      %cond3A_208 = arith.constant 1 : i32
      %cond3A_209 = arith.constant 0 : i32
      %cond3A_210 = arith.cmpi ne, %convert_element_type3A_207, %cond3A_209 : i32
      scf.if %cond3A_210 {
        %dma_wait3A_295 = arith.constant 0 : i32
        %dma_wait3A_296 = tpu.memref_slice %arg4[%add3A_74, %cond3A_208, %mul3A_150, %dma_wait3A_295] : memref<64x2x200x1024xf32, #tpu.memory_space<hbm>> -> memref<1x1x8x1024xf32, #tpu.memory_space<hbm>>
        %dma_wait3A_297 = tpu.memref_squeeze %dma_wait3A_296 : memref<1x1x8x1024xf32, #tpu.memory_space<hbm>> -> memref<8x1024xf32, #tpu.memory_space<hbm>>
        %dma_wait3A_298 = arith.constant 0 : i32
        %dma_wait3A_299 = tpu.memref_slice %arg4[%add3A_74, %cond3A_208, %mul3A_150, %dma_wait3A_298] : memref<64x2x200x1024xf32, #tpu.memory_space<hbm>> -> memref<1x1x8x1024xf32, #tpu.memory_space<hbm>>
        %dma_wait3A_300 = tpu.memref_squeeze %dma_wait3A_299 : memref<1x1x8x1024xf32, #tpu.memory_space<hbm>> -> memref<8x1024xf32, #tpu.memory_space<hbm>>
        tpu.wait_dma2 semaphore(%arg15 : memref<!tpu.dma_semaphore, #tpu.memory_space<semaphore_mem>>) src(%arg10 : memref<8x1024xf32, #tpu.memory_space<vmem>>) dst(%dma_wait3A_300 : memref<8x1024xf32, #tpu.memory_space<hbm>>)
      } else {
      }
      %convert_element_type3A_211 = arith.extui %eq3A_203 : i1 to i32
      %cond3A_212 = arith.constant 1 : i32
      %cond3A_213 = arith.constant 0 : i32
      %cond3A_214 = arith.cmpi ne, %convert_element_type3A_211, %cond3A_213 : i32
      scf.if %cond3A_214 {
        %dma_start3A_295 = arith.constant 0 : i32
        %dma_start3A_296 = tpu.memref_slice %arg4[%add3A_74, %cond3A_212, %mul3A_150, %dma_start3A_295] : memref<64x2x200x1024xf32, #tpu.memory_space<hbm>> -> memref<1x1x8x1024xf32, #tpu.memory_space<hbm>>
        %dma_start3A_297 = tpu.memref_squeeze %dma_start3A_296 : memref<1x1x8x1024xf32, #tpu.memory_space<hbm>> -> memref<8x1024xf32, #tpu.memory_space<hbm>>
        %dma_start3A_298 = arith.constant 0 : i32
        %dma_start3A_299 = tpu.memref_slice %arg4[%add3A_74, %cond3A_212, %mul3A_150, %dma_start3A_298] : memref<64x2x200x1024xf32, #tpu.memory_space<hbm>> -> memref<1x1x8x1024xf32, #tpu.memory_space<hbm>>
        %dma_start3A_300 = tpu.memref_squeeze %dma_start3A_299 : memref<1x1x8x1024xf32, #tpu.memory_space<hbm>> -> memref<8x1024xf32, #tpu.memory_space<hbm>>
        tpu.enqueue_dma source(%arg10 : memref<8x1024xf32, #tpu.memory_space<vmem>>) target(%dma_start3A_300 : memref<8x1024xf32, #tpu.memory_space<hbm>>) target_semaphore(%arg15 : memref<!tpu.dma_semaphore, #tpu.memory_space<semaphore_mem>>)
      } else {
      }
      %add3A_215 = arith.constant 2 : i32
      %add3A_216 = arith.addi %add3A_132, %add3A_215 : i32
      %lt3A_217 = arith.constant 100 : i32
      %lt3A_218 = arith.cmpi slt, %add3A_216, %lt3A_217 : i32
      %convert_element_type3A_219 = arith.extui %lt3A_218 : i1 to i32
      %cond3A_220 = arith.constant 0 : i32
      %cond3A_221 = arith.cmpi ne, %convert_element_type3A_219, %cond3A_220 : i32
      scf.if %cond3A_221 {
        %add3A_295 = arith.constant 2 : i32
        %add3A_296 = arith.addi %add3A_132, %add3A_295 : i32
        %jit3A_297 = arith.constant 4 : i32
        %div3A_298 = arith.divsi %add3A_296, %jit3A_297 : i32
        %sign3A_299 = arith.constant 0 : i32
        %sign3A_300 = arith.cmpi sgt, %add3A_296, %sign3A_299 : i32
        %sign3A_301 = arith.extui %sign3A_300 : i1 to i32
        %sign3A_302 = arith.constant 0 : i32
        %sign3A_303 = arith.cmpi slt, %add3A_296, %sign3A_302 : i32
        %sign3A_304 = arith.extui %sign3A_303 : i1 to i32
        %sign3A_305 = arith.subi %sign3A_301, %sign3A_304 : i32
        %sign3A_306 = arith.constant 0 : i32
        %sign3A_307 = arith.cmpi sgt, %jit3A_297, %sign3A_306 : i32
        %sign3A_308 = arith.extui %sign3A_307 : i1 to i32
        %sign3A_309 = arith.constant 0 : i32
        %sign3A_310 = arith.cmpi slt, %jit3A_297, %sign3A_309 : i32
        %sign3A_311 = arith.extui %sign3A_310 : i1 to i32
        %sign3A_312 = arith.subi %sign3A_308, %sign3A_311 : i32
        %ne3A_313 = arith.cmpi ne, %sign3A_305, %sign3A_312 : i32
        %rem3A_314 = arith.remsi %add3A_296, %jit3A_297 : i32
        %ne3A_315 = arith.constant 0 : i32
        %ne3A_316 = arith.cmpi ne, %rem3A_314, %ne3A_315 : i32
        %and3A_317 = arith.andi %ne3A_313, %ne3A_316 : i1
        %sub3A_318 = arith.constant 1 : i32
        %sub3A_319 = arith.subi %div3A_298, %sub3A_318 : i32
        %select_n3A_320 = arith.select %and3A_317, %sub3A_319, %div3A_298 : i32
        %mul3A_321 = arith.constant 8 : i32
        %mul3A_322 = arith.muli %select_n3A_320, %mul3A_321 : i32
        %jit3A_323 = arith.constant 4 : i32
        %eq3A_324 = arith.constant 0 : i32
        %eq3A_325 = arith.cmpi eq, %jit3A_323, %eq3A_324 : i32
        %jit3A_326 = arith.constant 1 : i32
        %select_n3A_327 = arith.select %eq3A_325, %jit3A_326, %jit3A_323 : i32
        %rem3A_328 = arith.remsi %add3A_296, %select_n3A_327 : i32
        %ne3A_329 = arith.constant 0 : i32
        %ne3A_330 = arith.cmpi ne, %rem3A_328, %ne3A_329 : i32
        %lt3A_331 = arith.constant 0 : i32
        %lt3A_332 = arith.cmpi slt, %rem3A_328, %lt3A_331 : i32
        %lt3A_333 = arith.constant 0 : i32
        %lt3A_334 = arith.cmpi slt, %select_n3A_327, %lt3A_333 : i32
        %ne3A_335 = arith.xori %lt3A_332, %lt3A_334 : i1
        %and3A_336 = arith.andi %ne3A_335, %ne3A_330 : i1
        %add3A_337 = arith.addi %rem3A_328, %select_n3A_327 : i32
        %select_n3A_338 = arith.select %and3A_336, %add3A_337, %rem3A_328 : i32
        %mul3A_339 = arith.constant 256 : i32
        %mul3A_340 = arith.muli %select_n3A_338, %mul3A_339 : i32
        %dma_start3A_341 = tpu.memref_slice %arg17[%mul3A_322, %mul3A_340] : memref<200x1024xi32, #tpu.memory_space<vmem_shared>> -> memref<8x256xi32, #tpu.memory_space<vmem_shared>>
        %dma_start3A_342 = tpu.memref_slice %arg17[%mul3A_322, %mul3A_340] : memref<200x1024xi32, #tpu.memory_space<vmem_shared>> -> memref<8x256xi32, #tpu.memory_space<vmem_shared>>
        tpu.enqueue_dma source(%dma_start3A_342 : memref<8x256xi32, #tpu.memory_space<vmem_shared>>) target(%arg6 : memref<8x256xi32, #tpu.memory_space<vmem>>) target_semaphore(%arg11 : memref<!tpu.dma_semaphore, #tpu.memory_space<semaphore_mem>>)
      } else {
      }
      %add3A_222 = arith.constant 1 : i32
      %add3A_223 = arith.addi %add3A_130, %add3A_222 : i32
      %jit3A_224 = arith.constant 4 : i32
      %div3A_225 = arith.divsi %add3A_223, %jit3A_224 : i32
      %sign3A_226 = arith.constant 0 : i32
      %sign3A_227 = arith.cmpi sgt, %add3A_223, %sign3A_226 : i32
      %sign3A_228 = arith.extui %sign3A_227 : i1 to i32
      %sign3A_229 = arith.constant 0 : i32
      %sign3A_230 = arith.cmpi slt, %add3A_223, %sign3A_229 : i32
      %sign3A_231 = arith.extui %sign3A_230 : i1 to i32
      %sign3A_232 = arith.subi %sign3A_228, %sign3A_231 : i32
      %sign3A_233 = arith.constant 0 : i32
      %sign3A_234 = arith.cmpi sgt, %jit3A_224, %sign3A_233 : i32
      %sign3A_235 = arith.extui %sign3A_234 : i1 to i32
      %sign3A_236 = arith.constant 0 : i32
      %sign3A_237 = arith.cmpi slt, %jit3A_224, %sign3A_236 : i32
      %sign3A_238 = arith.extui %sign3A_237 : i1 to i32
      %sign3A_239 = arith.subi %sign3A_235, %sign3A_238 : i32
      %ne3A_240 = arith.cmpi ne, %sign3A_232, %sign3A_239 : i32
      %rem3A_241 = arith.remsi %add3A_223, %jit3A_224 : i32
      %ne3A_242 = arith.constant 0 : i32
      %ne3A_243 = arith.cmpi ne, %rem3A_241, %ne3A_242 : i32
      %and3A_244 = arith.andi %ne3A_240, %ne3A_243 : i1
      %sub3A_245 = arith.constant 1 : i32
      %sub3A_246 = arith.subi %div3A_225, %sub3A_245 : i32
      %select_n3A_247 = arith.select %and3A_244, %sub3A_246, %div3A_225 : i32
      %mul3A_248 = arith.constant 8 : i32
      %mul3A_249 = arith.muli %select_n3A_247, %mul3A_248 : i32
      %jit3A_250 = arith.constant 4 : i32
      %eq3A_251 = arith.constant 0 : i32
      %eq3A_252 = arith.cmpi eq, %jit3A_250, %eq3A_251 : i32
      %jit3A_253 = arith.constant 1 : i32
      %select_n3A_254 = arith.select %eq3A_252, %jit3A_253, %jit3A_250 : i32
      %rem3A_255 = arith.remsi %add3A_223, %select_n3A_254 : i32
      %ne3A_256 = arith.constant 0 : i32
      %ne3A_257 = arith.cmpi ne, %rem3A_255, %ne3A_256 : i32
      %lt3A_258 = arith.constant 0 : i32
      %lt3A_259 = arith.cmpi slt, %rem3A_255, %lt3A_258 : i32
      %lt3A_260 = arith.constant 0 : i32
      %lt3A_261 = arith.cmpi slt, %select_n3A_254, %lt3A_260 : i32
      %ne3A_262 = arith.xori %lt3A_259, %lt3A_261 : i1
      %and3A_263 = arith.andi %ne3A_262, %ne3A_257 : i1
      %add3A_264 = arith.addi %rem3A_255, %select_n3A_254 : i32
      %select_n3A_265 = arith.select %and3A_263, %add3A_264, %rem3A_255 : i32
      %mul3A_266 = arith.constant 256 : i32
      %mul3A_267 = arith.muli %select_n3A_265, %mul3A_266 : i32
      %dma_wait3A_268 = arith.constant 0 : i32
      %dma_wait3A_269 = arith.constant 0 : i32
      %dma_wait3A_270 = tpu.memref_slice %arg17[%dma_wait3A_268, %dma_wait3A_269] : memref<200x1024xi32, #tpu.memory_space<vmem_shared>> -> memref<8x256xi32, #tpu.memory_space<vmem_shared>>
      %dma_wait3A_271 = arith.constant 0 : i32
      %dma_wait3A_272 = arith.constant 0 : i32
      %dma_wait3A_273 = tpu.memref_slice %arg17[%dma_wait3A_271, %dma_wait3A_272] : memref<200x1024xi32, #tpu.memory_space<vmem_shared>> -> memref<8x256xi32, #tpu.memory_space<vmem_shared>>
      tpu.wait_dma2 semaphore(%arg12 : memref<!tpu.dma_semaphore, #tpu.memory_space<semaphore_mem>>) src(%dma_wait3A_273 : memref<8x256xi32, #tpu.memory_space<vmem_shared>>) dst(%arg7 : memref<8x256xi32, #tpu.memory_space<vmem>>)
      %ge3A_274 = arith.constant 2 : i32
      %ge3A_275 = arith.cmpi sge, %add3A_223, %ge3A_274 : i32
      %convert_element_type3A_276 = arith.extui %ge3A_275 : i1 to i32
      %cond3A_277 = arith.constant 0 : i32
      %cond3A_278 = arith.constant 0 : i32
      %cond3A_279 = arith.cmpi ne, %convert_element_type3A_276, %cond3A_278 : i32
      scf.if %cond3A_279 {
        %dma_wait3A_295 = tpu.memref_slice %arg4[%add3A_74, %cond3A_277, %mul3A_249, %mul3A_267] : memref<64x2x200x1024xf32, #tpu.memory_space<hbm>> -> memref<1x1x8x256xf32, #tpu.memory_space<hbm>>
        %dma_wait3A_296 = tpu.memref_squeeze %dma_wait3A_295 : memref<1x1x8x256xf32, #tpu.memory_space<hbm>> -> memref<8x256xf32, #tpu.memory_space<hbm>>
        %dma_wait3A_297 = tpu.memref_slice %arg4[%add3A_74, %cond3A_277, %mul3A_249, %mul3A_267] : memref<64x2x200x1024xf32, #tpu.memory_space<hbm>> -> memref<1x1x8x256xf32, #tpu.memory_space<hbm>>
        %dma_wait3A_298 = tpu.memref_squeeze %dma_wait3A_297 : memref<1x1x8x256xf32, #tpu.memory_space<hbm>> -> memref<8x256xf32, #tpu.memory_space<hbm>>
        tpu.wait_dma2 semaphore(%arg14 : memref<!tpu.dma_semaphore, #tpu.memory_space<semaphore_mem>>) src(%arg9 : memref<8x256xf32, #tpu.memory_space<vmem>>) dst(%dma_wait3A_298 : memref<8x256xf32, #tpu.memory_space<hbm>>)
      } else {
      }
      %parallel_loop3A_280 = arith.constant 0 : i32
      %parallel_loop3A_281 = arith.constant 256 : i32
      %parallel_loop3A_282 = arith.constant 16 : i32
      scf.for %parallel_loop3A_295 = %parallel_loop3A_280 to %parallel_loop3A_281 step %parallel_loop3A_282  : i32 {
        %parallel_loop3A_296 = arith.constant 0 : i32
        %parallel_loop3A_297 = arith.index_cast %parallel_loop3A_296 : i32 to index
        %parallel_loop3A_298 = arith.index_cast %parallel_loop3A_295 : i32 to index
        %parallel_loop3A_299 = tpu.vector_load %arg7[%parallel_loop3A_297, %parallel_loop3A_298] {strides = array<i32>} : memref<8x256xi32, #tpu.memory_space<vmem>>, vector<16xi32>,
        %parallel_loop3A_300 = tpu.vector_load_idx %arg5[%parallel_loop3A_299] : memref<100000xf32, #tpu.memory_space<vmem>>[vector<16xi32>], vector<16xf32>,
        %parallel_loop3A_301 = arith.constant 0 : i32
        %parallel_loop3A_302 = arith.index_cast %parallel_loop3A_301 : i32 to index
        %parallel_loop3A_303 = arith.index_cast %parallel_loop3A_295 : i32 to index
        %parallel_loop3A_304 = tpu.vector_load %arg9[%parallel_loop3A_302, %parallel_loop3A_303] {strides = array<i32>} : memref<8x256xf32, #tpu.memory_space<vmem>>, vector<16xf32>,
        tpu.vector_store %arg9[%parallel_loop3A_302, %parallel_loop3A_303], %parallel_loop3A_300 {strides = array<i32>} : memref<8x256xf32, #tpu.memory_space<vmem>>, vector<16xf32>,
        %parallel_loop3A_305 = arith.constant 1 : i32
        %parallel_loop3A_306 = arith.index_cast %parallel_loop3A_305 : i32 to index
        %parallel_loop3A_307 = arith.index_cast %parallel_loop3A_295 : i32 to index
        %parallel_loop3A_308 = tpu.vector_load %arg7[%parallel_loop3A_306, %parallel_loop3A_307] {strides = array<i32>} : memref<8x256xi32, #tpu.memory_space<vmem>>, vector<16xi32>,
        %parallel_loop3A_309 = tpu.vector_load_idx %arg5[%parallel_loop3A_308] : memref<100000xf32, #tpu.memory_space<vmem>>[vector<16xi32>], vector<16xf32>,
        %parallel_loop3A_310 = arith.constant 1 : i32
        %parallel_loop3A_311 = arith.index_cast %parallel_loop3A_310 : i32 to index
        %parallel_loop3A_312 = arith.index_cast %parallel_loop3A_295 : i32 to index
        %parallel_loop3A_313 = tpu.vector_load %arg9[%parallel_loop3A_311, %parallel_loop3A_312] {strides = array<i32>} : memref<8x256xf32, #tpu.memory_space<vmem>>, vector<16xf32>,
        tpu.vector_store %arg9[%parallel_loop3A_311, %parallel_loop3A_312], %parallel_loop3A_309 {strides = array<i32>} : memref<8x256xf32, #tpu.memory_space<vmem>>, vector<16xf32>,
        %parallel_loop3A_314 = arith.constant 2 : i32
        %parallel_loop3A_315 = arith.index_cast %parallel_loop3A_314 : i32 to index
        %parallel_loop3A_316 = arith.index_cast %parallel_loop3A_295 : i32 to index
        %parallel_loop3A_317 = tpu.vector_load %arg7[%parallel_loop3A_315, %parallel_loop3A_316] {strides = array<i32>} : memref<8x256xi32, #tpu.memory_space<vmem>>, vector<16xi32>,
        %parallel_loop3A_318 = tpu.vector_load_idx %arg5[%parallel_loop3A_317] : memref<100000xf32, #tpu.memory_space<vmem>>[vector<16xi32>], vector<16xf32>,
        %parallel_loop3A_319 = arith.constant 2 : i32
        %parallel_loop3A_320 = arith.index_cast %parallel_loop3A_319 : i32 to index
        %parallel_loop3A_321 = arith.index_cast %parallel_loop3A_295 : i32 to index
        %parallel_loop3A_322 = tpu.vector_load %arg9[%parallel_loop3A_320, %parallel_loop3A_321] {strides = array<i32>} : memref<8x256xf32, #tpu.memory_space<vmem>>, vector<16xf32>,
        tpu.vector_store %arg9[%parallel_loop3A_320, %parallel_loop3A_321], %parallel_loop3A_318 {strides = array<i32>} : memref<8x256xf32, #tpu.memory_space<vmem>>, vector<16xf32>,
        %parallel_loop3A_323 = arith.constant 3 : i32
        %parallel_loop3A_324 = arith.index_cast %parallel_loop3A_323 : i32 to index
        %parallel_loop3A_325 = arith.index_cast %parallel_loop3A_295 : i32 to index
        %parallel_loop3A_326 = tpu.vector_load %arg7[%parallel_loop3A_324, %parallel_loop3A_325] {strides = array<i32>} : memref<8x256xi32, #tpu.memory_space<vmem>>, vector<16xi32>,
        %parallel_loop3A_327 = tpu.vector_load_idx %arg5[%parallel_loop3A_326] : memref<100000xf32, #tpu.memory_space<vmem>>[vector<16xi32>], vector<16xf32>,
        %parallel_loop3A_328 = arith.constant 3 : i32
        %parallel_loop3A_329 = arith.index_cast %parallel_loop3A_328 : i32 to index
        %parallel_loop3A_330 = arith.index_cast %parallel_loop3A_295 : i32 to index
        %parallel_loop3A_331 = tpu.vector_load %arg9[%parallel_loop3A_329, %parallel_loop3A_330] {strides = array<i32>} : memref<8x256xf32, #tpu.memory_space<vmem>>, vector<16xf32>,
        tpu.vector_store %arg9[%parallel_loop3A_329, %parallel_loop3A_330], %parallel_loop3A_327 {strides = array<i32>} : memref<8x256xf32, #tpu.memory_space<vmem>>, vector<16xf32>,
        %parallel_loop3A_332 = arith.constant 4 : i32
        %parallel_loop3A_333 = arith.index_cast %parallel_loop3A_332 : i32 to index
        %parallel_loop3A_334 = arith.index_cast %parallel_loop3A_295 : i32 to index
        %parallel_loop3A_335 = tpu.vector_load %arg7[%parallel_loop3A_333, %parallel_loop3A_334] {strides = array<i32>} : memref<8x256xi32, #tpu.memory_space<vmem>>, vector<16xi32>,
        %parallel_loop3A_336 = tpu.vector_load_idx %arg5[%parallel_loop3A_335] : memref<100000xf32, #tpu.memory_space<vmem>>[vector<16xi32>], vector<16xf32>,
        %parallel_loop3A_337 = arith.constant 4 : i32
        %parallel_loop3A_338 = arith.index_cast %parallel_loop3A_337 : i32 to index
        %parallel_loop3A_339 = arith.index_cast %parallel_loop3A_295 : i32 to index
        %parallel_loop3A_340 = tpu.vector_load %arg9[%parallel_loop3A_338, %parallel_loop3A_339] {strides = array<i32>} : memref<8x256xf32, #tpu.memory_space<vmem>>, vector<16xf32>,
        tpu.vector_store %arg9[%parallel_loop3A_338, %parallel_loop3A_339], %parallel_loop3A_336 {strides = array<i32>} : memref<8x256xf32, #tpu.memory_space<vmem>>, vector<16xf32>,
        %parallel_loop3A_341 = arith.constant 5 : i32
        %parallel_loop3A_342 = arith.index_cast %parallel_loop3A_341 : i32 to index
        %parallel_loop3A_343 = arith.index_cast %parallel_loop3A_295 : i32 to index
        %parallel_loop3A_344 = tpu.vector_load %arg7[%parallel_loop3A_342, %parallel_loop3A_343] {strides = array<i32>} : memref<8x256xi32, #tpu.memory_space<vmem>>, vector<16xi32>,
        %parallel_loop3A_345 = tpu.vector_load_idx %arg5[%parallel_loop3A_344] : memref<100000xf32, #tpu.memory_space<vmem>>[vector<16xi32>], vector<16xf32>,
        %parallel_loop3A_346 = arith.constant 5 : i32
        %parallel_loop3A_347 = arith.index_cast %parallel_loop3A_346 : i32 to index
        %parallel_loop3A_348 = arith.index_cast %parallel_loop3A_295 : i32 to index
        %parallel_loop3A_349 = tpu.vector_load %arg9[%parallel_loop3A_347, %parallel_loop3A_348] {strides = array<i32>} : memref<8x256xf32, #tpu.memory_space<vmem>>, vector<16xf32>,
        tpu.vector_store %arg9[%parallel_loop3A_347, %parallel_loop3A_348], %parallel_loop3A_345 {strides = array<i32>} : memref<8x256xf32, #tpu.memory_space<vmem>>, vector<16xf32>,
        %parallel_loop3A_350 = arith.constant 6 : i32
        %parallel_loop3A_351 = arith.index_cast %parallel_loop3A_350 : i32 to index
        %parallel_loop3A_352 = arith.index_cast %parallel_loop3A_295 : i32 to index
        %parallel_loop3A_353 = tpu.vector_load %arg7[%parallel_loop3A_351, %parallel_loop3A_352] {strides = array<i32>} : memref<8x256xi32, #tpu.memory_space<vmem>>, vector<16xi32>,
        %parallel_loop3A_354 = tpu.vector_load_idx %arg5[%parallel_loop3A_353] : memref<100000xf32, #tpu.memory_space<vmem>>[vector<16xi32>], vector<16xf32>,
        %parallel_loop3A_355 = arith.constant 6 : i32
        %parallel_loop3A_356 = arith.index_cast %parallel_loop3A_355 : i32 to index
        %parallel_loop3A_357 = arith.index_cast %parallel_loop3A_295 : i32 to index
        %parallel_loop3A_358 = tpu.vector_load %arg9[%parallel_loop3A_356, %parallel_loop3A_357] {strides = array<i32>} : memref<8x256xf32, #tpu.memory_space<vmem>>, vector<16xf32>,
        tpu.vector_store %arg9[%parallel_loop3A_356, %parallel_loop3A_357], %parallel_loop3A_354 {strides = array<i32>} : memref<8x256xf32, #tpu.memory_space<vmem>>, vector<16xf32>,
        %parallel_loop3A_359 = arith.constant 7 : i32
        %parallel_loop3A_360 = arith.index_cast %parallel_loop3A_359 : i32 to index
        %parallel_loop3A_361 = arith.index_cast %parallel_loop3A_295 : i32 to index
        %parallel_loop3A_362 = tpu.vector_load %arg7[%parallel_loop3A_360, %parallel_loop3A_361] {strides = array<i32>} : memref<8x256xi32, #tpu.memory_space<vmem>>, vector<16xi32>,
        %parallel_loop3A_363 = tpu.vector_load_idx %arg5[%parallel_loop3A_362] : memref<100000xf32, #tpu.memory_space<vmem>>[vector<16xi32>], vector<16xf32>,
        %parallel_loop3A_364 = arith.constant 7 : i32
        %parallel_loop3A_365 = arith.index_cast %parallel_loop3A_364 : i32 to index
        %parallel_loop3A_366 = arith.index_cast %parallel_loop3A_295 : i32 to index
        %parallel_loop3A_367 = tpu.vector_load %arg9[%parallel_loop3A_365, %parallel_loop3A_366] {strides = array<i32>} : memref<8x256xf32, #tpu.memory_space<vmem>>, vector<16xf32>,
        tpu.vector_store %arg9[%parallel_loop3A_365, %parallel_loop3A_366], %parallel_loop3A_363 {strides = array<i32>} : memref<8x256xf32, #tpu.memory_space<vmem>>, vector<16xf32>,
      } {sc.loop_unroll_factor = 4 : i64, sc.parallel_access}
      %dma_start3A_283 = arith.constant 0 : i32
      %dma_start3A_284 = tpu.memref_slice %arg4[%add3A_74, %dma_start3A_283, %mul3A_249, %mul3A_267] : memref<64x2x200x1024xf32, #tpu.memory_space<hbm>> -> memref<1x1x8x256xf32, #tpu.memory_space<hbm>>
      %dma_start3A_285 = tpu.memref_squeeze %dma_start3A_284 : memref<1x1x8x256xf32, #tpu.memory_space<hbm>> -> memref<8x256xf32, #tpu.memory_space<hbm>>
      %dma_start3A_286 = tpu.memref_slice %arg4[%add3A_74, %dma_start3A_283, %mul3A_249, %mul3A_267] : memref<64x2x200x1024xf32, #tpu.memory_space<hbm>> -> memref<1x1x8x256xf32, #tpu.memory_space<hbm>>
      %dma_start3A_287 = tpu.memref_squeeze %dma_start3A_286 : memref<1x1x8x256xf32, #tpu.memory_space<hbm>> -> memref<8x256xf32, #tpu.memory_space<hbm>>
      tpu.enqueue_dma source(%arg9 : memref<8x256xf32, #tpu.memory_space<vmem>>) target(%dma_start3A_287 : memref<8x256xf32, #tpu.memory_space<hbm>>) target_semaphore(%arg14 : memref<!tpu.dma_semaphore, #tpu.memory_space<semaphore_mem>>)
      %add3A_288 = arith.constant 2 : i32
      %add3A_289 = arith.addi %add3A_223, %add3A_288 : i32
      %lt3A_290 = arith.constant 100 : i32
      %lt3A_291 = arith.cmpi slt, %add3A_289, %lt3A_290 : i32
      %convert_element_type3A_292 = arith.extui %lt3A_291 : i1 to i32
      %cond3A_293 = arith.constant 0 : i32
      %cond3A_294 = arith.cmpi ne, %convert_element_type3A_292, %cond3A_293 : i32
      scf.if %cond3A_294 {
        %add3A_295 = arith.constant 2 : i32
        %add3A_296 = arith.addi %add3A_223, %add3A_295 : i32
        %jit3A_297 = arith.constant 4 : i32
        %div3A_298 = arith.divsi %add3A_296, %jit3A_297 : i32
        %sign3A_299 = arith.constant 0 : i32
        %sign3A_300 = arith.cmpi sgt, %add3A_296, %sign3A_299 : i32
        %sign3A_301 = arith.extui %sign3A_300 : i1 to i32
        %sign3A_302 = arith.constant 0 : i32
        %sign3A_303 = arith.cmpi slt, %add3A_296, %sign3A_302 : i32
        %sign3A_304 = arith.extui %sign3A_303 : i1 to i32
        %sign3A_305 = arith.subi %sign3A_301, %sign3A_304 : i32
        %sign3A_306 = arith.constant 0 : i32
        %sign3A_307 = arith.cmpi sgt, %jit3A_297, %sign3A_306 : i32
        %sign3A_308 = arith.extui %sign3A_307 : i1 to i32
        %sign3A_309 = arith.constant 0 : i32
        %sign3A_310 = arith.cmpi slt, %jit3A_297, %sign3A_309 : i32
        %sign3A_311 = arith.extui %sign3A_310 : i1 to i32
        %sign3A_312 = arith.subi %sign3A_308, %sign3A_311 : i32
        %ne3A_313 = arith.cmpi ne, %sign3A_305, %sign3A_312 : i32
        %rem3A_314 = arith.remsi %add3A_296, %jit3A_297 : i32
        %ne3A_315 = arith.constant 0 : i32
        %ne3A_316 = arith.cmpi ne, %rem3A_314, %ne3A_315 : i32
        %and3A_317 = arith.andi %ne3A_313, %ne3A_316 : i1
        %sub3A_318 = arith.constant 1 : i32
        %sub3A_319 = arith.subi %div3A_298, %sub3A_318 : i32
        %select_n3A_320 = arith.select %and3A_317, %sub3A_319, %div3A_298 : i32
        %mul3A_321 = arith.constant 8 : i32
        %mul3A_322 = arith.muli %select_n3A_320, %mul3A_321 : i32
        %jit3A_323 = arith.constant 4 : i32
        %eq3A_324 = arith.constant 0 : i32
        %eq3A_325 = arith.cmpi eq, %jit3A_323, %eq3A_324 : i32
        %jit3A_326 = arith.constant 1 : i32
        %select_n3A_327 = arith.select %eq3A_325, %jit3A_326, %jit3A_323 : i32
        %rem3A_328 = arith.remsi %add3A_296, %select_n3A_327 : i32
        %ne3A_329 = arith.constant 0 : i32
        %ne3A_330 = arith.cmpi ne, %rem3A_328, %ne3A_329 : i32
        %lt3A_331 = arith.constant 0 : i32
        %lt3A_332 = arith.cmpi slt, %rem3A_328, %lt3A_331 : i32
        %lt3A_333 = arith.constant 0 : i32
        %lt3A_334 = arith.cmpi slt, %select_n3A_327, %lt3A_333 : i32
        %ne3A_335 = arith.xori %lt3A_332, %lt3A_334 : i1
        %and3A_336 = arith.andi %ne3A_335, %ne3A_330 : i1
        %add3A_337 = arith.addi %rem3A_328, %select_n3A_327 : i32
        %select_n3A_338 = arith.select %and3A_336, %add3A_337, %rem3A_328 : i32
        %mul3A_339 = arith.constant 256 : i32
        %mul3A_340 = arith.muli %select_n3A_338, %mul3A_339 : i32
        %dma_start3A_341 = tpu.memref_slice %arg17[%mul3A_322, %mul3A_340] : memref<200x1024xi32, #tpu.memory_space<vmem_shared>> -> memref<8x256xi32, #tpu.memory_space<vmem_shared>>
        %dma_start3A_342 = tpu.memref_slice %arg17[%mul3A_322, %mul3A_340] : memref<200x1024xi32, #tpu.memory_space<vmem_shared>> -> memref<8x256xi32, #tpu.memory_space<vmem_shared>>
        tpu.enqueue_dma source(%dma_start3A_342 : memref<8x256xi32, #tpu.memory_space<vmem_shared>>) target(%arg7 : memref<8x256xi32, #tpu.memory_space<vmem>>) target_semaphore(%arg12 : memref<!tpu.dma_semaphore, #tpu.memory_space<semaphore_mem>>)
      } else {
      }
    }
    %scan3A_98 = arith.constant 50 : i32
    %dma_wait3A_99 = arith.constant 0 : i32
    %dma_wait3A_100 = arith.constant 0 : i32
    %dma_wait3A_101 = arith.constant 0 : i32
    %dma_wait3A_102 = tpu.memref_slice %arg4[%add3A_74, %dma_wait3A_99, %dma_wait3A_100, %dma_wait3A_101] : memref<64x2x200x1024xf32, #tpu.memory_space<hbm>> -> memref<1x1x8x256xf32, #tpu.memory_space<hbm>>
    %dma_wait3A_103 = tpu.memref_squeeze %dma_wait3A_102 : memref<1x1x8x256xf32, #tpu.memory_space<hbm>> -> memref<8x256xf32, #tpu.memory_space<hbm>>
    %dma_wait3A_104 = arith.constant 0 : i32
    %dma_wait3A_105 = arith.constant 0 : i32
    %dma_wait3A_106 = tpu.memref_slice %arg4[%add3A_74, %dma_wait3A_99, %dma_wait3A_104, %dma_wait3A_105] : memref<64x2x200x1024xf32, #tpu.memory_space<hbm>> -> memref<1x1x8x256xf32, #tpu.memory_space<hbm>>
    %dma_wait3A_107 = tpu.memref_squeeze %dma_wait3A_106 : memref<1x1x8x256xf32, #tpu.memory_space<hbm>> -> memref<8x256xf32, #tpu.memory_space<hbm>>
    tpu.wait_dma2 semaphore(%arg13 : memref<!tpu.dma_semaphore, #tpu.memory_space<semaphore_mem>>) src(%arg8 : memref<8x256xf32, #tpu.memory_space<vmem>>) dst(%dma_wait3A_107 : memref<8x256xf32, #tpu.memory_space<hbm>>)
    %dma_wait3A_108 = arith.constant 0 : i32
    %dma_wait3A_109 = arith.constant 0 : i32
    %dma_wait3A_110 = arith.constant 0 : i32
    %dma_wait3A_111 = tpu.memref_slice %arg4[%add3A_74, %dma_wait3A_108, %dma_wait3A_109, %dma_wait3A_110] : memref<64x2x200x1024xf32, #tpu.memory_space<hbm>> -> memref<1x1x8x256xf32, #tpu.memory_space<hbm>>
    %dma_wait3A_112 = tpu.memref_squeeze %dma_wait3A_111 : memref<1x1x8x256xf32, #tpu.memory_space<hbm>> -> memref<8x256xf32, #tpu.memory_space<hbm>>
    %dma_wait3A_113 = arith.constant 0 : i32
    %dma_wait3A_114 = arith.constant 0 : i32
    %dma_wait3A_115 = tpu.memref_slice %arg4[%add3A_74, %dma_wait3A_108, %dma_wait3A_113, %dma_wait3A_114] : memref<64x2x200x1024xf32, #tpu.memory_space<hbm>> -> memref<1x1x8x256xf32, #tpu.memory_space<hbm>>
    %dma_wait3A_116 = tpu.memref_squeeze %dma_wait3A_115 : memref<1x1x8x256xf32, #tpu.memory_space<hbm>> -> memref<8x256xf32, #tpu.memory_space<hbm>>
    tpu.wait_dma2 semaphore(%arg14 : memref<!tpu.dma_semaphore, #tpu.memory_space<semaphore_mem>>) src(%arg9 : memref<8x256xf32, #tpu.memory_space<vmem>>) dst(%dma_wait3A_116 : memref<8x256xf32, #tpu.memory_space<hbm>>)
    %dma_wait3A_117 = arith.constant 1 : i32
    %dma_wait3A_118 = arith.constant 0 : i32
    %dma_wait3A_119 = arith.constant 0 : i32
    %dma_wait3A_120 = tpu.memref_slice %arg4[%add3A_74, %dma_wait3A_117, %dma_wait3A_118, %dma_wait3A_119] : memref<64x2x200x1024xf32, #tpu.memory_space<hbm>> -> memref<1x1x8x1024xf32, #tpu.memory_space<hbm>>
    %dma_wait3A_121 = tpu.memref_squeeze %dma_wait3A_120 : memref<1x1x8x1024xf32, #tpu.memory_space<hbm>> -> memref<8x1024xf32, #tpu.memory_space<hbm>>
    %dma_wait3A_122 = arith.constant 0 : i32
    %dma_wait3A_123 = arith.constant 0 : i32
    %dma_wait3A_124 = tpu.memref_slice %arg4[%add3A_74, %dma_wait3A_117, %dma_wait3A_122, %dma_wait3A_123] : memref<64x2x200x1024xf32, #tpu.memory_space<hbm>> -> memref<1x1x8x1024xf32, #tpu.memory_space<hbm>>
    %dma_wait3A_125 = tpu.memref_squeeze %dma_wait3A_124 : memref<1x1x8x1024xf32, #tpu.memory_space<hbm>> -> memref<8x1024xf32, #tpu.memory_space<hbm>>
    tpu.wait_dma2 semaphore(%arg15 : memref<!tpu.dma_semaphore, #tpu.memory_space<semaphore_mem>>) src(%arg10 : memref<8x1024xf32, #tpu.memory_space<vmem>>) dst(%dma_wait3A_125 : memref<8x1024xf32, #tpu.memory_space<hbm>>)
    return
  }
}

</mosaic_0001>

<sc_bundles>
// kernel: kernel.3.cloned.1.call-start
scs
__scs_entry_jumppad:
0x0: {  	(pc) =	sbr.rel $0x88, $3  }
0x1: {  	(tag) =	ssettag $0x0;
	lr =	simm.s32 $0x1  }
0x2: {  	[smem:$0x3F9F] =	sst lr;
	_ =	strace $0xD0000000  }
0x3: {  	_ = 	snop  }
0x4: {  	_ = 	snop  }
0x5: {  	_ = 	snop  }
0x6: {  	_ = 	snop  }
0x7: {  	_ = 	snop  }
__scs_overlays_trampoline_lowered:
0x8: {  	[smem:$0x3FAE] =	sst s0  }
0x9: {  	[smem:$0x3FAF] =	sst s1  }
0xa: {  	[smem:$0x3FB0] =	sst s2  }
0xb: {  	[smem:$0x3FB1] =	sst s3  }
0xc: {  	[smem:$0x3FB2] =	sst s4  }
0xd: {  	[smem:$0x3FB3] =	sst s5  }
0xe: {  	[smem:$0x3FB4] =	sst s6  }
0xf: {  	[smem:$0x3FB5] =	sst s7  }
0x10: {  	[smem:$0x3FB6] =	sst s8  }
0x11: {  	[smem:$0x3FB7] =	sst s9;
	s0 =	simm.s32 @!p0 $0x0  }
0x12: {  	s1 =	sld [smem:$0x3F9D];
	s0 =	simm.s32 @p0 $0x1  }
0x13: {  	[smem:$0x3FB8] =	sst s0;
	s0 =	simm.s32 @!p1 $0x0  }
0x14: {  	s2 =	sld [smem:$0x3F9C];
	s0 =	simm.s32 @p1 $0x1  }
0x15: {  	[smem:$0x3FB9] =	sst s0;
	s0 =	simm.s32 @!p2 $0x0  }
0x16: {  	s3 =	sld [smem:$0x3FDB];
	s0 =	simm.s32 @p2 $0x1  }
0x17: {  	s4 =	simm.s32 $0x1BF5;
	[smem:$0x3FBB] =	sst s0  }
0x18: {  	s0 =	sld [smem:$0x3F9E];
	_ =	swait.ge [sflag:s4], $0x0  }
0x19: {  	s7 =	sld [smem:$0x3F9F]  }
0x1a: {  	s8 =	sadd.s32 $0xFFFFE003, lr  }
0x1b: {  	s9 =	sadd.s32 $0xFFFFFEF7, lr;
	s5 =	simm.s32 $0xFFFFFFFF;
	p2 =	slt.u32 s8, $0xFFFFF086  }
0x1c: {  	p1 =	slt.u32 s9, $0xF7A;
	s5 =	simm.s32 @!p2 $0x0  }
0x1d: {  	s5 =	simm.s32 @p1 $0x1;
	p0 =	seq.s32 s7, s2  }
0x1e: {  	s7 =	smul.u32 @!p0 $0xF7A, s2;
	p2 =	seq.s32 @!p0 s5, $0x0  }
0x1f: {  	s9 =	smul.u32 $0xF7A, s1;
	s8 =	simm.s32 @!p0 $0x1BF5;
	p2 =	por !p2, p0  }
0x20: {  	[sflag:s8] =	ssyncset.s32 @!p0 $0xFFFFF086;
	s6 =	sadd.s32 @!p0 s3, s7;
	s7 =	simm.s32 @!p0 $0x108  }
0x21: {  	s3 =	sadd.s32 s3, s9;
	s6 =	sadd.s32 @!p0 $0x88, s6;
	s7 =	simm.s32 @p2 $0x1082  }
0x22: {  	[simem:s7], [sflag:s8] =	dma.local @!p0 [hbm:s6], $0xF7A  }
0x23: {  	s9 =	sor.u32 $0xD0000000, s2;
	s6 =	simm.s32 $0x108;
	_ =	swait.ge @!p0 [sflag:s8], $0x0  }
0x24: {  	s3 =	sadd.s32 $0x88, s3;
	s6 =	simm.s32 @!p1 $0x1082;
	[sflag:s4] =	ssyncset.s32 $0xFFFFF086  }
0x25: {  	[simem:s6], [sflag:s4] =	dma.local [hbm:s3], $0xF7A  }
0x26: {  	[smem:$0x3F9F] =	sst s1;
	(tag) =	ssettag s2;
	_ =	strace s9  }
0x27: {  	s1 =	sld [smem:$0x3FAF]  }
0x28: {  	s2 =	sld [smem:$0x3FB0]  }
0x29: {  	s4 =	sld [smem:$0x3FB2]  }
0x2a: {  	p0 =	seq.s32 s5, $0x0;
	s5 =	sld [smem:$0x3FB3]  }
0x2b: {  	s6 =	sld [smem:$0x3FB4]  }
0x2c: {  	s7 =	sld [smem:$0x3FB5]  }
0x2d: {  	s3 =	simm.s32 $0x108;
	s8 =	sld [smem:$0x3FB6]  }
0x2e: {  	s3 =	simm.s32 @!p0 $0x1082;
	s9 =	sld [smem:$0x3FB7]  }
0x2f: {  	lr =	sadd.s32 s0, s3;
	s0 =	sld [smem:$0x3FAE]  }
0x30: {  	s3 =	sld [smem:$0x3FB1]  }
0x31: {  	[smem:$0x3FBA] =	sst s10  }
0x32: {  	s10 =	sld [smem:$0x3FB8];
	_ =	sdelay $0x3  }
0x33: {  	p0 =	seq.s32 s10, $0x1;
	s10 =	sld [smem:$0x3FBA];
	_ =	sdelay $0x3  }
0x34: {  	[smem:$0x3FBA] =	sst s10  }
0x35: {  	s10 =	sld [smem:$0x3FB9];
	_ =	sdelay $0x3  }
0x36: {  	p1 =	seq.s32 s10, $0x1;
	s10 =	sld [smem:$0x3FBA];
	_ =	sdelay $0x3  }
0x37: {  	[smem:$0x3FBA] =	sst s10  }
0x38: {  	s10 =	sld [smem:$0x3FBB]  }
0x39: {  	_ = 	snop;
	(pc) =	sbr.ind lr, $3  }
0x3a: {  	_ = 	snop  }
0x3b: {  	_ = 	snop  }
0x3c: {  	p2 =	seq.s32 s10, $0x1;
	s10 =	sld [smem:$0x3FBA]  }
0x3d: {  	_ =	shalt  }
0x3e: {  	_ =	shalt  }
0x3f: {  	_ =	shalt  }
0x40: {  	_ =	shalt  }
0x41: {  	_ =	shalt  }
0x42: {  	_ =	shalt  }
0x43: {  	_ =	shalt  }
0x44: {  	_ =	shalt  }
0x45: {  	_ =	shalt  }
0x46: {  	_ =	shalt  }
0x47: {  	_ =	shalt  }
0x48: {  	_ =	shalt  }
0x49: {  	_ =	shalt  }
0x4a: {  	_ =	shalt  }
0x4b: {  	_ =	shalt  }
0x4c: {  	_ =	shalt  }
0x4d: {  	_ =	shalt  }
0x4e: {  	_ =	shalt  }
0x4f: {  	_ =	shalt  }
0x50: {  	_ =	shalt  }
0x51: {  	_ =	shalt  }
0x52: {  	_ =	shalt  }
0x53: {  	_ =	shalt  }
0x54: {  	_ =	shalt  }
0x55: {  	_ =	shalt  }
0x56: {  	_ =	shalt  }
0x57: {  	_ =	shalt  }
0x58: {  	_ =	shalt  }
0x59: {  	_ =	shalt  }
0x5a: {  	_ =	shalt  }
0x5b: {  	_ =	shalt  }
0x5c: {  	_ =	shalt  }
0x5d: {  	_ =	shalt  }
0x5e: {  	_ =	shalt  }
0x5f: {  	_ =	shalt  }
0x60: {  	_ =	shalt  }
0x61: {  	_ =	shalt  }
0x62: {  	_ =	shalt  }
0x63: {  	_ =	shalt  }
0x64: {  	_ =	shalt  }
0x65: {  	_ =	shalt  }
0x66: {  	_ =	shalt  }
0x67: {  	_ =	shalt  }
0x68: {  	_ =	shalt  }
0x69: {  	_ =	shalt  }
0x6a: {  	_ =	shalt  }
0x6b: {  	_ =	shalt  }
0x6c: {  	_ =	shalt  }
0x6d: {  	_ =	shalt  }
0x6e: {  	_ =	shalt  }
0x6f: {  	_ =	shalt  }
0x70: {  	_ =	shalt  }
0x71: {  	_ =	shalt  }
0x72: {  	_ =	shalt  }
0x73: {  	_ =	shalt  }
0x74: {  	_ =	shalt  }
0x75: {  	_ =	shalt  }
0x76: {  	_ =	shalt  }
0x77: {  	_ =	shalt  }
0x78: {  	_ =	shalt  }
0x79: {  	_ =	shalt  }
0x7a: {  	_ =	shalt  }
0x7b: {  	_ =	shalt  }
0x7c: {  	_ =	shalt  }
0x7d: {  	_ =	shalt  }
0x7e: {  	_ =	shalt  }
0x7f: {  	_ =	shalt  }
0x80: {  	_ =	shalt  }
0x81: {  	_ =	shalt  }
0x82: {  	_ =	shalt  }
0x83: {  	_ =	shalt  }
0x84: {  	_ =	shalt  }
0x85: {  	_ =	shalt  }
0x86: {  	_ =	shalt  }
0x87: {  	_ =	shalt  }
.Lfunc_end0:
.L_simem_size_0:
called_computation_lowered:
.L_overlay_start_0:
0x88: {  	s2 =	sld [smem:$0x3FD9]  }
0x89: {  	s3 =	sld [smem:$0x3FFE];
	_ =	sdelay $0x1  }
0x8a: {  	s1 =	srdreg.scid  }
0x8b: {  	s0 =	sand.u32 $0x1, s1  }
0x8c: {  	s18 =	sshll.u32 s0, $0xA;
	s2 =	sadd.s32 s3, s2  }
0x8d: {  	s2 =	sadd.s32 s2, s18  }
0x8e: {  	[smem:$0x3FC6] =	sst s2  }
0x8f: {  	_ = 	snop  }
0x90: {  	s2 =	sld [smem:$0x3FC9]  }
0x91: {  	s19 =	sld [smem:$0x3FC8]  }
0x92: {  	s4 =	sld [smem:$0x3FD0];
	(tm) =	ssettm $0x1  }
0x93: {  	s5 =	sld [smem:$0x3FFB];
	_ =	sdelay $0x3  }
0x94: {  	_ =	strace s5  }
0x95: {  	s5 =	sld [smem:$0x3FFC];
	_ =	sdelay $0x3  }
0x96: {  	_ =	strace s5  }
0x97: {  	s5 =	sld [smem:$0x3FFD];
	_ =	sdelay $0x3  }
0x98: {  	_ =	strace s5  }
0x99: {  	_ =	strace $0x8FFFFFFF  }
0x9a: {  	s20 =	sld [smem:$0x3FDB];
	_ =	sdelay $0x1  }
0x9b: {  	s6 =	simm.s32 $_scs_section_size  }
0x9c: {  	s7 =	simm.s32 $_size__tile_overlayer_lowered;
	s8 =	simm.s32 $_tile_overlayer_lowered  }
0x9d: {  	s23 =	simm.s32 $0x1BFF;
	s22 =	sshll.u32 s8, $0x1;
	s5 =	sadd.s32 s6, s20  }
0x9e: {  	s9 =	simm.s32 $0x0;
	s21 =	sshll.u32 s7, $0x1;
	s7 =	sadd.s32 s22, s5  }
0x9f: {  	[timem:s9], [sflag:s23] =	dma.local [hbm:s7], s21  }
0xa0: {  	_ =	swait.ge [sflag:s23], s21  }
0xa1: {  	s6 =	ssub.s32 $0x0, s21;
	[sflag:s23] =	ssyncset.done $0x0  }
0xa2: {  	[sflag:s23] =	ssyncadd.s32 s6;
	_ =	sdelay $0x1  }
0xa3: {  	s24 =	simm.s32 $0x1B8B  }
0xa4: {  	_ =	swait.ge [sflag:s24], $0x1  }
0xa5: {  	[sflag:s24] =	ssyncset.done $0x0  }
0xa6: {  	s25 =	simm.s32 $0x1B8E;
	[sflag:s24] =	ssyncadd.s32 $0xFFFFFFFF  }
0xa7: {  	s26 =	simm.s32 $execute0_lowered;
	[smem:$0x3FD2] =	sst s25  }
0xa8: {  	s6 =	sshll.u32 s26, $0x1;
	_ =	strace $0x80000046;
	[dreg:$0x1] =	wrdreg $0xFFFFFFFF  }
0xa9: {  	s28 =	simm.s32 $_size_execute0_lowered;
	s5 =	sadd.s32 s5, s6;
	[dreg:$0x0] =	wrdreg $0x0  }
0xaa: {  	s6 =	sshll.u32 s28, $0x1;
	[dreg:$0x2] =	wrdreg s5  }
0xab: {  	[dreg:$0x3] =	wrdreg s6  }
0xac: {  	[dreg:$0x4] =	wrdreg $0xC0  }
0xad: {  	_ =	task [dreg:s9], $0x5FFFF  }
0xae: {  	[dreg:$0x1] =	wrdreg $0xFFFFFFFF  }
0xaf: {  	[dreg:$0x0] =	wrdreg $0x60  }
0xb0: {  	[dreg:$0x2] =	wrdreg s2  }
0xb1: {  	[dreg:$0x3] =	wrdreg s19  }
0xb2: {  	[dreg:$0x4] =	wrdreg s4  }
0xb3: {  	[dreg:$0x5] =	wrdreg $0x1C7000  }
0xb4: {  	[dreg:$0x6] =	wrdreg $0x9  }
0xb5: {  	_ =	task.clear_ibuf [dreg:s9], $0x7FFFF;
	_ =	strace $0x90000046  }
0xb6: {  	s29 =	simm.s32 $0x9;
	_ =	strace $0x80000048  }
0xb7: {  	_ =	swait.ge [sflag:s29], $0x1  }
0xb8: {  	[sflag:s29] =	ssyncadd.s32 $0xFFFFFFFF  }
0xb9: {  	_ =	strace $0x90000048  }
0xba: {  	_ =	sfence  }
0xbb: {  	s30 =	sld [smem:$0x0];
	_ =	sdelay $0x2  }
0xbc: {  	s31 =	sshll.u32 s1, $0xD;
	s1 =	sshrl.u32 s1, $0x2  }
0xbd: {  	s3 =	sand.u32 $0x4000, s31;
	s1 =	sadd.s32 s1, s30  }
0xbe: {  	s0 =	sor.u32 s3, s0;
	s1 =	sshll.u32 s1, $0x11  }
0xbf: {  	s0 =	sor.u32 s1, s0  }
0xc0: {  	s0 =	sadd.s32 $0x8F2B, s0  }
0xc1: {  	[sflag:s0] =	ssyncadd.remote.s32 $0x1  }
0xc2: {  	_ =	sfence.sel $0xFFFF  }
0xc3: {  	[dreg:$0x0] =	wrdreg $0xFFFFFFFF;
	(pc) =	sbr.abs _section_cstart, $3  }
0xc4: {  	[dreg:$0x1] =	wrdreg $0xFFFFFFFF  }
0xc5: {  	_ =	task.clear_ibuf [dreg:s9], $0x2FFFF;
	_ =	strace $0x9FFFFFFF  }
0xc6: {  	(tm) =	ssettm $0x7FFFFFFF  }
0xc7: {  	_ =	shalt  }
tec
execute0_lowered:
.L_overlay_start_1:
0x0: {  	(tag) =	ssettag $0x1  }
0x1: {  	s0 =	rddreg [dreg:$0x1]  }
0x2: {  	s2 =	rddreg [dreg:$0x2]  }
0x3: {  	s3 =	rddreg [dreg:$0x3]  }
0x4: {  	s1 =	srdreg.scid;
	s5 =	stileid.u32  }
0x5: {  	s4 =	simm.s32 $0x0;
	s16 =	simm.s32 $0x1;
	s18 =	simm.s32 $0x5  }
0x6: {  	s20 =	simm.s32 $0x2;
	s1 =	sand.u32 $0x1, s1;
	s6 =	sshll.u32 s5, $0x1  }
0x7: {  	s7 =	sshrl.u32 s5, $0x2;
	[smem:$0x7FF] =	sst s4;
	s3 =	sadd.s32 $0x800, s3  }
0x8: {  	s6 =	sor.u32 s1, s6;
	s7 =	smul.u32 $0xC3800, s7;
	s1 =	ssub.s32 $0x2, s1  }
0x9: {  	_ =	strace $0x80000047;
	[dreg:$0x6] =	wrdreg s3;
	s8 =	sshll.u32 s6, $0x7  }
0xa: {  	s9 =	sor.u32 $0x20, s6;
	s11 =	sshrl.u32 s1, $0x1;
	s28 =	smul.u32 $0x64000, s6  }
0xb: {  	s8 =	sand.u32 $0x380, s8;
	s10 =	sshrl.u32 s9, $0x3;
	s30 =	smul.u32 $0x64000, s9  }
0xc: {  	s1 =	ssub.s32 s1, s11;
	s7 =	sor.u32 s7, s8;
	s10 =	smul.u32 $0xC3800, s10  }
.Ltmp0:
0xd: {  	[dreg:$0x7] =	wrdreg s28;
	s31 =	smax.u32 s1, $0x1;
	(pc) =	sbr.rel .LBB2_1-.Ltmp0, $4  }
0xe: {  	s7 =	sshrl.u32 s7, $0x3;
	[dreg:$0x9] =	wrdreg s30;
	s26 =	sor.u32 s8, s10  }
0xf: {  	[dreg:$0xa] =	wrdreg s31;
	s7 =	sadd.s32 s0, s7;
	s29 =	sshrl.u32 s26, $0x3  }
0x10: {  	s21 =	simm.s32 $0x4;
	[dreg:$0x5] =	wrdreg s7;
	s0 =	sadd.s32 s0, s29  }
0x11: {  	v0 =	vimm.f32 $0.0e+00;
	p0 =	sne.s32 s5, $0x0;
	s1 =	simm.s32 $0x0;
	[dreg:$0x8] =	wrdreg s0  }
.LBB2_47:
0x12: {  	s0 =	simm.s32 $0x3  }
0x13: {  	_ =	swait.ge [sflag:s0], $0x800  }
0x14: {  	[sflag:s0] =	ssyncset.done $0x0  }
0x15: {  	[sflag:s0] =	ssyncadd.s32 $0xFFFFF800  }
0x16: {  	_ =	swait.ge [sflag:s21], $0x800  }
0x17: {  	[sflag:s21] =	ssyncset.done $0x0  }
0x18: {  	[sflag:s21] =	ssyncadd.s32 $0xFFFFF800  }
0x19: {  	_ =	swait.ge [sflag:s18], $0x2000  }
0x1a: {  	s1 =	rddreg [dreg:$0xb]  }
0x1b: {  	s31 =	rddreg [dreg:$0xa];
	s1 =	sadd.s32 $0x1, s1  }
0x1c: {  	p1 =	sne.s32 s1, s31  }
.Ltmp1:
0x1d: {  	_ = 	snop;
	(pc) =	sbr.rel @!p1 .LBB2_48-.Ltmp1, $3  }
0x1e: {  	_ =	sdelay $0x1  }
0x1f: {  	[sflag:s18] =	ssyncset.done $0x0  }
0x20: {  	[sflag:s18] =	ssyncadd.s32 $0xFFFFE000  }
.LBB2_1:
0x21: {  	s0 =	sand.u32 $0x70, s4;
	s31 =	sand.u32 $0x1C00, s4  }
0x22: {  	s0 =	sor.u32 s0, s31  }
0x23: {  	[dreg:$0xb] =	wrdreg s1;
	s1 =	simm.s32 $0x10;
	s5 =	simm.s32 $0x0;
	[tilespmem:s0+$0x1A700] =	vst v0  }
.LBB2_2:
0x24: {  	p1 =	sne.s32 s1, $0x3F0  }
.Ltmp2:
0x25: {  	_ = 	snop;
	(pc) =	sbr.rel @p1 .LBB2_2-.Ltmp2, $4  }
0x26: {  	s5 =	sadd.s32 $0x80, s5  }
0x27: {  	s0 =	sand.u32 $0x70, s1;
	s6 =	sand.u32 $0x1C00, s5  }
0x28: {  	s0 =	sor.u32 s0, s6  }
0x29: {  	s1 =	sadd.s32 $0x10, s1;
	[tilespmem:s0+$0x1A700] =	vst v0;
	s0 =	simm.s32 $0x0  }
0x2a: {  	s1 =	sand.u32 $0x70, s0;
	s5 =	sand.u32 $0x1C00, s0  }
0x2b: {  	s1 =	sor.u32 s1, s5  }
0x2c: {  	s6 =	simm.s32 $0x0;
	s5 =	simm.s32 $0x10;
	[tilespmem:s1+$0x1A780] =	vst v0  }
.LBB2_4:
0x2d: {  	p1 =	sne.s32 s5, $0x3F0  }
.Ltmp3:
0x2e: {  	_ = 	snop;
	(pc) =	sbr.rel @p1 .LBB2_4-.Ltmp3, $4  }
0x2f: {  	s6 =	sadd.s32 $0x80, s6  }
0x30: {  	s7 =	sand.u32 $0x70, s5;
	s8 =	sand.u32 $0x1C00, s6  }
0x31: {  	s7 =	sor.u32 s7, s8  }
0x32: {  	s5 =	sadd.s32 $0x10, s5;
	[tilespmem:s7+$0x1A780] =	vst v0  }
0x33: {  	s5 =	simm.s32 $0x10;
	[tilespmem:s1+$0x1A800] =	vst v0  }
.LBB2_6:
0x34: {  	p1 =	sne.s32 s5, $0x3F0  }
.Ltmp4:
0x35: {  	_ = 	snop;
	(pc) =	sbr.rel @p1 .LBB2_6-.Ltmp4, $4  }
0x36: {  	s0 =	sadd.s32 $0x80, s0  }
0x37: {  	s1 =	sand.u32 $0x70, s5;
	s6 =	sand.u32 $0x1C00, s0  }
0x38: {  	s1 =	sor.u32 s1, s6  }
0x39: {  	s5 =	sadd.s32 $0x10, s5;
	[tilespmem:s1+$0x1A800] =	vst v0;
	s1 =	simm.s32 $0x0  }
0x3a: {  	s0 =	sand.u32 $0x70, s1;
	s5 =	sand.u32 $0x1C00, s1  }
0x3b: {  	s0 =	sor.u32 s0, s5  }
0x3c: {  	s6 =	simm.s32 $0x0;
	s5 =	simm.s32 $0x10;
	[tilespmem:s0+$0x1A880] =	vst v0  }
.LBB2_8:
0x3d: {  	p1 =	sne.s32 s5, $0x3F0  }
.Ltmp5:
0x3e: {  	_ = 	snop;
	(pc) =	sbr.rel @p1 .LBB2_8-.Ltmp5, $4  }
0x3f: {  	s6 =	sadd.s32 $0x80, s6  }
0x40: {  	s7 =	sand.u32 $0x70, s5;
	s8 =	sand.u32 $0x1C00, s6  }
0x41: {  	s7 =	sor.u32 s7, s8  }
0x42: {  	s5 =	sadd.s32 $0x10, s5;
	[tilespmem:s7+$0x1A880] =	vst v0  }
0x43: {  	s5 =	simm.s32 $0x10;
	[tilespmem:s0+$0x1A900] =	vst v0  }
.LBB2_10:
0x44: {  	p1 =	sne.s32 s5, $0x3F0  }
.Ltmp6:
0x45: {  	_ = 	snop;
	(pc) =	sbr.rel @p1 .LBB2_10-.Ltmp6, $4  }
0x46: {  	s1 =	sadd.s32 $0x80, s1  }
0x47: {  	s0 =	sand.u32 $0x70, s5;
	s6 =	sand.u32 $0x1C00, s1  }
0x48: {  	s0 =	sor.u32 s0, s6  }
0x49: {  	s5 =	sadd.s32 $0x10, s5;
	[tilespmem:s0+$0x1A900] =	vst v0;
	s0 =	simm.s32 $0x0  }
0x4a: {  	s1 =	sand.u32 $0x70, s0;
	s5 =	sand.u32 $0x1C00, s0  }
0x4b: {  	s5 =	sor.u32 s1, s5  }
0x4c: {  	s1 =	simm.s32 $0x10;
	[tilespmem:s5+$0x1A980] =	vst v0;
	s5 =	simm.s32 $0x0  }
.LBB2_12:
0x4d: {  	p1 =	sne.s32 s1, $0x3F0  }
.Ltmp7:
0x4e: {  	_ = 	snop;
	(pc) =	sbr.rel @p1 .LBB2_12-.Ltmp7, $4  }
0x4f: {  	s5 =	sadd.s32 $0x80, s5  }
0x50: {  	s6 =	sand.u32 $0x70, s1;
	s7 =	sand.u32 $0x1C00, s5  }
0x51: {  	s6 =	sor.u32 s6, s7  }
0x52: {  	s1 =	sadd.s32 $0x10, s1;
	[tilespmem:s6+$0x1A980] =	vst v0  }
0x53: {  	s1 =	simm.s32 $0x0  }
.LBB2_14:
0x54: {  	p1 =	sne.s32 s1, $0x3F0  }
.Ltmp8:
0x55: {  	_ = 	snop;
	(pc) =	sbr.rel @p1 .LBB2_14-.Ltmp8, $4  }
0x56: {  	_ = 	snop  }
0x57: {  	s5 =	sand.u32 $0x70, s1;
	s6 =	sand.u32 $0x1C00, s0  }
0x58: {  	s5 =	sor.u32 s5, s6  }
0x59: {  	s0 =	sadd.s32 $0x80, s0;
	s1 =	sadd.s32 $0x10, s1;
	[tilespmem:s5+$0x1AA00] =	vst v0  }
0x5a: {  	s0 =	simm.s32 $0x0  }
0x5b: {  	s1 =	sand.u32 $0x70, s0;
	s5 =	sand.u32 $0x1C00, s0  }
0x5c: {  	s5 =	sor.u32 s1, s5  }
0x5d: {  	s1 =	simm.s32 $0x10;
	[tilespmem:s5+$0x1AA80] =	vst v0  }
.LBB2_16:
0x5e: {  	p1 =	sne.s32 s1, $0x3F0  }
.Ltmp9:
0x5f: {  	_ = 	snop;
	(pc) =	sbr.rel @p1 .LBB2_16-.Ltmp9, $4  }
0x60: {  	s0 =	sadd.s32 $0x80, s0  }
0x61: {  	s5 =	sand.u32 $0x70, s1;
	s6 =	sand.u32 $0x1C00, s0  }
0x62: {  	s5 =	sor.u32 s5, s6  }
0x63: {  	s1 =	sadd.s32 $0x10, s1;
	[tilespmem:s5+$0x1AA80] =	vst v0  }
0x64: {  	s0 =	rddreg [dreg:$0x5]  }
0x65: {  	s1 =	simm.s32 $0x80;
	s3 =	simm.s32 $0x400;
	s5 =	rddreg [dreg:$0x3]  }
0x66: {  	[tilespmem:s4], [sflag:$0x6] =	stream.strided.gather [hbm4b:s0+s1], $0x18700, s3, s1, $0x38;
	[tilespmem:$0x1F900] =	vst v63  }
0x67: {  	s0 =	sshrl.u32 @!p0 s5, $0x3;
	s1 =	simm.s32 @!p0 $0x1C07;
	s3 =	rddreg [dreg:$0x0]  }
0x68: {  	[spmem:s0], [sflag:s1] =	dma.local @!p0 [hbm:s3], $0x6400  }
0x69: {  	s0 =	simm.s32 @!p0 $0x7  }
0x6a: {  	_ =	swait.ge @!p0 [sflag:s0], $0x6400  }
0x6b: {  	[sflag:s0] =	ssyncset.done @!p0 $0x0  }
0x6c: {  	[sflag:s0] =	ssyncadd.s32 @!p0 $0xFFFF9C00  }
0x6d: {  	s28 =	simm.s32 $0x6;
	[bflag:$0x0] =	sbarrier.arrive $0xFFFF  }
0x6e: {  	_ =	swait.ge [sflag:s28], $0x18700  }
0x6f: {  	[sflag:s28] =	ssyncset.done $0x0  }
0x70: {  	s29 =	simm.s32 $0x18700;
	s31 =	simm.s32 $0x18F00;
	[sflag:s28] =	ssyncadd.s32 $0xFFFE7900  }
0x71: {  	[tilespmem:s29], [sflag:$0x1] =	stream.linear.gather [spmem:s5], $0x800, $0x38;
	[tilespmem:$0x1F900] =	vst v63  }
0x72: {  	s25 =	simm.s32 $0x0;
	s26 =	simm.s32 $0x0;
	s30 =	rddreg [dreg:$0x6]  }
0x73: {  	[tilespmem:s31], [sflag:$0x2] =	stream.linear.gather [spmem:s30], $0x800, $0x38;
	[tilespmem:$0x1F900] =	vst v63  }
.LBB2_18:
0x74: {  	_ =	swait.ge [sflag:s16], $0x800  }
0x75: {  	p1 =	seq.s32 s26, $0x0;
	[sflag:s16] =	ssyncset.done $0x0  }
0x76: {  	s0 =	simm.s32 @!p1 $0x3;
	[sflag:s16] =	ssyncadd.s32 $0xFFFFF800  }
0x77: {  	s1 =	simm.s32 $0x0;
	_ =	swait.ge @!p1 [sflag:s0], $0x800  }
0x78: {  	s5 =	sand.u32 $0x400, s25;
	s1 =	sand.u32 $0x40, s1;
	[sflag:s0] =	ssyncset.done @!p1 $0x0  }
0x79: {  	s7 =	sor.u32 s1, s5;
	[sflag:s0] =	ssyncadd.s32 @!p1 $0xFFFFF800  }
0x7a: {  	v1 =	vld [tilespmem:s7+$0x18700];
	_ =	sdelay $0x4  }
0x7b: {  	v2 =	vld [tilespmem:s7+$0x18720];
	_ =	sdelay $0x1  }
0x7c: {  	v3 =	vld [tilespmem:s7+$0x18730]  }
0x7d: {  	v1 =	vld.idx.msk [tilespmem:v1+s4+$0x0], $0xffff  }
0x7e: {  	v4 =	vld [tilespmem:s7+$0x187A0]  }
0x7f: {  	v5 =	vld [tilespmem:s7+$0x18830]  }
0x80: {  	s15 =	sand.u32 $0xFFFFFC00, s25;
	v6 =	vld [tilespmem:s7+$0x18710]  }
0x81: {  	s17 =	sadd.s32 $0x0, s15;
	v7 =	vld [tilespmem:s7+$0x187B0]  }
0x82: {  	s0 =	sor.u32 $0x80, s17;
	v2 =	vld.idx.msk [tilespmem:v2+s4+$0x0], $0xffff;
	[tilespmem:s7+$0x19700] =	vst v1  }
0x83: {  	s11 =	simm.s32 $0x200;
	s29 =	simm.s32 $0x40;
	v1 =	vld [tilespmem:s0+$0x18700]  }
0x84: {  	s19 =	sand.u32 $0x40, s29;
	s13 =	sand.u32 $0x400, s11;
	v8 =	vld [tilespmem:s7+$0x18820]  }
0x85: {  	s30 =	sor.u32 s19, s13;
	v9 =	vld [tilespmem:s7+$0x188A0]  }
0x86: {  	v11 =	vld [tilespmem:s30+$0x18710]  }
0x87: {  	v12 =	vld [tilespmem:s30+$0x187B0]  }
0x88: {  	[tilespmem:s7+$0x19720] =	vst v2;
	v2 =	vld.idx.msk [tilespmem:v3+s4+$0x0], $0xffff  }
0x89: {  	v3 =	vld.idx.msk [tilespmem:v4+s4+$0x0], $0xffff  }
0x8a: {  	v4 =	vld [tilespmem:s7+$0x18790]  }
0x8b: {  	v1 =	vld.idx.msk [tilespmem:v1+s4+$0x0], $0xffff  }
0x8c: {  	v6 =	vld.idx.msk [tilespmem:v6+s4+$0x0], $0xffff  }
0x8d: {  	v14 =	vld [tilespmem:s30+$0x18790];
	[tilespmem:s7+$0x19730] =	vst v2  }
0x8e: {  	v2 =	vld.idx.msk [tilespmem:v7+s4+$0x0], $0xffff  }
0x8f: {  	[tilespmem:s7+$0x197A0] =	vst v3;
	v7 =	vld [tilespmem:s7+$0x18810]  }
0x90: {  	v3 =	vld.idx.msk [tilespmem:v8+s4+$0x0], $0xffff;
	[tilespmem:s0+$0x19700] =	vst v1  }
0x91: {  	[tilespmem:s7+$0x19710] =	vst v6;
	v1 =	vld [tilespmem:s7+$0x18800]  }
0x92: {  	v4 =	vld.idx.msk [tilespmem:v4+s4+$0x0], $0xffff  }
0x93: {  	v6 =	vld [tilespmem:s7+$0x188B0]  }
0x94: {  	v11 =	vld.idx.msk [tilespmem:v11+s4+$0x0], $0xffff;
	[tilespmem:s7+$0x197B0] =	vst v2  }
0x95: {  	[tilespmem:s7+$0x19820] =	vst v3;
	v3 =	vld.idx.msk [tilespmem:v5+s4+$0x0], $0xffff  }
0x96: {  	v5 =	vld [tilespmem:s7+$0x18890]  }
0x97: {  	p2 =	por $0x0, $0x0;
	v2 =	vld.idx.msk [tilespmem:v9+s4+$0x0], $0xffff;
	s0 =	simm.s32 $0x1;
	[tilespmem:s7+$0x19790] =	vst v4  }
0x98: {  	s0 =	simm.s32 @!p2 $0x0;
	v4 =	vld.idx.msk [tilespmem:v7+s4+$0x0], $0xffff  }
0x99: {  	s0 =	sshll.u32 s0, $0x6;
	v1 =	vld.idx.msk [tilespmem:v1+s4+$0x0], $0xffff  }
0x9a: {  	v7 =	vld [tilespmem:s30+$0x18700];
	s0 =	sadd.s32 $0x0, s0;
	[tilespmem:s7+$0x19830] =	vst v3  }
0x9b: {  	s5 =	sadd.s32 $0x20, s0;
	v3 =	vld.idx.msk [tilespmem:v6+s4+$0x0], $0xffff  }
0x9c: {  	[tilespmem:s7+$0x198A0] =	vst v2;
	v6 =	vld [tilespmem:s30+$0x18720];
	s8 =	sor.u32 $0x200, s5  }
0x9d: {  	v2 =	vld [tilespmem:s8+$0x18700];
	[tilespmem:s7+$0x19810] =	vst v4  }
0x9e: {  	s9 =	sor.u32 $0x180, s17;
	v4 =	vld.idx.msk [tilespmem:v5+s4+$0x0], $0xffff;
	[tilespmem:s7+$0x19800] =	vst v1  }
0x9f: {  	v1 =	vld [tilespmem:s9+$0x18700]  }
0xa0: {  	v8 =	vld [tilespmem:s30+$0x187A0];
	s1 =	sadd.s32 $0x30, s0  }
0xa1: {  	s10 =	sor.u32 $0x200, s1;
	v5 =	vld [tilespmem:s30+$0x18830];
	[tilespmem:s7+$0x198B0] =	vst v3  }
0xa2: {  	s6 =	sadd.s32 $0x10, s0;
	v3 =	vld [tilespmem:s10+$0x18700]  }
0xa3: {  	s12 =	sor.u32 $0x200, s6;
	v7 =	vld.idx.msk [tilespmem:v7+s4+$0x0], $0xffff;
	[tilespmem:s7+$0x19890] =	vst v4  }
0xa4: {  	v4 =	vld [tilespmem:s12+$0x18700]  }
0xa5: {  	v6 =	vld.idx.msk [tilespmem:v6+s4+$0x0], $0xffff  }
0xa6: {  	s11 =	sand.u32 $0xFFFFFC00, s11;
	v2 =	vld.idx.msk [tilespmem:v2+s4+$0x0], $0xffff  }
0xa7: {  	s7 =	sadd.s32 $0x40, s11;
	v1 =	vld.idx.msk [tilespmem:v1+s4+$0x0], $0xffff  }
0xa8: {  	[tilespmem:s30+$0x19700] =	vst v7;
	v7 =	vld [tilespmem:s30+$0x188A0];
	s13 =	sor.u32 $0x80, s7  }
0xa9: {  	v57 =	vld [tilespmem:s13+$0x18700]  }
0xaa: {  	[tilespmem:s30+$0x19720] =	vst v6;
	v3 =	vld.idx.msk [tilespmem:v3+s4+$0x0], $0xffff  }
0xab: {  	v6 =	vld.idx.msk [tilespmem:v8+s4+$0x0], $0xffff  }
0xac: {  	s22 =	sor.u32 $0x200, s0;
	v4 =	vld.idx.msk [tilespmem:v4+s4+$0x0], $0xffff;
	[tilespmem:s9+$0x19700] =	vst v1  }
0xad: {  	v56 =	vld [tilespmem:s22+$0x18700]  }
0xae: {  	s23 =	sor.u32 $0x280, s5;
	[tilespmem:s8+$0x19700] =	vst v2;
	v1 =	vld [tilespmem:s30+$0x18730]  }
0xaf: {  	s3 =	sor.u32 $0x280, s1;
	v10 =	vld [tilespmem:s23+$0x18700];
	[tilespmem:s10+$0x19700] =	vst v3  }
0xb0: {  	[tilespmem:s30+$0x197A0] =	vst v6;
	v3 =	vld [tilespmem:s3+$0x18700]  }
0xb1: {  	s24 =	sor.u32 $0x280, s6;
	v6 =	vld.idx.msk [tilespmem:v57+s4+$0x0], $0xffff;
	[tilespmem:s12+$0x19700] =	vst v4  }
0xb2: {  	v13 =	vld [tilespmem:s24+$0x18700]  }
0xb3: {  	v2 =	vld [tilespmem:s30+$0x18810]  }
0xb4: {  	v4 =	vld [tilespmem:s30+$0x18820]  }
0xb5: {  	v8 =	vld.idx.msk [tilespmem:v56+s4+$0x0], $0xffff  }
0xb6: {  	v1 =	vld.idx.msk [tilespmem:v1+s4+$0x0], $0xffff  }
0xb7: {  	v10 =	vld.idx.msk [tilespmem:v10+s4+$0x0], $0xffff;
	[tilespmem:s13+$0x19700] =	vst v6  }
0xb8: {  	v61 =	vld [tilespmem:s30+$0x18800]  }
0xb9: {  	v3 =	vld.idx.msk [tilespmem:v3+s4+$0x0], $0xffff  }
0xba: {  	s14 =	sor.u32 $0x280, s25;
	[tilespmem:s22+$0x19700] =	vst v8;
	v8 =	vld.idx.msk [tilespmem:v13+s4+$0x0], $0xffff  }
0xbb: {  	[tilespmem:s30+$0x19730] =	vst v1;
	v58 =	vld [tilespmem:s14+$0x18700]  }
0xbc: {  	v12 =	vld.idx.msk [tilespmem:v12+s4+$0x0], $0xffff  }
0xbd: {  	s17 =	sor.u32 $0x300, s5;
	[tilespmem:s23+$0x19700] =	vst v10;
	v4 =	vld.idx.msk [tilespmem:v4+s4+$0x0], $0xffff  }
0xbe: {  	v6 =	vld [tilespmem:s17+$0x18700]  }
0xbf: {  	s15 =	sor.u32 $0x300, s6;
	v1 =	vld [tilespmem:s30+$0x188B0];
	[tilespmem:s24+$0x19700] =	vst v8  }
0xc0: {  	[tilespmem:s30+$0x19710] =	vst v11;
	v59 =	vld [tilespmem:s15+$0x18700]  }
0xc1: {  	v8 =	vld.idx.msk [tilespmem:v14+s4+$0x0], $0xffff;
	[tilespmem:s30+$0x197B0] =	vst v12  }
0xc2: {  	[tilespmem:s3+$0x19700] =	vst v3;
	v3 =	vld.idx.msk [tilespmem:v5+s4+$0x0], $0xffff  }
0xc3: {  	s22 =	sor.u32 $0x300, s1;
	v60 =	vld.idx.msk [tilespmem:v58+s4+$0x0], $0xffff  }
0xc4: {  	v5 =	vld [tilespmem:s22+$0x18700]  }
0xc5: {  	v62 =	vld.idx.msk [tilespmem:v61+s4+$0x0], $0xffff;
	[tilespmem:s30+$0x19820] =	vst v4  }
0xc6: {  	v4 =	vld.idx.msk [tilespmem:v7+s4+$0x0], $0xffff  }
0xc7: {  	p2 =	por !p2, !p2;
	s11 =	simm.s32 $0x1;
	v7 =	vld [tilespmem:s30+$0x18890]  }
0xc8: {  	s11 =	simm.s32 @!p2 $0x0;
	[tilespmem:s14+$0x19700] =	vst v60;
	s14 =	sor.u32 $0x300, s0;
	v9 =	vld.idx.msk [tilespmem:v59+s4+$0x0], $0xffff  }
0xc9: {  	s24 =	sshll.u32 s11, $0x6;
	[tilespmem:s30+$0x19790] =	vst v8;
	v8 =	vld [tilespmem:s14+$0x18700]  }
0xca: {  	v2 =	vld.idx.msk [tilespmem:v2+s4+$0x0], $0xffff;
	[tilespmem:s30+$0x19830] =	vst v3;
	s0 =	sadd.s32 $0x200, s24  }
0xcb: {  	v1 =	vld.idx.msk [tilespmem:v1+s4+$0x0], $0xffff;
	s13 =	sadd.s32 $0x20, s0  }
0xcc: {  	[tilespmem:s30+$0x198A0] =	vst v4;
	v5 =	vld.idx.msk [tilespmem:v5+s4+$0x0], $0xffff;
	s9 =	sor.u32 $0x200, s13  }
0xcd: {  	s23 =	sor.u32 $0x380, s6;
	v4 =	vld [tilespmem:s9+$0x18700];
	[tilespmem:s15+$0x19700] =	vst v9  }
0xce: {  	v9 =	vld [tilespmem:s23+$0x18700]  }
0xcf: {  	v63 =	vld.idx.msk [tilespmem:v6+s4+$0x0], $0xffff;
	[tilespmem:s30+$0x19800] =	vst v62;
	s15 =	sor.u32 $0x180, s7  }
0xd0: {  	v6 =	vld [tilespmem:s15+$0x18700]  }
0xd1: {  	s31 =	sadd.s32 $0x30, s0;
	[tilespmem:s30+$0x19810] =	vst v2;
	v8 =	vld.idx.msk [tilespmem:v8+s4+$0x0], $0xffff  }
0xd2: {  	[tilespmem:s30+$0x198B0] =	vst v1;
	v7 =	vld.idx.msk [tilespmem:v7+s4+$0x0], $0xffff;
	s7 =	sor.u32 $0x200, s31  }
0xd3: {  	s24 =	sor.u32 $0x380, s1;
	[tilespmem:s22+$0x19700] =	vst v5;
	v3 =	vld [tilespmem:s7+$0x18700]  }
0xd4: {  	v1 =	vld [tilespmem:s24+$0x18700]  }
0xd5: {  	s28 =	sshll.u32 s26, $0x1;
	s19 =	sor.u32 $0x380, s25;
	v5 =	vld.idx.msk [tilespmem:v4+s4+$0x0], $0xffff  }
0xd6: {  	s8 =	simm.s32 $0x400;
	s11 =	simm.s32 $0x240;
	s1 =	sand.u32 $0x2, s28;
	[tilespmem:s14+$0x19700] =	vst v8;
	v2 =	vld.idx.msk [tilespmem:v9+s4+$0x0], $0xffff  }
0xd7: {  	[tilespmem:s17+$0x19700] =	vst v63;
	s12 =	sadd.s32 $0x10, s0;
	s14 =	sor.u32 $0x380, s5;
	s5 =	simm.s32 $0x80;
	v4 =	vld [tilespmem:s19+$0x18700]  }
.LBB2_19:
0xd8: {  	s29 =	sadd.s32 $0x40, s29;
	s6 =	sand.u32 $0xFFFFFC00, s8;
	s17 =	sor.u32 $0x200, s12;
	v8 =	vld [tilespmem:s14+$0x18700]  }
0xd9: {  	s22 =	sand.u32 $0x400, s8;
	s6 =	sadd.s32 s6, s5;
	s10 =	sand.u32 $0x40, s29;
	v6 =	vld.idx.msk [tilespmem:v6+s4+$0x0], $0xffff;
	[tilespmem:s30+$0x19890] =	vst v7  }
0xda: {  	p3 =	slt.u32 s29, $0xC0;
	s30 =	sor.u32 s10, s22;
	v7 =	vld [tilespmem:s17+$0x18700];
	[tilespmem:s9+$0x19700] =	vst v5;
	s10 =	smov.u32 s13  }
0xdb: {  	v5 =	vld [tilespmem:s30+$0x18830]  }
0xdc: {  	v9 =	vld [tilespmem:s30+$0x18720];
	[tilespmem:s23+$0x19700] =	vst v2  }
0xdd: {  	v1 =	vld.idx.msk [tilespmem:v1+s4+$0x0], $0xffff  }
0xde: {  	v2 =	vld [tilespmem:s30+$0x18700]  }
0xdf: {  	[tilespmem:s15+$0x19700] =	vst v6;
	v4 =	vld.idx.msk [tilespmem:v4+s4+$0x0], $0xffff  }
0xe0: {  	v6 =	vld.idx.msk [tilespmem:v8+s4+$0x0], $0xffff  }
0xe1: {  	v8 =	vld [tilespmem:s30+$0x187A0]  }
0xe2: {  	s9 =	sor.u32 $0x200, s0;
	v10 =	vld [tilespmem:s30+$0x18730]  }
0xe3: {  	v11 =	vld [tilespmem:s9+$0x18700];
	[tilespmem:s24+$0x19700] =	vst v1  }
0xe4: {  	v1 =	vld.idx.msk [tilespmem:v7+s4+$0x0], $0xffff  }
0xe5: {  	s13 =	sor.u32 $0x280, s10;
	v7 =	vld [tilespmem:s30+$0x18810];
	[tilespmem:s19+$0x19700] =	vst v4  }
0xe6: {  	v4 =	vld [tilespmem:s13+$0x18700];
	[tilespmem:s14+$0x19700] =	vst v6  }
0xe7: {  	v3 =	vld.idx.msk [tilespmem:v3+s4+$0x0], $0xffff  }
0xe8: {  	v6 =	vld [tilespmem:s30+$0x18710]  }
0xe9: {  	v9 =	vld.idx.msk [tilespmem:v9+s4+$0x0], $0xffff  }
0xea: {  	v12 =	vld [tilespmem:s30+$0x187B0];
	[tilespmem:s17+$0x19700] =	vst v1  }
0xeb: {  	v1 =	vld.idx.msk [tilespmem:v2+s4+$0x0], $0xffff  }
0xec: {  	s14 =	sor.u32 $0x280, s12;
	v2 =	vld [tilespmem:s30+$0x18820]  }
0xed: {  	v13 =	vld [tilespmem:s14+$0x18700];
	[tilespmem:s7+$0x19700] =	vst v3;
	s7 =	sor.u32 $0x280, s31  }
0xee: {  	v3 =	vld [tilespmem:s7+$0x18700]  }
0xef: {  	[tilespmem:s30+$0x19720] =	vst v9;
	v9 =	vld.idx.msk [tilespmem:v10+s4+$0x0], $0xffff  }
0xf0: {  	v8 =	vld.idx.msk [tilespmem:v8+s4+$0x0], $0xffff  }
0xf1: {  	v10 =	vld.idx.msk [tilespmem:v11+s4+$0x0], $0xffff  }
0xf2: {  	s15 =	sor.u32 $0x80, s6;
	[tilespmem:s30+$0x19700] =	vst v1;
	v1 =	vld [tilespmem:s30+$0x188A0]  }
0xf3: {  	v11 =	vld [tilespmem:s15+$0x18700]  }
0xf4: {  	v4 =	vld.idx.msk [tilespmem:v4+s4+$0x0], $0xffff  }
0xf5: {  	v14 =	vld [tilespmem:s30+$0x18790]  }
0xf6: {  	v6 =	vld.idx.msk [tilespmem:v6+s4+$0x0], $0xffff;
	[tilespmem:s30+$0x197A0] =	vst v8  }
0xf7: {  	[tilespmem:s9+$0x19700] =	vst v10;
	s9 =	sor.u32 $0x280, s11;
	v8 =	vld.idx.msk [tilespmem:v13+s4+$0x0], $0xffff  }
0xf8: {  	v10 =	vld [tilespmem:s9+$0x18700]  }
0xf9: {  	[tilespmem:s30+$0x19730] =	vst v9;
	v9 =	vld [tilespmem:s30+$0x188B0]  }
0xfa: {  	v12 =	vld.idx.msk [tilespmem:v12+s4+$0x0], $0xffff;
	[tilespmem:s13+$0x19700] =	vst v4  }
0xfb: {  	p2 =	por !p2, !p2;
	v4 =	vld.idx.msk [tilespmem:v11+s4+$0x0], $0xffff  }
0xfc: {  	[tilespmem:s30+$0x19710] =	vst v6;
	v2 =	vld.idx.msk [tilespmem:v2+s4+$0x0], $0xffff  }
0xfd: {  	[tilespmem:s14+$0x19700] =	vst v8;
	v3 =	vld.idx.msk [tilespmem:v3+s4+$0x0], $0xffff  }
0xfe: {  	s17 =	sor.u32 $0x300, s12;
	v6 =	vld.idx.msk [tilespmem:v14+s4+$0x0], $0xffff  }
0xff: {  	v8 =	vld [tilespmem:s17+$0x18700]  }
0x100: {  	s14 =	sor.u32 $0x300, s10;
	[tilespmem:s30+$0x197B0] =	vst v12;
	v10 =	vld.idx.msk [tilespmem:v10+s4+$0x0], $0xffff  }
0x101: {  	[tilespmem:s15+$0x19700] =	vst v4;
	v4 =	vld [tilespmem:s14+$0x18700]  }
0x102: {  	v11 =	vld [tilespmem:s30+$0x18800];
	[tilespmem:s30+$0x19820] =	vst v2  }
0x103: {  	v1 =	vld.idx.msk [tilespmem:v1+s4+$0x0], $0xffff;
	[tilespmem:s7+$0x19700] =	vst v3  }
0x104: {  	s19 =	sor.u32 $0x300, s31;
	v2 =	vld.idx.msk [tilespmem:v5+s4+$0x0], $0xffff  }
0x105: {  	v3 =	vld [tilespmem:s19+$0x18700]  }
0x106: {  	s22 =	sor.u32 $0x300, s0;
	s0 =	simm.s32 $0x1;
	v5 =	vld [tilespmem:s30+$0x18890];
	[tilespmem:s9+$0x19700] =	vst v10  }
0x107: {  	s0 =	simm.s32 @!p2 $0x0;
	[tilespmem:s30+$0x19790] =	vst v6;
	v6 =	vld.idx.msk [tilespmem:v8+s4+$0x0], $0xffff  }
0x108: {  	s0 =	sshll.u32 s0, $0x6;
	v8 =	vld [tilespmem:s22+$0x18700]  }
0x109: {  	s0 =	sadd.s32 s0, s8;
	v7 =	vld.idx.msk [tilespmem:v7+s4+$0x0], $0xffff;
	[tilespmem:s30+$0x198A0] =	vst v1  }
0x10a: {  	s13 =	sadd.s32 $0x20, s0;
	v1 =	vld.idx.msk [tilespmem:v11+s4+$0x0], $0xffff;
	[tilespmem:s30+$0x19830] =	vst v2  }
0x10b: {  	s9 =	sor.u32 $0x200, s13;
	v2 =	vld.idx.msk [tilespmem:v9+s4+$0x0], $0xffff  }
0x10c: {  	v9 =	vld [tilespmem:s9+$0x18700]  }
0x10d: {  	s23 =	sor.u32 $0x380, s12;
	[tilespmem:s17+$0x19700] =	vst v6;
	v10 =	vld.idx.msk [tilespmem:v3+s4+$0x0], $0xffff  }
0x10e: {  	v11 =	vld [tilespmem:s23+$0x18700]  }
0x10f: {  	[tilespmem:s30+$0x19810] =	vst v7;
	v4 =	vld.idx.msk [tilespmem:v4+s4+$0x0], $0xffff  }
0x110: {  	s15 =	sor.u32 $0x180, s6;
	[tilespmem:s30+$0x19800] =	vst v1;
	v8 =	vld.idx.msk [tilespmem:v8+s4+$0x0], $0xffff  }
0x111: {  	s6 =	sadd.s32 $0x30, s0;
	v6 =	vld [tilespmem:s15+$0x18700];
	[tilespmem:s30+$0x198B0] =	vst v2  }
0x112: {  	s7 =	sor.u32 $0x200, s6;
	v7 =	vld.idx.msk [tilespmem:v5+s4+$0x0], $0xffff  }
.Ltmp10:
0x113: {  	v3 =	vld [tilespmem:s7+$0x18700];
	[tilespmem:s19+$0x19700] =	vst v10;
	(pc) =	sbr.rel @p3 .LBB2_19-.Ltmp10, $4  }
0x114: {  	s24 =	sor.u32 $0x380, s31;
	s31 =	smov.u32 s6;
	v5 =	vld.idx.msk [tilespmem:v9+s4+$0x0], $0xffff  }
0x115: {  	[tilespmem:s14+$0x19700] =	vst v4;
	v1 =	vld [tilespmem:s24+$0x18700]  }
0x116: {  	s19 =	sor.u32 $0x380, s11;
	s11 =	sadd.s32 $0x240, s11;
	s14 =	sor.u32 $0x380, s10;
	[tilespmem:s22+$0x19700] =	vst v8;
	v2 =	vld.idx.msk [tilespmem:v11+s4+$0x0], $0xffff  }
0x117: {  	s5 =	sadd.s32 $0x40, s5;
	s8 =	sadd.s32 $0x200, s8;
	s12 =	sadd.s32 $0x10, s0;
	v4 =	vld [tilespmem:s19+$0x18700]  }
0x118: {  	_ =	sdelay $0x3  }
0x119: {  	v6 =	vld.idx.msk [tilespmem:v6+s4+$0x0], $0xffff;
	s5 =	sor.u32 $0x200, s12;
	[tilespmem:s30+$0x19890] =	vst v7  }
0x11a: {  	v7 =	vld [tilespmem:s5+$0x18700];
	_ =	sdelay $0x3  }
0x11b: {  	s6 =	sor.u32 $0x200, s0;
	[tilespmem:s15+$0x19700] =	vst v6  }
0x11c: {  	v6 =	vld [tilespmem:s6+$0x18700];
	_ =	sdelay $0x2  }
0x11d: {  	v7 =	vld.idx.msk [tilespmem:v7+s4+$0x0], $0xffff;
	_ =	sdelay $0x2  }
0x11e: {  	v3 =	vld.idx.msk [tilespmem:v3+s4+$0x0], $0xffff;
	_ =	sdelay $0x1  }
0x11f: {  	s10 =	sor.u32 $0x280, s12;
	v6 =	vld.idx.msk [tilespmem:v6+s4+$0x0], $0xffff;
	[tilespmem:s5+$0x19700] =	vst v7  }
0x120: {  	v7 =	vld [tilespmem:s10+$0x18700];
	_ =	sdelay $0x1  }
0x121: {  	[tilespmem:s7+$0x19700] =	vst v3;
	s15 =	sor.u32 $0x280, s31  }
0x122: {  	s8 =	sor.u32 $0x280, s13;
	[tilespmem:s9+$0x19700] =	vst v5;
	v3 =	vld [tilespmem:s15+$0x18700]  }
0x123: {  	s17 =	sor.u32 $0x280, s11;
	v63 =	vld [tilespmem:s8+$0x18700];
	[tilespmem:s6+$0x19700] =	vst v6  }
0x124: {  	v62 =	vld [tilespmem:s17+$0x18700];
	_ =	sdelay $0x2  }
0x125: {  	v7 =	vld.idx.msk [tilespmem:v7+s4+$0x0], $0xffff;
	_ =	sdelay $0x2  }
0x126: {  	v3 =	vld.idx.msk [tilespmem:v3+s4+$0x0], $0xffff  }
0x127: {  	v6 =	vld.idx.msk [tilespmem:v63+s4+$0x0], $0xffff  }
0x128: {  	s22 =	sor.u32 $0x300, s12;
	v5 =	vld.idx.msk [tilespmem:v62+s4+$0x0], $0xffff;
	[tilespmem:s10+$0x19700] =	vst v7  }
0x129: {  	v7 =	vld [tilespmem:s22+$0x18700];
	_ =	sdelay $0x1  }
0x12a: {  	s3 =	sor.u32 $0x300, s31;
	[tilespmem:s15+$0x19700] =	vst v3  }
0x12b: {  	s9 =	sor.u32 $0x300, s13;
	v3 =	vld [tilespmem:s3+$0x18700];
	[tilespmem:s8+$0x19700] =	vst v6  }
0x12c: {  	s6 =	sor.u32 $0x300, s0;
	v6 =	vld [tilespmem:s9+$0x18700];
	[tilespmem:s17+$0x19700] =	vst v5  }
0x12d: {  	v5 =	vld [tilespmem:s6+$0x18700];
	_ =	sdelay $0x2  }
0x12e: {  	v7 =	vld.idx.msk [tilespmem:v7+s4+$0x0], $0xffff;
	_ =	sdelay $0x1  }
0x12f: {  	v8 =	vld [tilespmem:s14+$0x18700]  }
0x130: {  	v3 =	vld.idx.msk [tilespmem:v3+s4+$0x0], $0xffff  }
0x131: {  	v6 =	vld.idx.msk [tilespmem:v6+s4+$0x0], $0xffff  }
0x132: {  	s10 =	sor.u32 $0x380, s12;
	v5 =	vld.idx.msk [tilespmem:v5+s4+$0x0], $0xffff;
	[tilespmem:s22+$0x19700] =	vst v7  }
0x133: {  	v7 =	vld [tilespmem:s10+$0x18700];
	_ =	sdelay $0x1  }
0x134: {  	v1 =	vld.idx.msk [tilespmem:v1+s4+$0x0], $0xffff;
	s12 =	sor.u32 $0x380, s31;
	[tilespmem:s3+$0x19700] =	vst v3  }
0x135: {  	s17 =	sor.u32 $0x380, s13;
	v3 =	vld [tilespmem:s12+$0x18700];
	[tilespmem:s9+$0x19700] =	vst v6  }
0x136: {  	s15 =	sor.u32 $0x380, s11;
	v6 =	vld [tilespmem:s17+$0x18700];
	[tilespmem:s6+$0x19700] =	vst v5  }
0x137: {  	v5 =	vld [tilespmem:s15+$0x18700]  }
0x138: {  	v4 =	vld.idx.msk [tilespmem:v4+s4+$0x0], $0xffff  }
0x139: {  	v8 =	vld.idx.msk [tilespmem:v8+s4+$0x0], $0xffff  }
0x13a: {  	v7 =	vld.idx.msk [tilespmem:v7+s4+$0x0], $0xffff  }
0x13b: {  	[tilespmem:s23+$0x19700] =	vst v2  }
0x13c: {  	[tilespmem:s24+$0x19700] =	vst v1  }
0x13d: {  	[tilespmem:s19+$0x19700] =	vst v4;
	v2 =	vld.idx.msk [tilespmem:v3+s4+$0x0], $0xffff  }
0x13e: {  	p2 =	slt.u32 s26, $0x2;
	[tilespmem:s14+$0x19700] =	vst v8;
	v3 =	vld.idx.msk [tilespmem:v6+s4+$0x0], $0xffff  }
0x13f: {  	s29 =	sshll.u32 s26, $0xC;
	p3 =	sne.s32 @!p2 s1, $0x0;
	v1 =	vld.idx.msk [tilespmem:v5+s4+$0x0], $0xffff;
	[tilespmem:s10+$0x19700] =	vst v7  }
0x140: {  	p2 =	por p2, p3;
	s22 =	sand.u32 $0x3E000, s29;
	s3 =	rddreg [dreg:$0x7]  }
.Ltmp11:
0x141: {  	s23 =	sshll.u32 s1, $0xB;
	s30 =	sadd.s32 s3, s22;
	(pc) =	sbr.rel @p2 .LBB2_22-.Ltmp11, $4  }
0x142: {  	[tilespmem:s12+$0x19700] =	vst v2;
	s5 =	sor.u32 s23, s30  }
0x143: {  	[tilespmem:s17+$0x19700] =	vst v3;
	s24 =	sshrl.u32 s5, $0x3  }
0x144: {  	s31 =	simm.s32 $0x19700;
	[tilespmem:s15+$0x19700] =	vst v1;
	s0 =	sadd.s32 s2, s24  }
0x145: {  	[hbm4b:s0+s4] =	stream.linear.scatter [tilespmem:s31], [sflag:$0x3], $0x800, $0x38;
	[tilespmem:$0x1F900] =	vst v63  }
0x146: {  	_ =	swait.ge [sflag:s18], $0x2000  }
0x147: {  	[sflag:s18] =	ssyncset.done $0x0  }
0x148: {  	[sflag:s18] =	ssyncadd.s32 $0xFFFFE000  }
.LBB2_23:
0x149: {  	s0 =	sshrl.u32 s30, $0x3  }
0x14a: {  	s0 =	sadd.s32 s2, s0  }
0x14b: {  	s1 =	simm.s32 $0x1A700;
	s0 =	sadd.s32 $0x6400, s0  }
0x14c: {  	[hbm4b:s0+s4] =	stream.linear.scatter [tilespmem:s1], [sflag:$0x5], $0x2000, $0x38;
	[tilespmem:$0x1F900] =	vst v63  }
.LBB2_24:
0x14d: {  	p2 =	sne.s32 s26, $0x31  }
.Ltmp12:
0x14e: {  	_ = 	snop;
	(pc) =	sbr.rel @p2 .LBB2_26-.Ltmp12, $1  }
0x14f: {  	_ =	sdelay $0x3  }
.Ltmp13:
0x150: {  	(pc) =	sbr.rel .LBB2_27-.Ltmp13, $4  }
0x151: {  	_ = 	snop  }
0x152: {  	_ =	swait.ge [sflag:s20], $0x800  }
0x153: {  	[sflag:s20] =	ssyncset.done $0x0  }
0x154: {  	[sflag:s20] =	ssyncadd.s32 $0xFFFFF800  }
.LBB2_26:
0x155: {  	s0 =	sshll.u32 s28, $0xB  }
0x156: {  	s0 =	sadd.s32 $0x1000, s0  }
0x157: {  	s3 =	rddreg [dreg:$0x3];
	s1 =	sand.u32 $0x7E000, s0  }
0x158: {  	s0 =	sand.u32 $0x1000, s0;
	s1 =	sadd.s32 s1, s3  }
.Ltmp14:
0x159: {  	s31 =	simm.s32 $0x18700;
	s0 =	sadd.s32 s0, s1;
	(pc) =	sbr.rel @p1 .LBB2_28-.Ltmp14, $4  }
0x15a: {  	[tilespmem:s31], [sflag:$0x1] =	stream.linear.gather [spmem:s0], $0x800, $0x38;
	[tilespmem:$0x1F900] =	vst v63  }
0x15b: {  	_ =	swait.ge [sflag:s20], $0x800  }
0x15c: {  	[sflag:s20] =	ssyncset.done $0x0  }
0x15d: {  	[sflag:s20] =	ssyncadd.s32 $0xFFFFF800  }
.LBB2_27:
0x15e: {  	_ =	swait.ge [sflag:s21], $0x800  }
0x15f: {  	[sflag:s21] =	ssyncset.done $0x0  }
0x160: {  	[sflag:s21] =	ssyncadd.s32 $0xFFFFF800  }
.LBB2_28:
0x161: {  	s5 =	simm.s32 $0x0;
	s0 =	simm.s32 $0x0  }
0x162: {  	s0 =	sand.u32 $0x40, s0;
	s1 =	sand.u32 $0x400, s5  }
0x163: {  	s1 =	sor.u32 s0, s1  }
0x164: {  	v1 =	vld [tilespmem:s1+$0x18F00]  }
0x165: {  	v2 =	vld [tilespmem:s1+$0x18F20];
	_ =	sdelay $0x4  }
0x166: {  	v3 =	vld [tilespmem:s1+$0x18F30]  }
0x167: {  	v4 =	vld [tilespmem:s1+$0x18FA0]  }
0x168: {  	v1 =	vld.idx.msk [tilespmem:v1+s4+$0x0], $0xffff  }
0x169: {  	v2 =	vld.idx.msk [tilespmem:v2+s4+$0x0], $0xffff;
	_ =	sdelay $0x1  }
0x16a: {  	v6 =	vld [tilespmem:s1+$0x18F10]  }
0x16b: {  	s24 =	sand.u32 $0xFFFFFC00, s5;
	v7 =	vld [tilespmem:s1+$0x18FB0]  }
0x16c: {  	s7 =	sadd.s32 $0x0, s24;
	v8 =	vld [tilespmem:s1+$0x19020];
	[tilespmem:s1+$0x19F00] =	vst v1  }
0x16d: {  	s0 =	sor.u32 $0x80, s7;
	[tilespmem:s1+$0x19F20] =	vst v2;
	v2 =	vld.idx.msk [tilespmem:v3+s4+$0x0], $0xffff  }
0x16e: {  	v1 =	vld [tilespmem:s0+$0x18F00]  }
0x16f: {  	v3 =	vld.idx.msk [tilespmem:v4+s4+$0x0], $0xffff  }
0x170: {  	v4 =	vld [tilespmem:s1+$0x18F90]  }
0x171: {  	v5 =	vld [tilespmem:s1+$0x19030]  }
0x172: {  	v6 =	vld.idx.msk [tilespmem:v6+s4+$0x0], $0xffff  }
0x173: {  	v9 =	vld [tilespmem:s1+$0x190A0];
	[tilespmem:s1+$0x19F30] =	vst v2  }
0x174: {  	[tilespmem:s1+$0x19FA0] =	vst v3;
	v2 =	vld.idx.msk [tilespmem:v7+s4+$0x0], $0xffff  }
0x175: {  	v3 =	vld.idx.msk [tilespmem:v8+s4+$0x0], $0xffff  }
0x176: {  	v7 =	vld [tilespmem:s1+$0x19010]  }
0x177: {  	[tilespmem:s1+$0x19F10] =	vst v6;
	v1 =	vld.idx.msk [tilespmem:v1+s4+$0x0], $0xffff  }
0x178: {  	v4 =	vld.idx.msk [tilespmem:v4+s4+$0x0], $0xffff  }
0x179: {  	v6 =	vld [tilespmem:s1+$0x190B0];
	[tilespmem:s1+$0x19FB0] =	vst v2  }
0x17a: {  	[tilespmem:s1+$0x1A020] =	vst v3;
	v3 =	vld.idx.msk [tilespmem:v5+s4+$0x0], $0xffff  }
0x17b: {  	v5 =	vld [tilespmem:s1+$0x19090]  }
0x17c: {  	v2 =	vld.idx.msk [tilespmem:v9+s4+$0x0], $0xffff;
	[tilespmem:s0+$0x19F00] =	vst v1  }
0x17d: {  	p1 =	por $0x0, $0x0;
	s0 =	simm.s32 $0x1;
	[tilespmem:s1+$0x19F90] =	vst v4;
	v1 =	vld [tilespmem:s1+$0x19000]  }
0x17e: {  	s0 =	simm.s32 @!p1 $0x0;
	v4 =	vld.idx.msk [tilespmem:v7+s4+$0x0], $0xffff  }
0x17f: {  	s0 =	sshll.u32 s0, $0x6  }
0x180: {  	s0 =	sadd.s32 $0x0, s0  }
0x181: {  	[tilespmem:s1+$0x1A030] =	vst v3;
	s6 =	sadd.s32 $0x20, s0  }
0x182: {  	[tilespmem:s1+$0x1A0A0] =	vst v2;
	v3 =	vld.idx.msk [tilespmem:v6+s4+$0x0], $0xffff;
	s9 =	sor.u32 $0x200, s6  }
0x183: {  	v2 =	vld [tilespmem:s9+$0x18F00];
	[tilespmem:s1+$0x1A010] =	vst v4  }
0x184: {  	v4 =	vld.idx.msk [tilespmem:v5+s4+$0x0], $0xffff;
	_ =	sdelay $0x1  }
0x185: {  	v1 =	vld.idx.msk [tilespmem:v1+s4+$0x0], $0xffff  }
0x186: {  	s10 =	sor.u32 $0x180, s7;
	s7 =	sadd.s32 $0x30, s0  }
0x187: {  	s8 =	sadd.s32 $0x10, s0;
	s11 =	sor.u32 $0x200, s7;
	[tilespmem:s1+$0x1A0B0] =	vst v3  }
0x188: {  	s13 =	sor.u32 $0x200, s8;
	v3 =	vld [tilespmem:s11+$0x18F00];
	[tilespmem:s1+$0x1A090] =	vst v4  }
0x189: {  	s12 =	simm.s32 $0x200;
	s31 =	simm.s32 $0x40;
	v4 =	vld [tilespmem:s13+$0x18F00]  }
0x18a: {  	s3 =	sand.u32 $0x40, s31;
	s14 =	sand.u32 $0x400, s12;
	[tilespmem:s1+$0x1A000] =	vst v1;
	v2 =	vld.idx.msk [tilespmem:v2+s4+$0x0], $0xffff  }
0x18b: {  	s1 =	sor.u32 s3, s14;
	v1 =	vld [tilespmem:s10+$0x18F00]  }
0x18c: {  	v5 =	vld [tilespmem:s1+$0x19030]  }
0x18d: {  	v6 =	vld [tilespmem:s1+$0x18F20]  }
0x18e: {  	v7 =	vld [tilespmem:s1+$0x18F00]  }
0x18f: {  	v8 =	vld [tilespmem:s1+$0x18FA0]  }
0x190: {  	v11 =	vld [tilespmem:s1+$0x18F10]  }
0x191: {  	v12 =	vld [tilespmem:s1+$0x18FB0]  }
0x192: {  	v14 =	vld [tilespmem:s1+$0x18F90]  }
0x193: {  	v3 =	vld.idx.msk [tilespmem:v3+s4+$0x0], $0xffff  }
0x194: {  	s15 =	sor.u32 $0x280, s6;
	[tilespmem:s9+$0x19F00] =	vst v2;
	v2 =	vld [tilespmem:s1+$0x19010]  }
0x195: {  	v10 =	vld [tilespmem:s15+$0x18F00]  }
0x196: {  	v1 =	vld.idx.msk [tilespmem:v1+s4+$0x0], $0xffff  }
0x197: {  	v4 =	vld.idx.msk [tilespmem:v4+s4+$0x0], $0xffff  }
0x198: {  	v6 =	vld.idx.msk [tilespmem:v6+s4+$0x0], $0xffff  }
0x199: {  	v7 =	vld.idx.msk [tilespmem:v7+s4+$0x0], $0xffff  }
0x19a: {  	s19 =	sor.u32 $0x280, s7;
	[tilespmem:s11+$0x19F00] =	vst v3;
	v11 =	vld.idx.msk [tilespmem:v11+s4+$0x0], $0xffff  }
0x19b: {  	s14 =	sor.u32 $0x200, s0;
	v3 =	vld [tilespmem:s19+$0x18F00];
	[tilespmem:s10+$0x19F00] =	vst v1  }
0x19c: {  	v56 =	vld [tilespmem:s14+$0x18F00]  }
0x19d: {  	s22 =	sand.u32 $0xFFFFFC00, s12;
	v1 =	vld [tilespmem:s1+$0x18F30]  }
0x19e: {  	s17 =	sor.u32 $0x280, s8;
	s9 =	sadd.s32 $0x40, s22;
	[tilespmem:s13+$0x19F00] =	vst v4;
	v4 =	vld [tilespmem:s1+$0x19020]  }
0x19f: {  	s23 =	sor.u32 $0x80, s9;
	v13 =	vld [tilespmem:s17+$0x18F00];
	[tilespmem:s1+$0x19F00] =	vst v7  }
0x1a0: {  	[tilespmem:s1+$0x19F20] =	vst v6;
	v57 =	vld [tilespmem:s23+$0x18F00]  }
0x1a1: {  	v6 =	vld.idx.msk [tilespmem:v8+s4+$0x0], $0xffff  }
0x1a2: {  	v7 =	vld [tilespmem:s1+$0x190A0]  }
0x1a3: {  	v10 =	vld.idx.msk [tilespmem:v10+s4+$0x0], $0xffff  }
0x1a4: {  	v8 =	vld.idx.msk [tilespmem:v56+s4+$0x0], $0xffff  }
0x1a5: {  	v1 =	vld.idx.msk [tilespmem:v1+s4+$0x0], $0xffff  }
0x1a6: {  	v3 =	vld.idx.msk [tilespmem:v3+s4+$0x0], $0xffff;
	[tilespmem:s1+$0x19FA0] =	vst v6  }
0x1a7: {  	v4 =	vld.idx.msk [tilespmem:v4+s4+$0x0], $0xffff  }
0x1a8: {  	v6 =	vld.idx.msk [tilespmem:v57+s4+$0x0], $0xffff  }
0x1a9: {  	s24 =	sor.u32 $0x280, s5;
	[tilespmem:s14+$0x19F00] =	vst v8;
	v8 =	vld.idx.msk [tilespmem:v13+s4+$0x0], $0xffff  }
0x1aa: {  	[tilespmem:s1+$0x19F30] =	vst v1;
	v58 =	vld [tilespmem:s24+$0x18F00]  }
0x1ab: {  	v12 =	vld.idx.msk [tilespmem:v12+s4+$0x0], $0xffff  }
0x1ac: {  	[tilespmem:s1+$0x1A020] =	vst v4;
	v1 =	vld [tilespmem:s1+$0x190B0]  }
0x1ad: {  	v4 =	vld.idx.msk [tilespmem:v7+s4+$0x0], $0xffff;
	[tilespmem:s23+$0x19F00] =	vst v6  }
0x1ae: {  	s3 =	sor.u32 $0x300, s8;
	v61 =	vld [tilespmem:s1+$0x19000];
	[tilespmem:s17+$0x19F00] =	vst v8  }
0x1af: {  	[tilespmem:s1+$0x19F10] =	vst v11;
	v59 =	vld [tilespmem:s3+$0x18F00]  }
0x1b0: {  	v8 =	vld.idx.msk [tilespmem:v14+s4+$0x0], $0xffff;
	[tilespmem:s1+$0x19FB0] =	vst v12  }
0x1b1: {  	[tilespmem:s19+$0x19F00] =	vst v3;
	v3 =	vld.idx.msk [tilespmem:v5+s4+$0x0], $0xffff  }
0x1b2: {  	s14 =	sor.u32 $0x300, s7;
	v60 =	vld.idx.msk [tilespmem:v58+s4+$0x0], $0xffff  }
0x1b3: {  	v5 =	vld [tilespmem:s14+$0x18F00]  }
0x1b4: {  	s22 =	sor.u32 $0x300, s6;
	[tilespmem:s15+$0x19F00] =	vst v10;
	v7 =	vld [tilespmem:s1+$0x19090]  }
0x1b5: {  	v6 =	vld [tilespmem:s22+$0x18F00]  }
0x1b6: {  	p1 =	por !p1, !p1;
	s11 =	simm.s32 $0x1;
	v62 =	vld.idx.msk [tilespmem:v61+s4+$0x0], $0xffff  }
0x1b7: {  	s11 =	simm.s32 @!p1 $0x0;
	s19 =	sor.u32 $0x300, s0;
	[tilespmem:s24+$0x19F00] =	vst v60;
	v9 =	vld.idx.msk [tilespmem:v59+s4+$0x0], $0xffff  }
0x1b8: {  	[tilespmem:s1+$0x19F90] =	vst v8;
	s24 =	sshll.u32 s11, $0x6;
	v8 =	vld [tilespmem:s19+$0x18F00]  }
0x1b9: {  	v2 =	vld.idx.msk [tilespmem:v2+s4+$0x0], $0xffff;
	[tilespmem:s1+$0x1A030] =	vst v3;
	s11 =	sadd.s32 $0x200, s24  }
0x1ba: {  	v1 =	vld.idx.msk [tilespmem:v1+s4+$0x0], $0xffff;
	s23 =	sadd.s32 $0x20, s11  }
0x1bb: {  	[tilespmem:s1+$0x1A0A0] =	vst v4;
	v5 =	vld.idx.msk [tilespmem:v5+s4+$0x0], $0xffff;
	s15 =	sor.u32 $0x200, s23  }
0x1bc: {  	s24 =	sor.u32 $0x380, s8;
	v4 =	vld [tilespmem:s15+$0x18F00];
	[tilespmem:s3+$0x19F00] =	vst v9  }
0x1bd: {  	v9 =	vld [tilespmem:s24+$0x18F00]  }
0x1be: {  	s17 =	sor.u32 $0x180, s9;
	v63 =	vld.idx.msk [tilespmem:v6+s4+$0x0], $0xffff;
	[tilespmem:s1+$0x1A000] =	vst v62  }
0x1bf: {  	v6 =	vld [tilespmem:s17+$0x18F00]  }
0x1c0: {  	[tilespmem:s1+$0x1A010] =	vst v2;
	s0 =	sadd.s32 $0x30, s11;
	v8 =	vld.idx.msk [tilespmem:v8+s4+$0x0], $0xffff  }
0x1c1: {  	[tilespmem:s1+$0x1A0B0] =	vst v1;
	v7 =	vld.idx.msk [tilespmem:v7+s4+$0x0], $0xffff;
	s9 =	sor.u32 $0x200, s0  }
0x1c2: {  	v3 =	vld [tilespmem:s9+$0x18F00];
	[tilespmem:s14+$0x19F00] =	vst v5;
	s14 =	sor.u32 $0x380, s7  }
0x1c3: {  	v1 =	vld [tilespmem:s14+$0x18F00]  }
0x1c4: {  	v5 =	vld.idx.msk [tilespmem:v4+s4+$0x0], $0xffff  }
0x1c5: {  	s12 =	simm.s32 $0x240;
	s10 =	simm.s32 $0x400;
	s7 =	sor.u32 $0x380, s5;
	[tilespmem:s19+$0x19F00] =	vst v8;
	v2 =	vld.idx.msk [tilespmem:v9+s4+$0x0], $0xffff  }
0x1c6: {  	[tilespmem:s22+$0x19F00] =	vst v63;
	s8 =	simm.s32 $0x80;
	s5 =	sadd.s32 $0x10, s11;
	s19 =	sor.u32 $0x380, s6;
	v4 =	vld [tilespmem:s7+$0x18F00]  }
.LBB2_29:
0x1c7: {  	s31 =	sadd.s32 $0x40, s31;
	s6 =	sand.u32 $0xFFFFFC00, s10;
	s22 =	sor.u32 $0x200, s5;
	v8 =	vld [tilespmem:s19+$0x18F00]  }
0x1c8: {  	s3 =	sand.u32 $0x400, s10;
	s13 =	sadd.s32 s6, s8;
	s6 =	sand.u32 $0x40, s31;
	v6 =	vld.idx.msk [tilespmem:v6+s4+$0x0], $0xffff;
	[tilespmem:s1+$0x1A090] =	vst v7  }
0x1c9: {  	p2 =	slt.u32 s31, $0xC0;
	s1 =	sor.u32 s6, s3;
	v7 =	vld [tilespmem:s22+$0x18F00];
	[tilespmem:s15+$0x19F00] =	vst v5;
	s6 =	smov.u32 s23  }
0x1ca: {  	v5 =	vld [tilespmem:s1+$0x19030]  }
0x1cb: {  	v9 =	vld [tilespmem:s1+$0x18F20];
	[tilespmem:s24+$0x19F00] =	vst v2  }
0x1cc: {  	v1 =	vld.idx.msk [tilespmem:v1+s4+$0x0], $0xffff  }
0x1cd: {  	v2 =	vld [tilespmem:s1+$0x18F00]  }
0x1ce: {  	[tilespmem:s17+$0x19F00] =	vst v6;
	v4 =	vld.idx.msk [tilespmem:v4+s4+$0x0], $0xffff  }
0x1cf: {  	v6 =	vld.idx.msk [tilespmem:v8+s4+$0x0], $0xffff  }
0x1d0: {  	v8 =	vld [tilespmem:s1+$0x18FA0]  }
0x1d1: {  	s3 =	sor.u32 $0x200, s11;
	v10 =	vld [tilespmem:s1+$0x18F30]  }
0x1d2: {  	v11 =	vld [tilespmem:s3+$0x18F00];
	[tilespmem:s14+$0x19F00] =	vst v1  }
0x1d3: {  	v1 =	vld.idx.msk [tilespmem:v7+s4+$0x0], $0xffff  }
0x1d4: {  	s14 =	sor.u32 $0x280, s6;
	v7 =	vld [tilespmem:s1+$0x19010];
	[tilespmem:s7+$0x19F00] =	vst v4  }
0x1d5: {  	v4 =	vld [tilespmem:s14+$0x18F00];
	[tilespmem:s19+$0x19F00] =	vst v6  }
0x1d6: {  	v3 =	vld.idx.msk [tilespmem:v3+s4+$0x0], $0xffff  }
0x1d7: {  	v6 =	vld [tilespmem:s1+$0x18F10]  }
0x1d8: {  	v9 =	vld.idx.msk [tilespmem:v9+s4+$0x0], $0xffff  }
0x1d9: {  	v12 =	vld [tilespmem:s1+$0x18FB0];
	[tilespmem:s22+$0x19F00] =	vst v1  }
0x1da: {  	v1 =	vld.idx.msk [tilespmem:v2+s4+$0x0], $0xffff  }
0x1db: {  	s7 =	sor.u32 $0x280, s5;
	v2 =	vld [tilespmem:s1+$0x19020]  }
0x1dc: {  	v13 =	vld [tilespmem:s7+$0x18F00];
	[tilespmem:s9+$0x19F00] =	vst v3;
	s9 =	sor.u32 $0x280, s0  }
0x1dd: {  	v3 =	vld [tilespmem:s9+$0x18F00]  }
0x1de: {  	[tilespmem:s1+$0x19F20] =	vst v9;
	v9 =	vld.idx.msk [tilespmem:v10+s4+$0x0], $0xffff  }
0x1df: {  	v8 =	vld.idx.msk [tilespmem:v8+s4+$0x0], $0xffff  }
0x1e0: {  	v10 =	vld.idx.msk [tilespmem:v11+s4+$0x0], $0xffff  }
0x1e1: {  	s15 =	sor.u32 $0x80, s13;
	[tilespmem:s1+$0x19F00] =	vst v1;
	v1 =	vld [tilespmem:s1+$0x190A0]  }
0x1e2: {  	v11 =	vld [tilespmem:s15+$0x18F00]  }
0x1e3: {  	v4 =	vld.idx.msk [tilespmem:v4+s4+$0x0], $0xffff  }
0x1e4: {  	v14 =	vld [tilespmem:s1+$0x18F90]  }
0x1e5: {  	v6 =	vld.idx.msk [tilespmem:v6+s4+$0x0], $0xffff;
	[tilespmem:s1+$0x19FA0] =	vst v8  }
0x1e6: {  	[tilespmem:s3+$0x19F00] =	vst v10;
	s3 =	sor.u32 $0x280, s12;
	v8 =	vld.idx.msk [tilespmem:v13+s4+$0x0], $0xffff  }
0x1e7: {  	v10 =	vld [tilespmem:s3+$0x18F00]  }
0x1e8: {  	[tilespmem:s1+$0x19F30] =	vst v9;
	v9 =	vld [tilespmem:s1+$0x190B0]  }
0x1e9: {  	v12 =	vld.idx.msk [tilespmem:v12+s4+$0x0], $0xffff;
	[tilespmem:s14+$0x19F00] =	vst v4  }
0x1ea: {  	p1 =	por !p1, !p1;
	v4 =	vld.idx.msk [tilespmem:v11+s4+$0x0], $0xffff  }
0x1eb: {  	[tilespmem:s1+$0x19F10] =	vst v6;
	v2 =	vld.idx.msk [tilespmem:v2+s4+$0x0], $0xffff  }
0x1ec: {  	[tilespmem:s7+$0x19F00] =	vst v8;
	v3 =	vld.idx.msk [tilespmem:v3+s4+$0x0], $0xffff  }
0x1ed: {  	s14 =	sor.u32 $0x300, s5;
	v6 =	vld.idx.msk [tilespmem:v14+s4+$0x0], $0xffff  }
0x1ee: {  	v8 =	vld [tilespmem:s14+$0x18F00]  }
0x1ef: {  	s7 =	sor.u32 $0x300, s6;
	[tilespmem:s1+$0x19FB0] =	vst v12;
	v10 =	vld.idx.msk [tilespmem:v10+s4+$0x0], $0xffff  }
0x1f0: {  	[tilespmem:s15+$0x19F00] =	vst v4;
	v4 =	vld [tilespmem:s7+$0x18F00]  }
0x1f1: {  	v11 =	vld [tilespmem:s1+$0x19000];
	[tilespmem:s1+$0x1A020] =	vst v2  }
0x1f2: {  	v1 =	vld.idx.msk [tilespmem:v1+s4+$0x0], $0xffff;
	[tilespmem:s9+$0x19F00] =	vst v3  }
0x1f3: {  	s19 =	sor.u32 $0x300, s0;
	v2 =	vld.idx.msk [tilespmem:v5+s4+$0x0], $0xffff  }
0x1f4: {  	v3 =	vld [tilespmem:s19+$0x18F00]  }
0x1f5: {  	s9 =	simm.s32 $0x1;
	v5 =	vld [tilespmem:s1+$0x19090];
	[tilespmem:s3+$0x19F00] =	vst v10;
	s3 =	sor.u32 $0x300, s11  }
0x1f6: {  	s9 =	simm.s32 @!p1 $0x0;
	[tilespmem:s1+$0x19F90] =	vst v6;
	v6 =	vld.idx.msk [tilespmem:v8+s4+$0x0], $0xffff  }
0x1f7: {  	s9 =	sshll.u32 s9, $0x6;
	v8 =	vld [tilespmem:s3+$0x18F00]  }
0x1f8: {  	s11 =	sadd.s32 s9, s10;
	v7 =	vld.idx.msk [tilespmem:v7+s4+$0x0], $0xffff;
	[tilespmem:s1+$0x1A0A0] =	vst v1  }
0x1f9: {  	s23 =	sadd.s32 $0x20, s11;
	v1 =	vld.idx.msk [tilespmem:v11+s4+$0x0], $0xffff;
	[tilespmem:s1+$0x1A030] =	vst v2  }
0x1fa: {  	s15 =	sor.u32 $0x200, s23;
	v2 =	vld.idx.msk [tilespmem:v9+s4+$0x0], $0xffff  }
0x1fb: {  	v9 =	vld [tilespmem:s15+$0x18F00]  }
0x1fc: {  	s24 =	sor.u32 $0x380, s5;
	[tilespmem:s14+$0x19F00] =	vst v6;
	v10 =	vld.idx.msk [tilespmem:v3+s4+$0x0], $0xffff  }
0x1fd: {  	v11 =	vld [tilespmem:s24+$0x18F00]  }
0x1fe: {  	[tilespmem:s1+$0x1A010] =	vst v7;
	v4 =	vld.idx.msk [tilespmem:v4+s4+$0x0], $0xffff  }
0x1ff: {  	s17 =	sor.u32 $0x180, s13;
	[tilespmem:s1+$0x1A000] =	vst v1;
	v8 =	vld.idx.msk [tilespmem:v8+s4+$0x0], $0xffff  }
0x200: {  	s5 =	sadd.s32 $0x30, s11;
	v6 =	vld [tilespmem:s17+$0x18F00];
	[tilespmem:s1+$0x1A0B0] =	vst v2  }
0x201: {  	s9 =	sor.u32 $0x200, s5;
	v7 =	vld.idx.msk [tilespmem:v5+s4+$0x0], $0xffff  }
.Ltmp15:
0x202: {  	v3 =	vld [tilespmem:s9+$0x18F00];
	[tilespmem:s19+$0x19F00] =	vst v10;
	(pc) =	sbr.rel @p2 .LBB2_29-.Ltmp15, $4  }
0x203: {  	s14 =	sor.u32 $0x380, s0;
	s0 =	smov.u32 s5;
	v5 =	vld.idx.msk [tilespmem:v9+s4+$0x0], $0xffff  }
0x204: {  	[tilespmem:s7+$0x19F00] =	vst v4;
	v1 =	vld [tilespmem:s14+$0x18F00]  }
0x205: {  	s19 =	sor.u32 $0x380, s6;
	s7 =	sor.u32 $0x380, s12;
	s12 =	sadd.s32 $0x240, s12;
	[tilespmem:s3+$0x19F00] =	vst v8;
	v2 =	vld.idx.msk [tilespmem:v11+s4+$0x0], $0xffff  }
0x206: {  	s8 =	sadd.s32 $0x40, s8;
	s10 =	sadd.s32 $0x200, s10;
	s5 =	sadd.s32 $0x10, s11;
	v4 =	vld [tilespmem:s7+$0x18F00]  }
0x207: {  	_ =	sdelay $0x3  }
0x208: {  	v6 =	vld.idx.msk [tilespmem:v6+s4+$0x0], $0xffff;
	_ =	sdelay $0x3  }
0x209: {  	s3 =	sor.u32 $0x200, s5;
	[tilespmem:s1+$0x1A090] =	vst v7  }
0x20a: {  	v7 =	vld [tilespmem:s3+$0x18F00];
	[tilespmem:s17+$0x19F00] =	vst v6;
	s17 =	sor.u32 $0x200, s11  }
0x20b: {  	v6 =	vld [tilespmem:s17+$0x18F00];
	_ =	sdelay $0x4  }
0x20c: {  	v3 =	vld.idx.msk [tilespmem:v3+s4+$0x0], $0xffff;
	_ =	sdelay $0x1  }
0x20d: {  	v7 =	vld.idx.msk [tilespmem:v7+s4+$0x0], $0xffff  }
0x20e: {  	v6 =	vld.idx.msk [tilespmem:v6+s4+$0x0], $0xffff;
	_ =	sdelay $0x1  }
0x20f: {  	s6 =	sor.u32 $0x280, s0;
	[tilespmem:s9+$0x19F00] =	vst v3  }
0x210: {  	s8 =	sor.u32 $0x280, s23;
	[tilespmem:s15+$0x19F00] =	vst v5;
	v3 =	vld [tilespmem:s6+$0x18F00]  }
0x211: {  	s22 =	sor.u32 $0x280, s5;
	v63 =	vld [tilespmem:s8+$0x18F00];
	[tilespmem:s3+$0x19F00] =	vst v7  }
0x212: {  	s31 =	sor.u32 $0x280, s12;
	v7 =	vld [tilespmem:s22+$0x18F00];
	[tilespmem:s17+$0x19F00] =	vst v6  }
0x213: {  	v62 =	vld [tilespmem:s31+$0x18F00];
	_ =	sdelay $0x4  }
0x214: {  	v3 =	vld.idx.msk [tilespmem:v3+s4+$0x0], $0xffff  }
0x215: {  	v6 =	vld.idx.msk [tilespmem:v63+s4+$0x0], $0xffff  }
0x216: {  	v7 =	vld.idx.msk [tilespmem:v7+s4+$0x0], $0xffff  }
0x217: {  	v5 =	vld.idx.msk [tilespmem:v62+s4+$0x0], $0xffff;
	_ =	sdelay $0x1  }
0x218: {  	s10 =	sor.u32 $0x300, s0;
	[tilespmem:s6+$0x19F00] =	vst v3  }
0x219: {  	s13 =	sor.u32 $0x300, s23;
	v3 =	vld [tilespmem:s10+$0x18F00];
	[tilespmem:s8+$0x19F00] =	vst v6  }
0x21a: {  	s9 =	sor.u32 $0x300, s5;
	v6 =	vld [tilespmem:s13+$0x18F00];
	[tilespmem:s22+$0x19F00] =	vst v7  }
0x21b: {  	s11 =	sor.u32 $0x300, s11;
	v7 =	vld [tilespmem:s9+$0x18F00];
	[tilespmem:s31+$0x19F00] =	vst v5  }
0x21c: {  	v5 =	vld [tilespmem:s11+$0x18F00];
	_ =	sdelay $0x4  }
0x21d: {  	v3 =	vld.idx.msk [tilespmem:v3+s4+$0x0], $0xffff  }
0x21e: {  	v6 =	vld.idx.msk [tilespmem:v6+s4+$0x0], $0xffff  }
0x21f: {  	v7 =	vld.idx.msk [tilespmem:v7+s4+$0x0], $0xffff  }
0x220: {  	v5 =	vld.idx.msk [tilespmem:v5+s4+$0x0], $0xffff;
	_ =	sdelay $0x1  }
0x221: {  	v8 =	vld [tilespmem:s19+$0x18F00];
	s17 =	sor.u32 $0x380, s0;
	[tilespmem:s10+$0x19F00] =	vst v3  }
0x222: {  	s23 =	sor.u32 $0x380, s23;
	v3 =	vld [tilespmem:s17+$0x18F00];
	[tilespmem:s13+$0x19F00] =	vst v6  }
0x223: {  	s15 =	sor.u32 $0x380, s5;
	v6 =	vld [tilespmem:s23+$0x18F00];
	[tilespmem:s9+$0x19F00] =	vst v7  }
0x224: {  	s22 =	sor.u32 $0x380, s12;
	v7 =	vld [tilespmem:s15+$0x18F00];
	[tilespmem:s11+$0x19F00] =	vst v5  }
0x225: {  	v5 =	vld [tilespmem:s22+$0x18F00];
	_ =	sdelay $0x1  }
0x226: {  	v1 =	vld.idx.msk [tilespmem:v1+s4+$0x0], $0xffff  }
0x227: {  	v4 =	vld.idx.msk [tilespmem:v4+s4+$0x0], $0xffff  }
0x228: {  	v8 =	vld.idx.msk [tilespmem:v8+s4+$0x0], $0xffff  }
0x229: {  	[tilespmem:s24+$0x19F00] =	vst v2;
	v2 =	vld.idx.msk [tilespmem:v3+s4+$0x0], $0xffff  }
0x22a: {  	v3 =	vld.idx.msk [tilespmem:v6+s4+$0x0], $0xffff  }
0x22b: {  	[tilespmem:s14+$0x19F00] =	vst v1;
	v7 =	vld.idx.msk [tilespmem:v7+s4+$0x0], $0xffff  }
0x22c: {  	[tilespmem:s7+$0x19F00] =	vst v4;
	v1 =	vld.idx.msk [tilespmem:v5+s4+$0x0], $0xffff  }
0x22d: {  	p1 =	seq.s32 s26, $0x31;
	s24 =	sand.u32 $0x1000, s29;
	[tilespmem:s19+$0x19F00] =	vst v8  }
.Ltmp16:
0x22e: {  	s29 =	sor.u32 s30, s24;
	[tilespmem:s17+$0x19F00] =	vst v2;
	(pc) =	sbr.rel @p1 .LBB2_32-.Ltmp16, $4  }
0x22f: {  	s30 =	sshrl.u32 s29, $0x3;
	[tilespmem:s23+$0x19F00] =	vst v3  }
0x230: {  	s0 =	sadd.s32 s30, s2;
	[tilespmem:s15+$0x19F00] =	vst v7  }
0x231: {  	s0 =	sadd.s32 $0x100, s0;
	s31 =	simm.s32 $0x19F00;
	[tilespmem:s22+$0x19F00] =	vst v1  }
0x232: {  	[hbm4b:s0+s4] =	stream.linear.scatter [tilespmem:s31], [sflag:$0x4], $0x800, $0x38;
	[tilespmem:$0x1F900] =	vst v63  }
0x233: {  	s0 =	sshll.u32 s28, $0xB  }
.Ltmp17:
0x234: {  	s0 =	sadd.s32 $0x1800, s0;
	(pc) =	sbr.rel .LBB2_18-.Ltmp17, $4  }
0x235: {  	s3 =	rddreg [dreg:$0x3];
	s1 =	sand.u32 $0x7E000, s0  }
0x236: {  	s0 =	sand.u32 $0x1800, s0;
	s1 =	sadd.s32 s1, s3  }
0x237: {  	s31 =	simm.s32 $0x18F00;
	s26 =	sadd.s32 $0x1, s26;
	s0 =	sadd.s32 s0, s1  }
0x238: {  	[tilespmem:s31], [sflag:$0x2] =	stream.linear.gather [spmem:s0], $0x800, $0x38;
	[tilespmem:$0x1F900] =	vst v63  }
.LBB2_22:
0x239: {  	p2 =	sne.s32 s1, $0x0  }
.Ltmp18:
0x23a: {  	_ = 	snop;
	(pc) =	sbr.rel @p2 .LBB2_24-.Ltmp18, $4  }
.Ltmp19:
0x23b: {  	_ = 	snop;
	(pc) =	sbr.rel @!p2 .LBB2_23-.Ltmp19, $4  }
0x23c: {  	_ = 	snop  }
0x23d: {  	_ = 	snop  }
0x23e: {  	_ = 	snop  }
0x23f: {  	_ = 	snop  }
.LBB2_32:
0x240: {  	s25 =	simm.s32 $0x0;
	s0 =	rddreg [dreg:$0x8]  }
0x241: {  	s1 =	simm.s32 $0x80;
	s3 =	simm.s32 $0x400;
	s26 =	simm.s32 $0x3  }
0x242: {  	[tilespmem:s25], [sflag:$0x6] =	stream.strided.gather [hbm4b:s0+s1], $0x18700, s3, s1, $0x38;
	[tilespmem:$0x1F900] =	vst v63  }
0x243: {  	_ =	swait.ge [sflag:s26], $0x800  }
0x244: {  	[sflag:s26] =	ssyncset.done $0x0  }
0x245: {  	[sflag:s26] =	ssyncadd.s32 $0xFFFFF800  }
0x246: {  	_ =	swait.ge [sflag:s21], $0x800  }
0x247: {  	[sflag:s21] =	ssyncset.done $0x0  }
0x248: {  	[sflag:s21] =	ssyncadd.s32 $0xFFFFF800  }
0x249: {  	_ =	swait.ge [sflag:s18], $0x2000  }
0x24a: {  	[sflag:s18] =	ssyncset.done $0x0  }
0x24b: {  	s28 =	simm.s32 $0x6;
	[sflag:s18] =	ssyncadd.s32 $0xFFFFE000  }
0x24c: {  	_ =	swait.ge [sflag:s28], $0x18700  }
0x24d: {  	[sflag:s28] =	ssyncset.done $0x0  }
0x24e: {  	[sflag:s28] =	ssyncadd.s32 $0xFFFE7900  }
0x24f: {  	s29 =	simm.s32 $0x18700;
	s0 =	rddreg [dreg:$0x3]  }
0x250: {  	[tilespmem:s29], [sflag:$0x1] =	stream.linear.gather [spmem:s0], $0x800, $0x38;
	[tilespmem:$0x1F900] =	vst v63  }
0x251: {  	s31 =	simm.s32 $0x18F00;
	s26 =	simm.s32 $0x0;
	s30 =	rddreg [dreg:$0x6]  }
0x252: {  	[tilespmem:s31], [sflag:$0x2] =	stream.linear.gather [spmem:s30], $0x800, $0x38;
	[tilespmem:$0x1F900] =	vst v63  }
.LBB2_33:
0x253: {  	_ =	swait.ge [sflag:s16], $0x800  }
0x254: {  	p1 =	seq.s32 s26, $0x0;
	[sflag:s16] =	ssyncset.done $0x0  }
0x255: {  	s0 =	simm.s32 @!p1 $0x3;
	[sflag:s16] =	ssyncadd.s32 $0xFFFFF800  }
0x256: {  	s1 =	simm.s32 $0x0;
	_ =	swait.ge @!p1 [sflag:s0], $0x800  }
0x257: {  	s3 =	sand.u32 $0x400, s25;
	s1 =	sand.u32 $0x40, s1;
	[sflag:s0] =	ssyncset.done @!p1 $0x0  }
0x258: {  	s7 =	sor.u32 s1, s3;
	[sflag:s0] =	ssyncadd.s32 @!p1 $0xFFFFF800  }
0x259: {  	v1 =	vld [tilespmem:s7+$0x18700]  }
0x25a: {  	v2 =	vld [tilespmem:s7+$0x18720];
	_ =	sdelay $0x4  }
0x25b: {  	v3 =	vld [tilespmem:s7+$0x18730]  }
0x25c: {  	v4 =	vld [tilespmem:s7+$0x187A0]  }
0x25d: {  	v1 =	vld.idx.msk [tilespmem:v1+s4+$0x0], $0xffff  }
0x25e: {  	v2 =	vld.idx.msk [tilespmem:v2+s4+$0x0], $0xffff;
	_ =	sdelay $0x1  }
0x25f: {  	v6 =	vld [tilespmem:s7+$0x18710]  }
0x260: {  	s19 =	sand.u32 $0xFFFFFC00, s25;
	v7 =	vld [tilespmem:s7+$0x187B0]  }
0x261: {  	s22 =	sadd.s32 $0x0, s19;
	v8 =	vld [tilespmem:s7+$0x18820];
	[tilespmem:s7+$0x19700] =	vst v1  }
0x262: {  	s0 =	sor.u32 $0x80, s22;
	[tilespmem:s7+$0x19720] =	vst v2;
	v2 =	vld.idx.msk [tilespmem:v3+s4+$0x0], $0xffff  }
0x263: {  	v1 =	vld [tilespmem:s0+$0x18700]  }
0x264: {  	v3 =	vld.idx.msk [tilespmem:v4+s4+$0x0], $0xffff;
	_ =	sdelay $0x1  }
0x265: {  	v5 =	vld [tilespmem:s7+$0x18830]  }
0x266: {  	v4 =	vld [tilespmem:s7+$0x18790]  }
0x267: {  	v6 =	vld.idx.msk [tilespmem:v6+s4+$0x0], $0xffff;
	[tilespmem:s7+$0x19730] =	vst v2  }
0x268: {  	[tilespmem:s7+$0x197A0] =	vst v3;
	v2 =	vld.idx.msk [tilespmem:v7+s4+$0x0], $0xffff  }
0x269: {  	v3 =	vld.idx.msk [tilespmem:v8+s4+$0x0], $0xffff  }
0x26a: {  	v1 =	vld.idx.msk [tilespmem:v1+s4+$0x0], $0xffff  }
0x26b: {  	v9 =	vld [tilespmem:s7+$0x188A0]  }
0x26c: {  	[tilespmem:s7+$0x19710] =	vst v6;
	v7 =	vld [tilespmem:s7+$0x18810]  }
0x26d: {  	v6 =	vld [tilespmem:s7+$0x188B0];
	[tilespmem:s7+$0x197B0] =	vst v2  }
0x26e: {  	s10 =	simm.s32 $0x200;
	s29 =	simm.s32 $0x40;
	v4 =	vld.idx.msk [tilespmem:v4+s4+$0x0], $0xffff;
	[tilespmem:s7+$0x19820] =	vst v3  }
0x26f: {  	s24 =	sand.u32 $0x40, s29;
	s12 =	sand.u32 $0x400, s10;
	v3 =	vld.idx.msk [tilespmem:v5+s4+$0x0], $0xffff;
	[tilespmem:s0+$0x19700] =	vst v1  }
0x270: {  	s30 =	sor.u32 s24, s12;
	v1 =	vld [tilespmem:s7+$0x18800]  }
0x271: {  	v11 =	vld [tilespmem:s30+$0x18710]  }
0x272: {  	v12 =	vld [tilespmem:s30+$0x187B0]  }
0x273: {  	v5 =	vld [tilespmem:s7+$0x18890];
	[tilespmem:s7+$0x19790] =	vst v4  }
0x274: {  	v4 =	vld.idx.msk [tilespmem:v7+s4+$0x0], $0xffff  }
0x275: {  	v7 =	vld [tilespmem:s30+$0x18700];
	[tilespmem:s7+$0x19830] =	vst v3  }
0x276: {  	v3 =	vld.idx.msk [tilespmem:v6+s4+$0x0], $0xffff  }
0x277: {  	v6 =	vld [tilespmem:s30+$0x18720]  }
0x278: {  	v1 =	vld.idx.msk [tilespmem:v1+s4+$0x0], $0xffff  }
0x279: {  	v14 =	vld [tilespmem:s30+$0x18790]  }
0x27a: {  	p2 =	por $0x0, $0x0;
	v2 =	vld.idx.msk [tilespmem:v9+s4+$0x0], $0xffff;
	s0 =	simm.s32 $0x1  }
0x27b: {  	v8 =	vld [tilespmem:s30+$0x187A0];
	s0 =	simm.s32 @!p2 $0x0;
	[tilespmem:s7+$0x19810] =	vst v4  }
0x27c: {  	s0 =	sshll.u32 s0, $0x6;
	v4 =	vld.idx.msk [tilespmem:v5+s4+$0x0], $0xffff  }
0x27d: {  	s8 =	sor.u32 $0x180, s22;
	s0 =	sadd.s32 $0x0, s0;
	v7 =	vld.idx.msk [tilespmem:v7+s4+$0x0], $0xffff;
	[tilespmem:s7+$0x19800] =	vst v1  }
0x27e: {  	s5 =	sadd.s32 $0x20, s0;
	v1 =	vld [tilespmem:s8+$0x18700]  }
0x27f: {  	[tilespmem:s7+$0x198A0] =	vst v2;
	s1 =	sadd.s32 $0x30, s0;
	s23 =	sor.u32 $0x200, s5;
	v6 =	vld.idx.msk [tilespmem:v6+s4+$0x0], $0xffff  }
0x280: {  	s17 =	sand.u32 $0xFFFFFC00, s10;
	s6 =	sadd.s32 $0x10, s0;
	s9 =	sor.u32 $0x200, s1;
	v2 =	vld [tilespmem:s23+$0x18700];
	[tilespmem:s7+$0x198B0] =	vst v3  }
0x281: {  	s11 =	sor.u32 $0x200, s6;
	v3 =	vld [tilespmem:s9+$0x18700];
	[tilespmem:s7+$0x19890] =	vst v4;
	s7 =	sadd.s32 $0x40, s17  }
0x282: {  	v4 =	vld [tilespmem:s11+$0x18700];
	[tilespmem:s30+$0x19700] =	vst v7;
	s19 =	sor.u32 $0x80, s7  }
0x283: {  	v57 =	vld [tilespmem:s19+$0x18700]  }
0x284: {  	v11 =	vld.idx.msk [tilespmem:v11+s4+$0x0], $0xffff;
	[tilespmem:s30+$0x19720] =	vst v6  }
0x285: {  	v6 =	vld.idx.msk [tilespmem:v8+s4+$0x0], $0xffff  }
0x286: {  	v1 =	vld.idx.msk [tilespmem:v1+s4+$0x0], $0xffff  }
0x287: {  	v5 =	vld [tilespmem:s30+$0x18830]  }
0x288: {  	v2 =	vld.idx.msk [tilespmem:v2+s4+$0x0], $0xffff  }
0x289: {  	v3 =	vld.idx.msk [tilespmem:v3+s4+$0x0], $0xffff  }
0x28a: {  	v4 =	vld.idx.msk [tilespmem:v4+s4+$0x0], $0xffff;
	[tilespmem:s30+$0x197A0] =	vst v6  }
0x28b: {  	s12 =	sor.u32 $0x200, s0;
	v6 =	vld.idx.msk [tilespmem:v57+s4+$0x0], $0xffff;
	[tilespmem:s8+$0x19700] =	vst v1  }
0x28c: {  	v56 =	vld [tilespmem:s12+$0x18700]  }
0x28d: {  	v1 =	vld [tilespmem:s30+$0x18730]  }
0x28e: {  	s13 =	sor.u32 $0x280, s5;
	v7 =	vld [tilespmem:s30+$0x188A0];
	[tilespmem:s23+$0x19700] =	vst v2  }
0x28f: {  	s15 =	sor.u32 $0x280, s1;
	v10 =	vld [tilespmem:s13+$0x18700];
	[tilespmem:s9+$0x19700] =	vst v3  }
0x290: {  	s14 =	sor.u32 $0x280, s6;
	v3 =	vld [tilespmem:s15+$0x18700];
	[tilespmem:s11+$0x19700] =	vst v4  }
0x291: {  	v13 =	vld [tilespmem:s14+$0x18700]  }
0x292: {  	v4 =	vld [tilespmem:s30+$0x18820];
	[tilespmem:s19+$0x19700] =	vst v6  }
0x293: {  	v61 =	vld [tilespmem:s30+$0x18800]  }
0x294: {  	v8 =	vld.idx.msk [tilespmem:v56+s4+$0x0], $0xffff  }
0x295: {  	v1 =	vld.idx.msk [tilespmem:v1+s4+$0x0], $0xffff  }
0x296: {  	v2 =	vld [tilespmem:s30+$0x18810]  }
0x297: {  	v10 =	vld.idx.msk [tilespmem:v10+s4+$0x0], $0xffff  }
0x298: {  	v3 =	vld.idx.msk [tilespmem:v3+s4+$0x0], $0xffff  }
0x299: {  	s22 =	sor.u32 $0x280, s25;
	[tilespmem:s12+$0x19700] =	vst v8;
	v8 =	vld.idx.msk [tilespmem:v13+s4+$0x0], $0xffff  }
0x29a: {  	[tilespmem:s30+$0x19730] =	vst v1;
	v58 =	vld [tilespmem:s22+$0x18700]  }
0x29b: {  	v12 =	vld.idx.msk [tilespmem:v12+s4+$0x0], $0xffff  }
0x29c: {  	v4 =	vld.idx.msk [tilespmem:v4+s4+$0x0], $0xffff  }
0x29d: {  	v62 =	vld.idx.msk [tilespmem:v61+s4+$0x0], $0xffff  }
0x29e: {  	s23 =	sor.u32 $0x300, s6;
	v1 =	vld [tilespmem:s30+$0x188B0];
	[tilespmem:s14+$0x19700] =	vst v8  }
0x29f: {  	[tilespmem:s30+$0x19710] =	vst v11;
	v59 =	vld [tilespmem:s23+$0x18700]  }
0x2a0: {  	v8 =	vld.idx.msk [tilespmem:v14+s4+$0x0], $0xffff;
	[tilespmem:s30+$0x197B0] =	vst v12  }
0x2a1: {  	[tilespmem:s15+$0x19700] =	vst v3;
	v3 =	vld.idx.msk [tilespmem:v5+s4+$0x0], $0xffff  }
0x2a2: {  	s17 =	sor.u32 $0x300, s1;
	v60 =	vld.idx.msk [tilespmem:v58+s4+$0x0], $0xffff  }
0x2a3: {  	[tilespmem:s30+$0x19820] =	vst v4;
	v5 =	vld [tilespmem:s17+$0x18700]  }
0x2a4: {  	v4 =	vld.idx.msk [tilespmem:v7+s4+$0x0], $0xffff  }
0x2a5: {  	[tilespmem:s13+$0x19700] =	vst v10;
	v7 =	vld [tilespmem:s30+$0x18890];
	s12 =	sor.u32 $0x300, s5  }
0x2a6: {  	p2 =	por !p2, !p2;
	s9 =	simm.s32 $0x1;
	v6 =	vld [tilespmem:s12+$0x18700]  }
0x2a7: {  	s9 =	simm.s32 @!p2 $0x0;
	[tilespmem:s22+$0x19700] =	vst v60;
	s22 =	sor.u32 $0x300, s0;
	v9 =	vld.idx.msk [tilespmem:v59+s4+$0x0], $0xffff  }
0x2a8: {  	s24 =	sshll.u32 s9, $0x6;
	[tilespmem:s30+$0x19790] =	vst v8;
	v8 =	vld [tilespmem:s22+$0x18700]  }
0x2a9: {  	v2 =	vld.idx.msk [tilespmem:v2+s4+$0x0], $0xffff;
	[tilespmem:s30+$0x19830] =	vst v3;
	s0 =	sadd.s32 $0x200, s24  }
0x2aa: {  	v1 =	vld.idx.msk [tilespmem:v1+s4+$0x0], $0xffff;
	s13 =	sadd.s32 $0x20, s0  }
0x2ab: {  	[tilespmem:s30+$0x198A0] =	vst v4;
	v5 =	vld.idx.msk [tilespmem:v5+s4+$0x0], $0xffff;
	s9 =	sor.u32 $0x200, s13  }
0x2ac: {  	v4 =	vld [tilespmem:s9+$0x18700];
	[tilespmem:s23+$0x19700] =	vst v9;
	s23 =	sor.u32 $0x380, s6  }
0x2ad: {  	v9 =	vld [tilespmem:s23+$0x18700]  }
0x2ae: {  	s15 =	sor.u32 $0x180, s7;
	[tilespmem:s30+$0x19800] =	vst v62;
	v63 =	vld.idx.msk [tilespmem:v6+s4+$0x0], $0xffff  }
0x2af: {  	v6 =	vld [tilespmem:s15+$0x18700]  }
0x2b0: {  	s31 =	sadd.s32 $0x30, s0;
	[tilespmem:s30+$0x19810] =	vst v2;
	v8 =	vld.idx.msk [tilespmem:v8+s4+$0x0], $0xffff  }
0x2b1: {  	s19 =	sor.u32 $0x200, s31;
	[tilespmem:s30+$0x198B0] =	vst v1;
	v7 =	vld.idx.msk [tilespmem:v7+s4+$0x0], $0xffff  }
0x2b2: {  	s24 =	sor.u32 $0x380, s1;
	v3 =	vld [tilespmem:s19+$0x18700];
	[tilespmem:s17+$0x19700] =	vst v5  }
0x2b3: {  	v1 =	vld [tilespmem:s24+$0x18700]  }
0x2b4: {  	s28 =	sshll.u32 s26, $0x1;
	s10 =	simm.s32 $0x400;
	v5 =	vld.idx.msk [tilespmem:v4+s4+$0x0], $0xffff  }
0x2b5: {  	s11 =	simm.s32 $0x240;
	s8 =	simm.s32 $0x80;
	s7 =	sor.u32 $0x380, s25;
	[tilespmem:s22+$0x19700] =	vst v8;
	v2 =	vld.idx.msk [tilespmem:v9+s4+$0x0], $0xffff  }
0x2b6: {  	s14 =	sor.u32 $0x380, s5;
	s1 =	sand.u32 $0x2, s28;
	[tilespmem:s12+$0x19700] =	vst v63;
	s5 =	sadd.s32 $0x10, s0;
	v4 =	vld [tilespmem:s7+$0x18700]  }
.LBB2_34:
0x2b7: {  	s29 =	sadd.s32 $0x40, s29;
	s3 =	sand.u32 $0xFFFFFC00, s10;
	s17 =	sor.u32 $0x200, s5;
	v8 =	vld [tilespmem:s14+$0x18700]  }
0x2b8: {  	s6 =	sand.u32 $0x400, s10;
	s12 =	sadd.s32 s3, s8;
	s3 =	sand.u32 $0x40, s29;
	v6 =	vld.idx.msk [tilespmem:v6+s4+$0x0], $0xffff;
	[tilespmem:s30+$0x19890] =	vst v7  }
0x2b9: {  	p3 =	slt.u32 s29, $0xC0;
	s30 =	sor.u32 s3, s6;
	v7 =	vld [tilespmem:s17+$0x18700];
	[tilespmem:s9+$0x19700] =	vst v5;
	s6 =	smov.u32 s13  }
0x2ba: {  	v5 =	vld [tilespmem:s30+$0x18830]  }
0x2bb: {  	v9 =	vld [tilespmem:s30+$0x18720];
	[tilespmem:s23+$0x19700] =	vst v2  }
0x2bc: {  	v1 =	vld.idx.msk [tilespmem:v1+s4+$0x0], $0xffff  }
0x2bd: {  	v2 =	vld [tilespmem:s30+$0x18700]  }
0x2be: {  	[tilespmem:s15+$0x19700] =	vst v6;
	v4 =	vld.idx.msk [tilespmem:v4+s4+$0x0], $0xffff  }
0x2bf: {  	v6 =	vld.idx.msk [tilespmem:v8+s4+$0x0], $0xffff  }
0x2c0: {  	v8 =	vld [tilespmem:s30+$0x187A0]  }
0x2c1: {  	s3 =	sor.u32 $0x200, s0;
	v10 =	vld [tilespmem:s30+$0x18730]  }
0x2c2: {  	v11 =	vld [tilespmem:s3+$0x18700];
	[tilespmem:s24+$0x19700] =	vst v1  }
0x2c3: {  	v1 =	vld.idx.msk [tilespmem:v7+s4+$0x0], $0xffff  }
0x2c4: {  	s9 =	sor.u32 $0x280, s6;
	v7 =	vld [tilespmem:s30+$0x18810];
	[tilespmem:s7+$0x19700] =	vst v4  }
0x2c5: {  	v4 =	vld [tilespmem:s9+$0x18700];
	[tilespmem:s14+$0x19700] =	vst v6  }
0x2c6: {  	v3 =	vld.idx.msk [tilespmem:v3+s4+$0x0], $0xffff  }
0x2c7: {  	v6 =	vld [tilespmem:s30+$0x18710]  }
0x2c8: {  	v9 =	vld.idx.msk [tilespmem:v9+s4+$0x0], $0xffff  }
0x2c9: {  	v12 =	vld [tilespmem:s30+$0x187B0];
	[tilespmem:s17+$0x19700] =	vst v1  }
0x2ca: {  	v1 =	vld.idx.msk [tilespmem:v2+s4+$0x0], $0xffff  }
0x2cb: {  	s7 =	sor.u32 $0x280, s5;
	v2 =	vld [tilespmem:s30+$0x18820]  }
0x2cc: {  	s13 =	sor.u32 $0x280, s31;
	v13 =	vld [tilespmem:s7+$0x18700];
	[tilespmem:s19+$0x19700] =	vst v3  }
0x2cd: {  	v3 =	vld [tilespmem:s13+$0x18700]  }
0x2ce: {  	[tilespmem:s30+$0x19720] =	vst v9;
	v9 =	vld.idx.msk [tilespmem:v10+s4+$0x0], $0xffff  }
0x2cf: {  	v8 =	vld.idx.msk [tilespmem:v8+s4+$0x0], $0xffff  }
0x2d0: {  	v10 =	vld.idx.msk [tilespmem:v11+s4+$0x0], $0xffff  }
0x2d1: {  	s14 =	sor.u32 $0x80, s12;
	[tilespmem:s30+$0x19700] =	vst v1;
	v1 =	vld [tilespmem:s30+$0x188A0]  }
0x2d2: {  	v11 =	vld [tilespmem:s14+$0x18700]  }
0x2d3: {  	v4 =	vld.idx.msk [tilespmem:v4+s4+$0x0], $0xffff  }
0x2d4: {  	v14 =	vld [tilespmem:s30+$0x18790]  }
0x2d5: {  	v6 =	vld.idx.msk [tilespmem:v6+s4+$0x0], $0xffff;
	[tilespmem:s30+$0x197A0] =	vst v8  }
0x2d6: {  	[tilespmem:s3+$0x19700] =	vst v10;
	s3 =	sor.u32 $0x280, s11;
	v8 =	vld.idx.msk [tilespmem:v13+s4+$0x0], $0xffff  }
0x2d7: {  	v10 =	vld [tilespmem:s3+$0x18700]  }
0x2d8: {  	[tilespmem:s30+$0x19730] =	vst v9;
	v9 =	vld [tilespmem:s30+$0x188B0]  }
0x2d9: {  	v12 =	vld.idx.msk [tilespmem:v12+s4+$0x0], $0xffff;
	[tilespmem:s9+$0x19700] =	vst v4  }
0x2da: {  	p2 =	por !p2, !p2;
	v4 =	vld.idx.msk [tilespmem:v11+s4+$0x0], $0xffff  }
0x2db: {  	[tilespmem:s30+$0x19710] =	vst v6;
	v2 =	vld.idx.msk [tilespmem:v2+s4+$0x0], $0xffff  }
0x2dc: {  	[tilespmem:s7+$0x19700] =	vst v8;
	v3 =	vld.idx.msk [tilespmem:v3+s4+$0x0], $0xffff  }
0x2dd: {  	s15 =	sor.u32 $0x300, s5;
	v6 =	vld.idx.msk [tilespmem:v14+s4+$0x0], $0xffff  }
0x2de: {  	v8 =	vld [tilespmem:s15+$0x18700]  }
0x2df: {  	s7 =	sor.u32 $0x300, s6;
	[tilespmem:s30+$0x197B0] =	vst v12;
	v10 =	vld.idx.msk [tilespmem:v10+s4+$0x0], $0xffff  }
0x2e0: {  	[tilespmem:s14+$0x19700] =	vst v4;
	v4 =	vld [tilespmem:s7+$0x18700]  }
0x2e1: {  	v11 =	vld [tilespmem:s30+$0x18800];
	[tilespmem:s30+$0x19820] =	vst v2  }
0x2e2: {  	v1 =	vld.idx.msk [tilespmem:v1+s4+$0x0], $0xffff;
	[tilespmem:s13+$0x19700] =	vst v3  }
0x2e3: {  	s14 =	sor.u32 $0x300, s31;
	v2 =	vld.idx.msk [tilespmem:v5+s4+$0x0], $0xffff  }
0x2e4: {  	v3 =	vld [tilespmem:s14+$0x18700]  }
0x2e5: {  	v5 =	vld [tilespmem:s30+$0x18890];
	[tilespmem:s3+$0x19700] =	vst v10;
	s3 =	sor.u32 $0x300, s0;
	s0 =	simm.s32 $0x1  }
0x2e6: {  	s0 =	simm.s32 @!p2 $0x0;
	[tilespmem:s30+$0x19790] =	vst v6;
	v6 =	vld.idx.msk [tilespmem:v8+s4+$0x0], $0xffff  }
0x2e7: {  	s0 =	sshll.u32 s0, $0x6;
	v8 =	vld [tilespmem:s3+$0x18700]  }
0x2e8: {  	s0 =	sadd.s32 s0, s10;
	v7 =	vld.idx.msk [tilespmem:v7+s4+$0x0], $0xffff;
	[tilespmem:s30+$0x198A0] =	vst v1  }
0x2e9: {  	v1 =	vld.idx.msk [tilespmem:v11+s4+$0x0], $0xffff;
	s13 =	sadd.s32 $0x20, s0;
	[tilespmem:s30+$0x19830] =	vst v2  }
0x2ea: {  	s9 =	sor.u32 $0x200, s13;
	v2 =	vld.idx.msk [tilespmem:v9+s4+$0x0], $0xffff  }
0x2eb: {  	v9 =	vld [tilespmem:s9+$0x18700]  }
0x2ec: {  	s23 =	sor.u32 $0x380, s5;
	[tilespmem:s15+$0x19700] =	vst v6;
	v10 =	vld.idx.msk [tilespmem:v3+s4+$0x0], $0xffff  }
0x2ed: {  	v11 =	vld [tilespmem:s23+$0x18700]  }
0x2ee: {  	[tilespmem:s30+$0x19810] =	vst v7;
	v4 =	vld.idx.msk [tilespmem:v4+s4+$0x0], $0xffff  }
0x2ef: {  	s15 =	sor.u32 $0x180, s12;
	[tilespmem:s30+$0x19800] =	vst v1;
	v8 =	vld.idx.msk [tilespmem:v8+s4+$0x0], $0xffff  }
0x2f0: {  	s5 =	sadd.s32 $0x30, s0;
	v6 =	vld [tilespmem:s15+$0x18700];
	[tilespmem:s30+$0x198B0] =	vst v2  }
0x2f1: {  	s19 =	sor.u32 $0x200, s5;
	v7 =	vld.idx.msk [tilespmem:v5+s4+$0x0], $0xffff  }
.Ltmp20:
0x2f2: {  	v3 =	vld [tilespmem:s19+$0x18700];
	[tilespmem:s14+$0x19700] =	vst v10;
	(pc) =	sbr.rel @p3 .LBB2_34-.Ltmp20, $4  }
0x2f3: {  	s24 =	sor.u32 $0x380, s31;
	s31 =	smov.u32 s5;
	v5 =	vld.idx.msk [tilespmem:v9+s4+$0x0], $0xffff  }
0x2f4: {  	[tilespmem:s7+$0x19700] =	vst v4;
	v1 =	vld [tilespmem:s24+$0x18700]  }
0x2f5: {  	s14 =	sor.u32 $0x380, s6;
	s7 =	sor.u32 $0x380, s11;
	s11 =	sadd.s32 $0x240, s11;
	[tilespmem:s3+$0x19700] =	vst v8;
	v2 =	vld.idx.msk [tilespmem:v11+s4+$0x0], $0xffff  }
0x2f6: {  	s8 =	sadd.s32 $0x40, s8;
	s10 =	sadd.s32 $0x200, s10;
	s5 =	sadd.s32 $0x10, s0;
	v4 =	vld [tilespmem:s7+$0x18700]  }
0x2f7: {  	_ =	sdelay $0x3  }
0x2f8: {  	v6 =	vld.idx.msk [tilespmem:v6+s4+$0x0], $0xffff;
	s3 =	sor.u32 $0x200, s5;
	[tilespmem:s30+$0x19890] =	vst v7  }
0x2f9: {  	v7 =	vld [tilespmem:s3+$0x18700];
	_ =	sdelay $0x3  }
0x2fa: {  	s6 =	sor.u32 $0x200, s0;
	[tilespmem:s15+$0x19700] =	vst v6  }
0x2fb: {  	v6 =	vld [tilespmem:s6+$0x18700];
	_ =	sdelay $0x2  }
0x2fc: {  	v7 =	vld.idx.msk [tilespmem:v7+s4+$0x0], $0xffff;
	_ =	sdelay $0x2  }
0x2fd: {  	v3 =	vld.idx.msk [tilespmem:v3+s4+$0x0], $0xffff;
	_ =	sdelay $0x1  }
0x2fe: {  	s12 =	sor.u32 $0x280, s5;
	v6 =	vld.idx.msk [tilespmem:v6+s4+$0x0], $0xffff;
	[tilespmem:s3+$0x19700] =	vst v7  }
0x2ff: {  	v7 =	vld [tilespmem:s12+$0x18700];
	_ =	sdelay $0x1  }
0x300: {  	s8 =	sor.u32 $0x280, s31;
	[tilespmem:s19+$0x19700] =	vst v3  }
0x301: {  	s17 =	sor.u32 $0x280, s13;
	[tilespmem:s9+$0x19700] =	vst v5;
	v3 =	vld [tilespmem:s8+$0x18700]  }
0x302: {  	v63 =	vld [tilespmem:s17+$0x18700];
	s15 =	sor.u32 $0x280, s11;
	[tilespmem:s6+$0x19700] =	vst v6  }
0x303: {  	v62 =	vld [tilespmem:s15+$0x18700];
	_ =	sdelay $0x2  }
0x304: {  	v7 =	vld.idx.msk [tilespmem:v7+s4+$0x0], $0xffff;
	_ =	sdelay $0x2  }
0x305: {  	v3 =	vld.idx.msk [tilespmem:v3+s4+$0x0], $0xffff  }
0x306: {  	v6 =	vld.idx.msk [tilespmem:v63+s4+$0x0], $0xffff  }
0x307: {  	s19 =	sor.u32 $0x300, s5;
	v5 =	vld.idx.msk [tilespmem:v62+s4+$0x0], $0xffff;
	[tilespmem:s12+$0x19700] =	vst v7  }
0x308: {  	v7 =	vld [tilespmem:s19+$0x18700];
	_ =	sdelay $0x1  }
0x309: {  	s22 =	sor.u32 $0x300, s31;
	[tilespmem:s8+$0x19700] =	vst v3  }
0x30a: {  	s10 =	sor.u32 $0x300, s13;
	v3 =	vld [tilespmem:s22+$0x18700];
	[tilespmem:s17+$0x19700] =	vst v6  }
0x30b: {  	s6 =	sor.u32 $0x300, s0;
	v6 =	vld [tilespmem:s10+$0x18700];
	[tilespmem:s15+$0x19700] =	vst v5  }
0x30c: {  	v5 =	vld [tilespmem:s6+$0x18700];
	_ =	sdelay $0x2  }
0x30d: {  	v7 =	vld.idx.msk [tilespmem:v7+s4+$0x0], $0xffff;
	_ =	sdelay $0x1  }
0x30e: {  	v8 =	vld [tilespmem:s14+$0x18700]  }
0x30f: {  	v3 =	vld.idx.msk [tilespmem:v3+s4+$0x0], $0xffff  }
0x310: {  	v6 =	vld.idx.msk [tilespmem:v6+s4+$0x0], $0xffff  }
0x311: {  	s12 =	sor.u32 $0x380, s5;
	v5 =	vld.idx.msk [tilespmem:v5+s4+$0x0], $0xffff;
	[tilespmem:s19+$0x19700] =	vst v7  }
0x312: {  	v7 =	vld [tilespmem:s12+$0x18700];
	_ =	sdelay $0x1  }
0x313: {  	v1 =	vld.idx.msk [tilespmem:v1+s4+$0x0], $0xffff;
	[tilespmem:s22+$0x19700] =	vst v3;
	s15 =	sor.u32 $0x380, s31  }
0x314: {  	v3 =	vld [tilespmem:s15+$0x18700];
	[tilespmem:s10+$0x19700] =	vst v6;
	s19 =	sor.u32 $0x380, s13  }
0x315: {  	s17 =	sor.u32 $0x380, s11;
	v6 =	vld [tilespmem:s19+$0x18700];
	[tilespmem:s6+$0x19700] =	vst v5  }
0x316: {  	v5 =	vld [tilespmem:s17+$0x18700]  }
0x317: {  	v4 =	vld.idx.msk [tilespmem:v4+s4+$0x0], $0xffff  }
0x318: {  	v8 =	vld.idx.msk [tilespmem:v8+s4+$0x0], $0xffff  }
0x319: {  	v7 =	vld.idx.msk [tilespmem:v7+s4+$0x0], $0xffff  }
0x31a: {  	[tilespmem:s23+$0x19700] =	vst v2  }
0x31b: {  	[tilespmem:s24+$0x19700] =	vst v1  }
0x31c: {  	[tilespmem:s7+$0x19700] =	vst v4;
	v2 =	vld.idx.msk [tilespmem:v3+s4+$0x0], $0xffff  }
0x31d: {  	p2 =	slt.u32 s26, $0x2;
	[tilespmem:s14+$0x19700] =	vst v8;
	v3 =	vld.idx.msk [tilespmem:v6+s4+$0x0], $0xffff  }
0x31e: {  	s29 =	sshll.u32 s26, $0xC;
	p3 =	sne.s32 @!p2 s1, $0x0;
	v1 =	vld.idx.msk [tilespmem:v5+s4+$0x0], $0xffff;
	[tilespmem:s12+$0x19700] =	vst v7  }
0x31f: {  	p2 =	por p2, p3;
	s22 =	sand.u32 $0x3E000, s29;
	s3 =	rddreg [dreg:$0x9]  }
.Ltmp21:
0x320: {  	s23 =	sshll.u32 s1, $0xB;
	s30 =	sadd.s32 s3, s22;
	(pc) =	sbr.rel @p2 .LBB2_37-.Ltmp21, $4  }
0x321: {  	[tilespmem:s15+$0x19700] =	vst v2;
	s3 =	sor.u32 s23, s30  }
0x322: {  	[tilespmem:s19+$0x19700] =	vst v3;
	s24 =	sshrl.u32 s3, $0x3  }
0x323: {  	s31 =	simm.s32 $0x19700;
	[tilespmem:s17+$0x19700] =	vst v1;
	s0 =	sadd.s32 s2, s24  }
0x324: {  	[hbm4b:s0+s4] =	stream.linear.scatter [tilespmem:s31], [sflag:$0x3], $0x800, $0x38;
	[tilespmem:$0x1F900] =	vst v63  }
0x325: {  	_ =	swait.ge [sflag:s18], $0x2000  }
0x326: {  	[sflag:s18] =	ssyncset.done $0x0  }
0x327: {  	[sflag:s18] =	ssyncadd.s32 $0xFFFFE000  }
.LBB2_38:
0x328: {  	s0 =	sshrl.u32 s30, $0x3  }
0x329: {  	s0 =	sadd.s32 s2, s0  }
0x32a: {  	s1 =	simm.s32 $0x1A700;
	s0 =	sadd.s32 $0x6400, s0  }
0x32b: {  	[hbm4b:s0+s4] =	stream.linear.scatter [tilespmem:s1], [sflag:$0x5], $0x2000, $0x38;
	[tilespmem:$0x1F900] =	vst v63  }
.LBB2_39:
0x32c: {  	p2 =	sne.s32 s26, $0x31  }
.Ltmp22:
0x32d: {  	_ = 	snop;
	(pc) =	sbr.rel @p2 .LBB2_41-.Ltmp22, $1  }
0x32e: {  	_ =	sdelay $0x3  }
.Ltmp23:
0x32f: {  	(pc) =	sbr.rel .LBB2_42-.Ltmp23, $4  }
0x330: {  	_ = 	snop  }
0x331: {  	_ =	swait.ge [sflag:s20], $0x800  }
0x332: {  	[sflag:s20] =	ssyncset.done $0x0  }
0x333: {  	[sflag:s20] =	ssyncadd.s32 $0xFFFFF800  }
.LBB2_41:
0x334: {  	s0 =	sshll.u32 s28, $0xB  }
0x335: {  	s0 =	sadd.s32 $0x1000, s0  }
0x336: {  	s3 =	rddreg [dreg:$0x3];
	s1 =	sand.u32 $0x7E000, s0  }
0x337: {  	s0 =	sand.u32 $0x1000, s0;
	s1 =	sadd.s32 s1, s3  }
.Ltmp24:
0x338: {  	s31 =	simm.s32 $0x18700;
	s0 =	sadd.s32 s0, s1;
	(pc) =	sbr.rel @p1 .LBB2_43-.Ltmp24, $4  }
0x339: {  	[tilespmem:s31], [sflag:$0x1] =	stream.linear.gather [spmem:s0], $0x800, $0x38;
	[tilespmem:$0x1F900] =	vst v63  }
0x33a: {  	_ =	swait.ge [sflag:s20], $0x800  }
0x33b: {  	[sflag:s20] =	ssyncset.done $0x0  }
0x33c: {  	[sflag:s20] =	ssyncadd.s32 $0xFFFFF800  }
.LBB2_42:
0x33d: {  	_ =	swait.ge [sflag:s21], $0x800  }
0x33e: {  	[sflag:s21] =	ssyncset.done $0x0  }
0x33f: {  	[sflag:s21] =	ssyncadd.s32 $0xFFFFF800  }
.LBB2_43:
0x340: {  	s5 =	simm.s32 $0x0;
	s0 =	simm.s32 $0x0  }
0x341: {  	s0 =	sand.u32 $0x40, s0;
	s1 =	sand.u32 $0x400, s5  }
0x342: {  	s1 =	sor.u32 s0, s1  }
0x343: {  	v1 =	vld [tilespmem:s1+$0x18F00]  }
0x344: {  	v2 =	vld [tilespmem:s1+$0x18F20];
	_ =	sdelay $0x4  }
0x345: {  	v3 =	vld [tilespmem:s1+$0x18F30]  }
0x346: {  	v4 =	vld [tilespmem:s1+$0x18FA0]  }
0x347: {  	v1 =	vld.idx.msk [tilespmem:v1+s4+$0x0], $0xffff  }
0x348: {  	v2 =	vld.idx.msk [tilespmem:v2+s4+$0x0], $0xffff;
	_ =	sdelay $0x1  }
0x349: {  	v6 =	vld [tilespmem:s1+$0x18F10]  }
0x34a: {  	s15 =	sand.u32 $0xFFFFFC00, s5;
	v7 =	vld [tilespmem:s1+$0x18FB0]  }
0x34b: {  	s3 =	sadd.s32 $0x0, s15;
	v8 =	vld [tilespmem:s1+$0x19020];
	[tilespmem:s1+$0x19F00] =	vst v1  }
0x34c: {  	s0 =	sor.u32 $0x80, s3;
	[tilespmem:s1+$0x19F20] =	vst v2;
	v2 =	vld.idx.msk [tilespmem:v3+s4+$0x0], $0xffff  }
0x34d: {  	v1 =	vld [tilespmem:s0+$0x18F00]  }
0x34e: {  	v3 =	vld.idx.msk [tilespmem:v4+s4+$0x0], $0xffff  }
0x34f: {  	v4 =	vld [tilespmem:s1+$0x18F90]  }
0x350: {  	v5 =	vld [tilespmem:s1+$0x19030]  }
0x351: {  	v6 =	vld.idx.msk [tilespmem:v6+s4+$0x0], $0xffff  }
0x352: {  	v9 =	vld [tilespmem:s1+$0x190A0];
	[tilespmem:s1+$0x19F30] =	vst v2  }
0x353: {  	[tilespmem:s1+$0x19FA0] =	vst v3;
	v2 =	vld.idx.msk [tilespmem:v7+s4+$0x0], $0xffff  }
0x354: {  	v3 =	vld.idx.msk [tilespmem:v8+s4+$0x0], $0xffff  }
0x355: {  	v7 =	vld [tilespmem:s1+$0x19010]  }
0x356: {  	[tilespmem:s1+$0x19F10] =	vst v6;
	v1 =	vld.idx.msk [tilespmem:v1+s4+$0x0], $0xffff  }
0x357: {  	v4 =	vld.idx.msk [tilespmem:v4+s4+$0x0], $0xffff  }
0x358: {  	v6 =	vld [tilespmem:s1+$0x190B0];
	[tilespmem:s1+$0x19FB0] =	vst v2  }
0x359: {  	[tilespmem:s1+$0x1A020] =	vst v3;
	v3 =	vld.idx.msk [tilespmem:v5+s4+$0x0], $0xffff  }
0x35a: {  	v5 =	vld [tilespmem:s1+$0x19090]  }
0x35b: {  	v2 =	vld.idx.msk [tilespmem:v9+s4+$0x0], $0xffff;
	[tilespmem:s0+$0x19F00] =	vst v1  }
0x35c: {  	p1 =	por $0x0, $0x0;
	s0 =	simm.s32 $0x1;
	[tilespmem:s1+$0x19F90] =	vst v4;
	v1 =	vld [tilespmem:s1+$0x19000]  }
0x35d: {  	s0 =	simm.s32 @!p1 $0x0;
	v4 =	vld.idx.msk [tilespmem:v7+s4+$0x0], $0xffff  }
0x35e: {  	s0 =	sshll.u32 s0, $0x6  }
0x35f: {  	s0 =	sadd.s32 $0x0, s0  }
0x360: {  	[tilespmem:s1+$0x1A030] =	vst v3;
	s6 =	sadd.s32 $0x20, s0  }
0x361: {  	[tilespmem:s1+$0x1A0A0] =	vst v2;
	v3 =	vld.idx.msk [tilespmem:v6+s4+$0x0], $0xffff;
	s9 =	sor.u32 $0x200, s6  }
0x362: {  	v2 =	vld [tilespmem:s9+$0x18F00];
	[tilespmem:s1+$0x1A010] =	vst v4  }
0x363: {  	v4 =	vld.idx.msk [tilespmem:v5+s4+$0x0], $0xffff;
	_ =	sdelay $0x1  }
0x364: {  	v1 =	vld.idx.msk [tilespmem:v1+s4+$0x0], $0xffff  }
0x365: {  	s7 =	sadd.s32 $0x30, s0  }
0x366: {  	s8 =	sadd.s32 $0x10, s0;
	s10 =	sor.u32 $0x200, s7;
	[tilespmem:s1+$0x1A0B0] =	vst v3  }
0x367: {  	s12 =	sor.u32 $0x200, s8;
	v3 =	vld [tilespmem:s10+$0x18F00];
	[tilespmem:s1+$0x1A090] =	vst v4  }
0x368: {  	s11 =	simm.s32 $0x200;
	s31 =	simm.s32 $0x40;
	v4 =	vld [tilespmem:s12+$0x18F00]  }
0x369: {  	s17 =	sand.u32 $0x40, s31;
	s13 =	sand.u32 $0x400, s11;
	s3 =	sor.u32 $0x180, s3;
	[tilespmem:s1+$0x1A000] =	vst v1;
	v2 =	vld.idx.msk [tilespmem:v2+s4+$0x0], $0xffff  }
0x36a: {  	s1 =	sor.u32 s17, s13;
	v1 =	vld [tilespmem:s3+$0x18F00]  }
0x36b: {  	v5 =	vld [tilespmem:s1+$0x19030]  }
0x36c: {  	v6 =	vld [tilespmem:s1+$0x18F20]  }
0x36d: {  	v7 =	vld [tilespmem:s1+$0x18F00]  }
0x36e: {  	v8 =	vld [tilespmem:s1+$0x18FA0]  }
0x36f: {  	v11 =	vld [tilespmem:s1+$0x18F10]  }
0x370: {  	v12 =	vld [tilespmem:s1+$0x18FB0]  }
0x371: {  	v14 =	vld [tilespmem:s1+$0x18F90]  }
0x372: {  	v3 =	vld.idx.msk [tilespmem:v3+s4+$0x0], $0xffff  }
0x373: {  	s22 =	sor.u32 $0x280, s6;
	[tilespmem:s9+$0x19F00] =	vst v2;
	v2 =	vld [tilespmem:s1+$0x19010]  }
0x374: {  	v10 =	vld [tilespmem:s22+$0x18F00]  }
0x375: {  	v1 =	vld.idx.msk [tilespmem:v1+s4+$0x0], $0xffff  }
0x376: {  	v4 =	vld.idx.msk [tilespmem:v4+s4+$0x0], $0xffff  }
0x377: {  	v6 =	vld.idx.msk [tilespmem:v6+s4+$0x0], $0xffff  }
0x378: {  	v7 =	vld.idx.msk [tilespmem:v7+s4+$0x0], $0xffff  }
0x379: {  	s24 =	sor.u32 $0x280, s7;
	[tilespmem:s10+$0x19F00] =	vst v3;
	v11 =	vld.idx.msk [tilespmem:v11+s4+$0x0], $0xffff  }
0x37a: {  	s19 =	sor.u32 $0x200, s0;
	v3 =	vld [tilespmem:s24+$0x18F00];
	[tilespmem:s3+$0x19F00] =	vst v1  }
0x37b: {  	v56 =	vld [tilespmem:s19+$0x18F00]  }
0x37c: {  	s11 =	sand.u32 $0xFFFFFC00, s11;
	v1 =	vld [tilespmem:s1+$0x18F30]  }
0x37d: {  	s23 =	sor.u32 $0x280, s8;
	s9 =	sadd.s32 $0x40, s11;
	[tilespmem:s12+$0x19F00] =	vst v4;
	v4 =	vld [tilespmem:s1+$0x19020]  }
0x37e: {  	s14 =	sor.u32 $0x80, s9;
	v13 =	vld [tilespmem:s23+$0x18F00];
	[tilespmem:s1+$0x19F00] =	vst v7  }
0x37f: {  	[tilespmem:s1+$0x19F20] =	vst v6;
	v57 =	vld [tilespmem:s14+$0x18F00]  }
0x380: {  	v6 =	vld.idx.msk [tilespmem:v8+s4+$0x0], $0xffff  }
0x381: {  	v7 =	vld [tilespmem:s1+$0x190A0]  }
0x382: {  	v10 =	vld.idx.msk [tilespmem:v10+s4+$0x0], $0xffff  }
0x383: {  	v8 =	vld.idx.msk [tilespmem:v56+s4+$0x0], $0xffff  }
0x384: {  	v1 =	vld.idx.msk [tilespmem:v1+s4+$0x0], $0xffff  }
0x385: {  	v3 =	vld.idx.msk [tilespmem:v3+s4+$0x0], $0xffff;
	[tilespmem:s1+$0x19FA0] =	vst v6  }
0x386: {  	v4 =	vld.idx.msk [tilespmem:v4+s4+$0x0], $0xffff  }
0x387: {  	v6 =	vld.idx.msk [tilespmem:v57+s4+$0x0], $0xffff  }
0x388: {  	s15 =	sor.u32 $0x280, s5;
	[tilespmem:s19+$0x19F00] =	vst v8;
	v8 =	vld.idx.msk [tilespmem:v13+s4+$0x0], $0xffff  }
0x389: {  	[tilespmem:s1+$0x19F30] =	vst v1;
	v58 =	vld [tilespmem:s15+$0x18F00]  }
0x38a: {  	v12 =	vld.idx.msk [tilespmem:v12+s4+$0x0], $0xffff  }
0x38b: {  	[tilespmem:s1+$0x1A020] =	vst v4;
	v1 =	vld [tilespmem:s1+$0x190B0]  }
0x38c: {  	v4 =	vld.idx.msk [tilespmem:v7+s4+$0x0], $0xffff;
	[tilespmem:s14+$0x19F00] =	vst v6  }
0x38d: {  	s17 =	sor.u32 $0x300, s8;
	v61 =	vld [tilespmem:s1+$0x19000];
	[tilespmem:s23+$0x19F00] =	vst v8  }
0x38e: {  	[tilespmem:s1+$0x19F10] =	vst v11;
	v59 =	vld [tilespmem:s17+$0x18F00]  }
0x38f: {  	v8 =	vld.idx.msk [tilespmem:v14+s4+$0x0], $0xffff;
	[tilespmem:s1+$0x19FB0] =	vst v12  }
0x390: {  	[tilespmem:s24+$0x19F00] =	vst v3;
	v3 =	vld.idx.msk [tilespmem:v5+s4+$0x0], $0xffff  }
0x391: {  	s19 =	sor.u32 $0x300, s7;
	v60 =	vld.idx.msk [tilespmem:v58+s4+$0x0], $0xffff  }
0x392: {  	v5 =	vld [tilespmem:s19+$0x18F00]  }
0x393: {  	s13 =	sor.u32 $0x300, s6;
	[tilespmem:s22+$0x19F00] =	vst v10;
	v7 =	vld [tilespmem:s1+$0x19090]  }
0x394: {  	v6 =	vld [tilespmem:s13+$0x18F00]  }
0x395: {  	p1 =	por !p1, !p1;
	s11 =	simm.s32 $0x1;
	v62 =	vld.idx.msk [tilespmem:v61+s4+$0x0], $0xffff  }
0x396: {  	s11 =	simm.s32 @!p1 $0x0;
	s22 =	sor.u32 $0x300, s0;
	[tilespmem:s15+$0x19F00] =	vst v60;
	v9 =	vld.idx.msk [tilespmem:v59+s4+$0x0], $0xffff  }
0x397: {  	s24 =	sshll.u32 s11, $0x6;
	[tilespmem:s1+$0x19F90] =	vst v8;
	v8 =	vld [tilespmem:s22+$0x18F00]  }
0x398: {  	s11 =	sadd.s32 $0x200, s24;
	v2 =	vld.idx.msk [tilespmem:v2+s4+$0x0], $0xffff;
	[tilespmem:s1+$0x1A030] =	vst v3  }
0x399: {  	s23 =	sadd.s32 $0x20, s11;
	v1 =	vld.idx.msk [tilespmem:v1+s4+$0x0], $0xffff  }
0x39a: {  	[tilespmem:s1+$0x1A0A0] =	vst v4;
	s15 =	sor.u32 $0x200, s23;
	v5 =	vld.idx.msk [tilespmem:v5+s4+$0x0], $0xffff  }
0x39b: {  	s24 =	sor.u32 $0x380, s8;
	v4 =	vld [tilespmem:s15+$0x18F00];
	[tilespmem:s17+$0x19F00] =	vst v9  }
0x39c: {  	v9 =	vld [tilespmem:s24+$0x18F00]  }
0x39d: {  	v63 =	vld.idx.msk [tilespmem:v6+s4+$0x0], $0xffff;
	[tilespmem:s1+$0x1A000] =	vst v62;
	s17 =	sor.u32 $0x180, s9  }
0x39e: {  	v6 =	vld [tilespmem:s17+$0x18F00]  }
0x39f: {  	s0 =	sadd.s32 $0x30, s11;
	[tilespmem:s1+$0x1A010] =	vst v2;
	v8 =	vld.idx.msk [tilespmem:v8+s4+$0x0], $0xffff  }
0x3a0: {  	[tilespmem:s1+$0x1A0B0] =	vst v1;
	v7 =	vld.idx.msk [tilespmem:v7+s4+$0x0], $0xffff;
	s9 =	sor.u32 $0x200, s0  }
0x3a1: {  	s14 =	sor.u32 $0x380, s7;
	[tilespmem:s19+$0x19F00] =	vst v5;
	v3 =	vld [tilespmem:s9+$0x18F00]  }
0x3a2: {  	v1 =	vld [tilespmem:s14+$0x18F00]  }
0x3a3: {  	v5 =	vld.idx.msk [tilespmem:v4+s4+$0x0], $0xffff  }
0x3a4: {  	s10 =	simm.s32 $0x400;
	s12 =	simm.s32 $0x240;
	s7 =	sor.u32 $0x380, s5;
	[tilespmem:s22+$0x19F00] =	vst v8;
	v2 =	vld.idx.msk [tilespmem:v9+s4+$0x0], $0xffff  }
0x3a5: {  	s8 =	simm.s32 $0x80;
	s5 =	sadd.s32 $0x10, s11;
	[tilespmem:s13+$0x19F00] =	vst v63;
	s19 =	sor.u32 $0x380, s6;
	v4 =	vld [tilespmem:s7+$0x18F00]  }
.LBB2_44:
0x3a6: {  	s31 =	sadd.s32 $0x40, s31;
	s3 =	sand.u32 $0xFFFFFC00, s10;
	s22 =	sor.u32 $0x200, s5;
	v8 =	vld [tilespmem:s19+$0x18F00]  }
0x3a7: {  	s6 =	sand.u32 $0x400, s10;
	s13 =	sadd.s32 s3, s8;
	s3 =	sand.u32 $0x40, s31;
	v6 =	vld.idx.msk [tilespmem:v6+s4+$0x0], $0xffff;
	[tilespmem:s1+$0x1A090] =	vst v7  }
0x3a8: {  	p2 =	slt.u32 s31, $0xC0;
	s1 =	sor.u32 s3, s6;
	v7 =	vld [tilespmem:s22+$0x18F00];
	[tilespmem:s15+$0x19F00] =	vst v5;
	s6 =	smov.u32 s23  }
0x3a9: {  	v5 =	vld [tilespmem:s1+$0x19030]  }
0x3aa: {  	v9 =	vld [tilespmem:s1+$0x18F20];
	[tilespmem:s24+$0x19F00] =	vst v2  }
0x3ab: {  	v1 =	vld.idx.msk [tilespmem:v1+s4+$0x0], $0xffff  }
0x3ac: {  	v2 =	vld [tilespmem:s1+$0x18F00]  }
0x3ad: {  	[tilespmem:s17+$0x19F00] =	vst v6;
	v4 =	vld.idx.msk [tilespmem:v4+s4+$0x0], $0xffff  }
0x3ae: {  	v6 =	vld.idx.msk [tilespmem:v8+s4+$0x0], $0xffff  }
0x3af: {  	v8 =	vld [tilespmem:s1+$0x18FA0]  }
0x3b0: {  	s3 =	sor.u32 $0x200, s11;
	v10 =	vld [tilespmem:s1+$0x18F30]  }
0x3b1: {  	v11 =	vld [tilespmem:s3+$0x18F00];
	[tilespmem:s14+$0x19F00] =	vst v1  }
0x3b2: {  	v1 =	vld.idx.msk [tilespmem:v7+s4+$0x0], $0xffff  }
0x3b3: {  	s14 =	sor.u32 $0x280, s6;
	v7 =	vld [tilespmem:s1+$0x19010];
	[tilespmem:s7+$0x19F00] =	vst v4  }
0x3b4: {  	v4 =	vld [tilespmem:s14+$0x18F00];
	[tilespmem:s19+$0x19F00] =	vst v6  }
0x3b5: {  	v3 =	vld.idx.msk [tilespmem:v3+s4+$0x0], $0xffff  }
0x3b6: {  	v6 =	vld [tilespmem:s1+$0x18F10]  }
0x3b7: {  	v9 =	vld.idx.msk [tilespmem:v9+s4+$0x0], $0xffff  }
0x3b8: {  	v12 =	vld [tilespmem:s1+$0x18FB0];
	[tilespmem:s22+$0x19F00] =	vst v1  }
0x3b9: {  	v1 =	vld.idx.msk [tilespmem:v2+s4+$0x0], $0xffff  }
0x3ba: {  	s7 =	sor.u32 $0x280, s5;
	v2 =	vld [tilespmem:s1+$0x19020]  }
0x3bb: {  	v13 =	vld [tilespmem:s7+$0x18F00];
	[tilespmem:s9+$0x19F00] =	vst v3;
	s9 =	sor.u32 $0x280, s0  }
0x3bc: {  	v3 =	vld [tilespmem:s9+$0x18F00]  }
0x3bd: {  	[tilespmem:s1+$0x19F20] =	vst v9;
	v9 =	vld.idx.msk [tilespmem:v10+s4+$0x0], $0xffff  }
0x3be: {  	v8 =	vld.idx.msk [tilespmem:v8+s4+$0x0], $0xffff  }
0x3bf: {  	v10 =	vld.idx.msk [tilespmem:v11+s4+$0x0], $0xffff  }
0x3c0: {  	s15 =	sor.u32 $0x80, s13;
	[tilespmem:s1+$0x19F00] =	vst v1;
	v1 =	vld [tilespmem:s1+$0x190A0]  }
0x3c1: {  	v11 =	vld [tilespmem:s15+$0x18F00]  }
0x3c2: {  	v4 =	vld.idx.msk [tilespmem:v4+s4+$0x0], $0xffff  }
0x3c3: {  	v14 =	vld [tilespmem:s1+$0x18F90]  }
0x3c4: {  	v6 =	vld.idx.msk [tilespmem:v6+s4+$0x0], $0xffff;
	[tilespmem:s1+$0x19FA0] =	vst v8  }
0x3c5: {  	[tilespmem:s3+$0x19F00] =	vst v10;
	s3 =	sor.u32 $0x280, s12;
	v8 =	vld.idx.msk [tilespmem:v13+s4+$0x0], $0xffff  }
0x3c6: {  	v10 =	vld [tilespmem:s3+$0x18F00]  }
0x3c7: {  	[tilespmem:s1+$0x19F30] =	vst v9;
	v9 =	vld [tilespmem:s1+$0x190B0]  }
0x3c8: {  	v12 =	vld.idx.msk [tilespmem:v12+s4+$0x0], $0xffff;
	[tilespmem:s14+$0x19F00] =	vst v4  }
0x3c9: {  	p1 =	por !p1, !p1;
	v4 =	vld.idx.msk [tilespmem:v11+s4+$0x0], $0xffff  }
0x3ca: {  	[tilespmem:s1+$0x19F10] =	vst v6;
	v2 =	vld.idx.msk [tilespmem:v2+s4+$0x0], $0xffff  }
0x3cb: {  	[tilespmem:s7+$0x19F00] =	vst v8;
	v3 =	vld.idx.msk [tilespmem:v3+s4+$0x0], $0xffff  }
0x3cc: {  	s14 =	sor.u32 $0x300, s5;
	v6 =	vld.idx.msk [tilespmem:v14+s4+$0x0], $0xffff  }
0x3cd: {  	v8 =	vld [tilespmem:s14+$0x18F00]  }
0x3ce: {  	s7 =	sor.u32 $0x300, s6;
	[tilespmem:s1+$0x19FB0] =	vst v12;
	v10 =	vld.idx.msk [tilespmem:v10+s4+$0x0], $0xffff  }
0x3cf: {  	[tilespmem:s15+$0x19F00] =	vst v4;
	v4 =	vld [tilespmem:s7+$0x18F00]  }
0x3d0: {  	v11 =	vld [tilespmem:s1+$0x19000];
	[tilespmem:s1+$0x1A020] =	vst v2  }
0x3d1: {  	v1 =	vld.idx.msk [tilespmem:v1+s4+$0x0], $0xffff;
	[tilespmem:s9+$0x19F00] =	vst v3  }
0x3d2: {  	s19 =	sor.u32 $0x300, s0;
	v2 =	vld.idx.msk [tilespmem:v5+s4+$0x0], $0xffff  }
0x3d3: {  	v3 =	vld [tilespmem:s19+$0x18F00]  }
0x3d4: {  	s9 =	simm.s32 $0x1;
	v5 =	vld [tilespmem:s1+$0x19090];
	[tilespmem:s3+$0x19F00] =	vst v10;
	s3 =	sor.u32 $0x300, s11  }
0x3d5: {  	s9 =	simm.s32 @!p1 $0x0;
	[tilespmem:s1+$0x19F90] =	vst v6;
	v6 =	vld.idx.msk [tilespmem:v8+s4+$0x0], $0xffff  }
0x3d6: {  	s9 =	sshll.u32 s9, $0x6;
	v8 =	vld [tilespmem:s3+$0x18F00]  }
0x3d7: {  	s11 =	sadd.s32 s9, s10;
	v7 =	vld.idx.msk [tilespmem:v7+s4+$0x0], $0xffff;
	[tilespmem:s1+$0x1A0A0] =	vst v1  }
0x3d8: {  	s23 =	sadd.s32 $0x20, s11;
	v1 =	vld.idx.msk [tilespmem:v11+s4+$0x0], $0xffff;
	[tilespmem:s1+$0x1A030] =	vst v2  }
0x3d9: {  	s15 =	sor.u32 $0x200, s23;
	v2 =	vld.idx.msk [tilespmem:v9+s4+$0x0], $0xffff  }
0x3da: {  	v9 =	vld [tilespmem:s15+$0x18F00]  }
0x3db: {  	s24 =	sor.u32 $0x380, s5;
	[tilespmem:s14+$0x19F00] =	vst v6;
	v10 =	vld.idx.msk [tilespmem:v3+s4+$0x0], $0xffff  }
0x3dc: {  	v11 =	vld [tilespmem:s24+$0x18F00]  }
0x3dd: {  	[tilespmem:s1+$0x1A010] =	vst v7;
	v4 =	vld.idx.msk [tilespmem:v4+s4+$0x0], $0xffff  }
0x3de: {  	s17 =	sor.u32 $0x180, s13;
	[tilespmem:s1+$0x1A000] =	vst v1;
	v8 =	vld.idx.msk [tilespmem:v8+s4+$0x0], $0xffff  }
0x3df: {  	s5 =	sadd.s32 $0x30, s11;
	v6 =	vld [tilespmem:s17+$0x18F00];
	[tilespmem:s1+$0x1A0B0] =	vst v2  }
0x3e0: {  	s9 =	sor.u32 $0x200, s5;
	v7 =	vld.idx.msk [tilespmem:v5+s4+$0x0], $0xffff  }
.Ltmp25:
0x3e1: {  	v3 =	vld [tilespmem:s9+$0x18F00];
	[tilespmem:s19+$0x19F00] =	vst v10;
	(pc) =	sbr.rel @p2 .LBB2_44-.Ltmp25, $4  }
0x3e2: {  	s14 =	sor.u32 $0x380, s0;
	s0 =	smov.u32 s5;
	v5 =	vld.idx.msk [tilespmem:v9+s4+$0x0], $0xffff  }
0x3e3: {  	[tilespmem:s7+$0x19F00] =	vst v4;
	v1 =	vld [tilespmem:s14+$0x18F00]  }
0x3e4: {  	s19 =	sor.u32 $0x380, s6;
	s7 =	sor.u32 $0x380, s12;
	s12 =	sadd.s32 $0x240, s12;
	[tilespmem:s3+$0x19F00] =	vst v8;
	v2 =	vld.idx.msk [tilespmem:v11+s4+$0x0], $0xffff  }
0x3e5: {  	s8 =	sadd.s32 $0x40, s8;
	s10 =	sadd.s32 $0x200, s10;
	s5 =	sadd.s32 $0x10, s11;
	v4 =	vld [tilespmem:s7+$0x18F00]  }
0x3e6: {  	_ =	sdelay $0x3  }
0x3e7: {  	v6 =	vld.idx.msk [tilespmem:v6+s4+$0x0], $0xffff;
	_ =	sdelay $0x3  }
0x3e8: {  	s3 =	sor.u32 $0x200, s5;
	[tilespmem:s1+$0x1A090] =	vst v7  }
0x3e9: {  	v7 =	vld [tilespmem:s3+$0x18F00];
	[tilespmem:s17+$0x19F00] =	vst v6;
	s17 =	sor.u32 $0x200, s11  }
0x3ea: {  	v6 =	vld [tilespmem:s17+$0x18F00];
	_ =	sdelay $0x4  }
0x3eb: {  	v3 =	vld.idx.msk [tilespmem:v3+s4+$0x0], $0xffff;
	_ =	sdelay $0x1  }
0x3ec: {  	v7 =	vld.idx.msk [tilespmem:v7+s4+$0x0], $0xffff  }
0x3ed: {  	v6 =	vld.idx.msk [tilespmem:v6+s4+$0x0], $0xffff;
	_ =	sdelay $0x1  }
0x3ee: {  	s6 =	sor.u32 $0x280, s0;
	[tilespmem:s9+$0x19F00] =	vst v3  }
0x3ef: {  	s8 =	sor.u32 $0x280, s23;
	[tilespmem:s15+$0x19F00] =	vst v5;
	v3 =	vld [tilespmem:s6+$0x18F00]  }
0x3f0: {  	s22 =	sor.u32 $0x280, s5;
	v63 =	vld [tilespmem:s8+$0x18F00];
	[tilespmem:s3+$0x19F00] =	vst v7  }
0x3f1: {  	s31 =	sor.u32 $0x280, s12;
	v7 =	vld [tilespmem:s22+$0x18F00];
	[tilespmem:s17+$0x19F00] =	vst v6  }
0x3f2: {  	v62 =	vld [tilespmem:s31+$0x18F00];
	_ =	sdelay $0x4  }
0x3f3: {  	v3 =	vld.idx.msk [tilespmem:v3+s4+$0x0], $0xffff  }
0x3f4: {  	v6 =	vld.idx.msk [tilespmem:v63+s4+$0x0], $0xffff  }
0x3f5: {  	v7 =	vld.idx.msk [tilespmem:v7+s4+$0x0], $0xffff  }
0x3f6: {  	v5 =	vld.idx.msk [tilespmem:v62+s4+$0x0], $0xffff;
	_ =	sdelay $0x1  }
0x3f7: {  	s10 =	sor.u32 $0x300, s0;
	[tilespmem:s6+$0x19F00] =	vst v3  }
0x3f8: {  	s13 =	sor.u32 $0x300, s23;
	v3 =	vld [tilespmem:s10+$0x18F00];
	[tilespmem:s8+$0x19F00] =	vst v6  }
0x3f9: {  	s9 =	sor.u32 $0x300, s5;
	v6 =	vld [tilespmem:s13+$0x18F00];
	[tilespmem:s22+$0x19F00] =	vst v7  }
0x3fa: {  	s11 =	sor.u32 $0x300, s11;
	v7 =	vld [tilespmem:s9+$0x18F00];
	[tilespmem:s31+$0x19F00] =	vst v5  }
0x3fb: {  	v5 =	vld [tilespmem:s11+$0x18F00];
	_ =	sdelay $0x4  }
0x3fc: {  	v3 =	vld.idx.msk [tilespmem:v3+s4+$0x0], $0xffff  }
0x3fd: {  	v6 =	vld.idx.msk [tilespmem:v6+s4+$0x0], $0xffff  }
0x3fe: {  	v7 =	vld.idx.msk [tilespmem:v7+s4+$0x0], $0xffff  }
0x3ff: {  	v5 =	vld.idx.msk [tilespmem:v5+s4+$0x0], $0xffff;
	_ =	sdelay $0x1  }
0x400: {  	v8 =	vld [tilespmem:s19+$0x18F00];
	s17 =	sor.u32 $0x380, s0;
	[tilespmem:s10+$0x19F00] =	vst v3  }
0x401: {  	s23 =	sor.u32 $0x380, s23;
	v3 =	vld [tilespmem:s17+$0x18F00];
	[tilespmem:s13+$0x19F00] =	vst v6  }
0x402: {  	s15 =	sor.u32 $0x380, s5;
	v6 =	vld [tilespmem:s23+$0x18F00];
	[tilespmem:s9+$0x19F00] =	vst v7  }
0x403: {  	s22 =	sor.u32 $0x380, s12;
	v7 =	vld [tilespmem:s15+$0x18F00];
	[tilespmem:s11+$0x19F00] =	vst v5  }
0x404: {  	v5 =	vld [tilespmem:s22+$0x18F00];
	_ =	sdelay $0x1  }
0x405: {  	v1 =	vld.idx.msk [tilespmem:v1+s4+$0x0], $0xffff  }
0x406: {  	v4 =	vld.idx.msk [tilespmem:v4+s4+$0x0], $0xffff  }
0x407: {  	v8 =	vld.idx.msk [tilespmem:v8+s4+$0x0], $0xffff  }
0x408: {  	[tilespmem:s24+$0x19F00] =	vst v2;
	v2 =	vld.idx.msk [tilespmem:v3+s4+$0x0], $0xffff  }
0x409: {  	v3 =	vld.idx.msk [tilespmem:v6+s4+$0x0], $0xffff  }
0x40a: {  	[tilespmem:s14+$0x19F00] =	vst v1;
	v7 =	vld.idx.msk [tilespmem:v7+s4+$0x0], $0xffff  }
0x40b: {  	[tilespmem:s7+$0x19F00] =	vst v4;
	v1 =	vld.idx.msk [tilespmem:v5+s4+$0x0], $0xffff  }
0x40c: {  	p1 =	seq.s32 s26, $0x31;
	s24 =	sand.u32 $0x1000, s29;
	[tilespmem:s19+$0x19F00] =	vst v8  }
.Ltmp26:
0x40d: {  	s29 =	sor.u32 s30, s24;
	[tilespmem:s17+$0x19F00] =	vst v2;
	(pc) =	sbr.rel @p1 .LBB2_47-.Ltmp26, $4  }
0x40e: {  	s30 =	sshrl.u32 s29, $0x3;
	[tilespmem:s23+$0x19F00] =	vst v3  }
0x40f: {  	s0 =	sadd.s32 s30, s2;
	[tilespmem:s15+$0x19F00] =	vst v7  }
0x410: {  	s0 =	sadd.s32 $0x100, s0;
	s31 =	simm.s32 $0x19F00;
	[tilespmem:s22+$0x19F00] =	vst v1  }
0x411: {  	[hbm4b:s0+s4] =	stream.linear.scatter [tilespmem:s31], [sflag:$0x4], $0x800, $0x38;
	[tilespmem:$0x1F900] =	vst v63  }
0x412: {  	s0 =	sshll.u32 s28, $0xB  }
.Ltmp27:
0x413: {  	s0 =	sadd.s32 $0x1800, s0;
	(pc) =	sbr.rel .LBB2_33-.Ltmp27, $4  }
0x414: {  	s3 =	rddreg [dreg:$0x3];
	s1 =	sand.u32 $0x7E000, s0  }
0x415: {  	s0 =	sand.u32 $0x1800, s0;
	s1 =	sadd.s32 s1, s3  }
0x416: {  	s31 =	simm.s32 $0x18F00;
	s26 =	sadd.s32 $0x1, s26;
	s0 =	sadd.s32 s0, s1  }
0x417: {  	[tilespmem:s31], [sflag:$0x2] =	stream.linear.gather [spmem:s0], $0x800, $0x38;
	[tilespmem:$0x1F900] =	vst v63  }
.LBB2_37:
0x418: {  	p2 =	sne.s32 s1, $0x0  }
.Ltmp28:
0x419: {  	_ = 	snop;
	(pc) =	sbr.rel @p2 .LBB2_39-.Ltmp28, $4  }
.Ltmp29:
0x41a: {  	_ = 	snop;
	(pc) =	sbr.rel @!p2 .LBB2_38-.Ltmp29, $4  }
0x41b: {  	_ = 	snop  }
0x41c: {  	_ = 	snop  }
0x41d: {  	_ = 	snop  }
0x41e: {  	_ = 	snop  }
.LBB2_48:
0x41f: {  	_ =	sfence.sel $0x180000  }
0x420: {  	[bflag:$0x0] =	sbarrier.arrive $0xFFFF  }
0x421: {  	_ =	strace $0x90000047  }
0x422: {  	[bflag:$0x2] =	sbarrier.arrive $0xFFFF  }
0x423: {  	s0 =	rddreg [dreg:$0x4]  }
0x424: {  	s0 =	sadd.s32 @!p0 $0x100000, s0  }
0x425: {  	[sflag:s0] =	ssyncadd.tile.s32 @!p0 $0x1;
	_ =	shalt  }
.Lfunc_end2:
_tile_overlayer_lowered:
.L_overlay_start_2:
0x426: {  	(tag) =	ssettag $0x2  }
0x427: {  	s0 =	rddreg [dreg:$0x0];
	s2 =	stileid.u32  }
0x428: {  	s1 =	rddreg [dreg:$0x1];
	p0 =	sne.s32 s2, $0x0  }
0x429: {  	s3 =	rddreg [dreg:$0x2];
	[bflag:$0x3] =	sbarrier.arrive $0xFFFF;
	s2 =	simm.s32 @!p0 $0x1C08  }
0x42a: {  	[timem:s3], [sflag:s2] =	dma.local @!p0 [hbm:s0], s1  }
0x42b: {  	s0 =	simm.s32 @!p0 $0x8  }
0x42c: {  	_ =	swait.ge @!p0 [sflag:s0], s1  }
0x42d: {  	s1 =	ssub.s32 @!p0 $0x0, s1;
	[sflag:s0] =	ssyncset.done @!p0 $0x0  }
0x42e: {  	[sflag:s0] =	ssyncadd.s32 @!p0 s1  }
0x42f: {  	[bflag:$0x3] =	sbarrier.arrive $0xFFFF  }
0x430: {  	_ =	shalt  }

</sc_bundles>
